<compile_context>
chip_gen: v7x
topology: tpu7x:2x2x1
jax: 0.10.2.dev20260603
libtpu: 0.0.44.dev20260713+nightly
codegen_flags: <defaults>
</compile_context>

<pallas_src>
import functools

import jax
import jax.numpy as jnp
from jax import lax
from jax.experimental import pallas as pl
from jax.experimental.pallas import tpu as pltpu
from jax.experimental.pallas import tpu_sc as plsc

NC = 2
NS = 16
NW = NC * NS
LANES = 16

N = 10000
F_IN = 128
H = 64
C_OUT = 8
E = 320000

NPAD = 10240
RPT = NPAD // NS
BLK = 128
EPT = 10240
NBLK = EPT // BLK
EPAD = EPT * NW
NBUF = 4
EPTS = (NBLK + NBUF) * BLK
ZR = 128
BR = 512


def _sc_mesh():
    return plsc.VectorSubcoreMesh(core_axis_name="c", subcore_axis_name="s")


def _degree_body(dst_hbm, out_hbm, dst_v, deg_l, acc16, res, sh):
    c = lax.axis_index("c")
    s = lax.axis_index("s")
    w = c * NS + s
    pltpu.sync_copy(dst_hbm.at[w], dst_v)

    zeros = jnp.zeros((LANES,), jnp.float32)

    def zero(k, _):
        deg_l[pl.ds(k * LANES, LANES)] = zeros
        return 0

    lax.fori_loop(0, NPAD // LANES, zero, 0)

    ones = jnp.ones((LANES,), jnp.float32)

    def acc(k, _):
        idx = dst_v[pl.ds(k * LANES, LANES)]
        plsc.addupdate_scatter(deg_l, [idx], ones)
        return 0

    lax.fori_loop(0, EPTS // LANES, acc, 0)

    pltpu.sync_copy(deg_l, sh.at[s])
    plsc.subcore_barrier()

    cpt = NPAD // NS
    for r in range(NS):
        pltpu.sync_copy(sh.at[r, pl.ds(s * cpt, cpt)], acc16.at[r])

    def red(k, _):
        a = acc16[0, pl.ds(k * LANES, LANES)]
        for r in range(1, NS):
            a = a + acc16[r, pl.ds(k * LANES, LANES)]
        res[pl.ds(k * LANES, LANES)] = a
        return 0

    lax.fori_loop(0, cpt // LANES, red, 0)
    pltpu.sync_copy(res, out_hbm.at[c, pl.ds(s * (NPAD // NS), NPAD // NS)])


def _sc_degree(dst_tiles):
    k = functools.partial(
        pl.kernel,
        out_type=jax.ShapeDtypeStruct((NC, NPAD), jnp.float32),
        mesh=_sc_mesh(),
        compiler_params=pltpu.CompilerParams(needs_layout_passes=False),
        scratch_types=[
            pltpu.VMEM((EPTS,), jnp.int32),
            pltpu.VMEM((NPAD,), jnp.float32),
            pltpu.VMEM((NS, NPAD // NS), jnp.float32),
            pltpu.VMEM((NPAD // NS,), jnp.float32),
            pltpu.VMEM_SHARED((NS, NPAD), jnp.float32),
        ],
    )(_degree_body)
    return k(dst_tiles)


def _agg_body(g_hbm, src_hbm, dst_hbm, out_hbm, src_v, dst_v,
              b0, b1, zbuf, g_sh, agg_sh, s0, s1):
    bufs = (b0, b1)
    sems = (s0, s1)
    c = lax.axis_index("c")
    s = lax.axis_index("s")
    w = c * NS + s
    pltpu.sync_copy(src_hbm.at[w], src_v)
    pltpu.sync_copy(dst_hbm.at[w], dst_v)

    zeros = jnp.zeros((LANES,), jnp.float32)

    def zero(r, _):
        for l in range(H // LANES):
            zbuf[r, pl.ds(l * LANES, LANES)] = zeros
        return 0

    lax.fori_loop(0, ZR, zero, 0)
    for q in range(RPT // ZR):
        pltpu.sync_copy(zbuf, agg_sh.at[pl.ds(s * RPT + q * ZR, ZR)])
    plsc.subcore_barrier()

    pltpu.sync_copy(g_hbm.at[pl.ds(s * RPT, RPT)],
                    g_sh.at[pl.ds(s * RPT, RPT)])
    plsc.subcore_barrier()

    def step(j2, _):
        j = 2 * j2
        cp0 = pltpu.async_copy(g_sh.at[src_v.at[j]], bufs[0], sems[0])
        cp1 = pltpu.async_copy(g_sh.at[src_v.at[j + 1]], bufs[1], sems[1])
        cp0.wait()
        pltpu.sync_copy(bufs[0], agg_sh.at[dst_v.at[j]], add=True)
        cp1.wait()
        pltpu.sync_copy(bufs[1], agg_sh.at[dst_v.at[j + 1]], add=True)
        return 0

    lax.fori_loop(0, NBLK // 2, step, 0)
    plsc.subcore_barrier()
    pltpu.sync_copy(agg_sh.at[pl.ds(s * RPT, RPT)],
                    out_hbm.at[c, pl.ds(s * RPT, RPT)])


def _sc_aggregate(g, src_tiles, dst_tiles):
    k = functools.partial(
        pl.kernel,
        out_type=jax.ShapeDtypeStruct((NC, NPAD, H), jnp.float32),
        mesh=_sc_mesh(),
        compiler_params=pltpu.CompilerParams(use_tc_tiling_on_sc=False),
        scratch_types=[
            pltpu.VMEM((NBLK + NBUF, BLK), jnp.int32),
            pltpu.VMEM((NBLK + NBUF, BLK), jnp.int32),
            pltpu.VMEM((BLK, H), jnp.float32),
            pltpu.VMEM((BLK, H), jnp.float32),
            pltpu.VMEM((ZR, H), jnp.float32),
            pltpu.VMEM_SHARED((NPAD, H), jnp.float32),
            pltpu.VMEM_SHARED((NPAD, H), jnp.float32),
            pltpu.SemaphoreType.DMA,
            pltpu.SemaphoreType.DMA,
        ],
    )(_agg_body)
    return k(g, src_tiles, dst_tiles)


def _tc1_body(x_ref, w_ref, d_ref, g_ref, dis_ref):
    p = jnp.dot(x_ref[...], w_ref[...], preferred_element_type=jnp.float32)
    deg = d_ref[0, :] + d_ref[1, :] + 1.0
    dis = lax.rsqrt(deg)
    g_ref[...] = p * dis[:, None]
    dis_ref[...] = dis


def _tc1(xu, W1, degp):
    return pl.pallas_call(
        _tc1_body,
        grid=(NPAD // BR,),
        in_specs=[
            pl.BlockSpec((BR, F_IN), lambda i: (i, 0)),
            pl.BlockSpec((F_IN, H), lambda i: (0, 0)),
            pl.BlockSpec((NC, BR), lambda i: (0, i)),
        ],
        out_specs=[
            pl.BlockSpec((BR, H), lambda i: (i, 0)),
            pl.BlockSpec((BR,), lambda i: (i,)),
        ],
        out_shape=[
            jax.ShapeDtypeStruct((NPAD, H), jnp.float32),
            jax.ShapeDtypeStruct((NPAD,), jnp.float32),
        ],
    )(xu, W1, degp)


def _tc2_body(a_ref, g_ref, dis_ref, w_ref, b_ref, o_ref):
    dis = dis_ref[...]
    h = a_ref[0] + a_ref[1] + g_ref[...]
    h = jnp.maximum(h * dis[:, None] + b_ref[...][None, :], 0.0)
    p = jnp.dot(h, w_ref[...], preferred_element_type=jnp.float32)
    o_ref[...] = p * dis[:, None]


def _tc2(agg, g1, dis, W2, b1):
    return pl.pallas_call(
        _tc2_body,
        grid=(NPAD // BR,),
        in_specs=[
            pl.BlockSpec((NC, BR, H), lambda i: (0, i, 0)),
            pl.BlockSpec((BR, H), lambda i: (i, 0)),
            pl.BlockSpec((BR,), lambda i: (i,)),
            pl.BlockSpec((H, H), lambda i: (0, 0)),
            pl.BlockSpec((H,), lambda i: (0,)),
        ],
        out_specs=pl.BlockSpec((BR, H), lambda i: (i, 0)),
        out_shape=jax.ShapeDtypeStruct((NPAD, H), jnp.float32),
    )(agg, g1, dis, W2, b1)


def _tc3_body(a_ref, g_ref, dis_ref, w_ref, b2_ref, bc_ref, o_ref):
    dis = dis_ref[...]
    h = a_ref[0] + a_ref[1] + g_ref[...]
    h = jnp.maximum(h * dis[:, None] + b2_ref[...][None, :], 0.0)
    t = jnp.dot(h, w_ref[...], preferred_element_type=jnp.float32)
    t = t + bc_ref[...][None, :]
    m = jnp.max(t, axis=1, keepdims=True)
    lse = m + jnp.log(jnp.sum(jnp.exp(t - m), axis=1, keepdims=True))
    o_ref[...] = t - lse


def _tc3(agg, g2, dis, Wc, b2, bc):
    return pl.pallas_call(
        _tc3_body,
        grid=(NPAD // BR,),
        in_specs=[
            pl.BlockSpec((NC, BR, H), lambda i: (0, i, 0)),
            pl.BlockSpec((BR, H), lambda i: (i, 0)),
            pl.BlockSpec((BR,), lambda i: (i,)),
            pl.BlockSpec((H, C_OUT), lambda i: (0, 0)),
            pl.BlockSpec((H,), lambda i: (0,)),
            pl.BlockSpec((C_OUT,), lambda i: (0,)),
        ],
        out_specs=pl.BlockSpec((BR, C_OUT), lambda i: (i, 0)),
        out_shape=jax.ShapeDtypeStruct((NPAD, C_OUT), jnp.float32),
    )(agg, g2, dis, Wc, b2, bc)


def kernel(x, edge_index, W1, b1, W2, b2, Wc, bc):
    ept_s = (NBLK + NBUF) * BLK
    src_tiles = jnp.pad(
        edge_index[0].reshape(NW, E // NW), ((0, 0), (0, ept_s - E // NW)),
        constant_values=N).reshape(NW, NBLK + NBUF, BLK)
    dst_tiles = jnp.pad(
        edge_index[1].reshape(NW, E // NW), ((0, 0), (0, ept_s - E // NW)),
        constant_values=N).reshape(NW, NBLK + NBUF, BLK)
    dst_tiles_flat = dst_tiles.reshape(NW, ept_s)

    degp = _sc_degree(dst_tiles_flat)
    g1, dis = _tc1(x, W1, degp)
    agg1 = _sc_aggregate(g1, src_tiles, dst_tiles)
    g2 = _tc2(agg1, g1, dis, W2, b1)
    agg2 = _sc_aggregate(g2, src_tiles, dst_tiles)
    logp = _tc3(agg2, g2, dis, Wc, b2, bc)
    return logp[:N]

# --- scband reference (transcript-rebuilt; emitter-appended) ---
"""Pipeline reference for scband-gcnclassifier-15522011808329 (READ-ONLY COPY).

The authoritative reference and input builder live on the scoring server;
editing this copy changes nothing except your own understanding.
"""

import jax, jax.numpy as jnp
import numpy as np

N = 10000
E = 320000
F_IN = 128
H = 64
C = 8


def setup_inputs(seed: int = 0) -> dict:
    key = jax.random.key(seed)
    ks = jax.random.split(key, 8)
    x = jax.random.normal(ks[0], (N, F_IN), dtype=jnp.float32)
    edge_index = jax.random.randint(ks[1], (2, E), 0, N, dtype=jnp.int32)
    W1 = jax.random.normal(ks[2], (F_IN, H), dtype=jnp.float32) * 0.05
    b1 = jnp.zeros((H,), dtype=jnp.float32)
    W2 = jax.random.normal(ks[3], (H, H), dtype=jnp.float32) * 0.05
    b2 = jnp.zeros((H,), dtype=jnp.float32)
    Wc = jax.random.normal(ks[4], (H, C), dtype=jnp.float32) * 0.05
    bc = jnp.zeros((C,), dtype=jnp.float32)
    return {"x": x, "edge_index": edge_index, "W1": W1, "b1": b1, "W2": W2, "b2": b2, "Wc": Wc, "bc": bc}


def _gcn_conv(x, src, dst, deg_inv_sqrt, W, b):
    h = x @ W
    norm = deg_inv_sqrt[src] * deg_inv_sqrt[dst]
    msgs = h[src] * norm[:, None]
    out = jnp.zeros((x.shape[0], W.shape[1]), dtype=x.dtype).at[dst].add(msgs)
    return out + b


def reference(x, edge_index, W1, b1, W2, b2, Wc, bc):
    n = x.shape[0]
    loop = jnp.arange(n, dtype=edge_index.dtype)
    src = jnp.concatenate([edge_index[0], loop])
    dst = jnp.concatenate([edge_index[1], loop])
    deg = jnp.zeros((n,), dtype=jnp.float32).at[dst].add(jnp.ones_like(dst, dtype=jnp.float32))
    deg_inv_sqrt = jnp.where(deg > 0, jax.lax.rsqrt(jnp.maximum(deg, 1e-12)), 0.0)
    h = _gcn_conv(x, src, dst, deg_inv_sqrt, W1, b1)
    h = jax.nn.relu(h)
    # dropout p=0.0 -> identity
    h = _gcn_conv(h, src, dst, deg_inv_sqrt, W2, b2)
    h = jax.nn.relu(h)
    logits = h @ Wc + bc
    return logits - jax.scipy.special.logsumexp(logits, axis=1, keepdims=True)

if __name__ == "__main__":
    import jax
    _d = setup_inputs()
    print(jax.jit(kernel)(*tuple(_d.values())))

</pallas_src>

<mosaic_0001>
#map = affine_map<(d0, d1) -> (0, 0)>
#map1 = affine_map<(d0, d1) -> (0, 0, 0)>
module attributes {stable_mosaic.version = 14 : i64} {
  func.func @_agg_body(%arg0: i32, %arg1: i32, %arg2: memref<10240x64xf32, #tpu.memory_space<hbm>>, %arg3: memref<32x84x128xi32, #tpu.memory_space<hbm>>, %arg4: memref<32x84x128xi32, #tpu.memory_space<hbm>>, %arg5: memref<2x10240x64xf32, #tpu.memory_space<hbm>>, %arg6: memref<84x128xi32, #tpu.memory_space<vmem>>, %arg7: memref<84x128xi32, #tpu.memory_space<vmem>>, %arg8: memref<128x64xf32, #tpu.memory_space<vmem>>, %arg9: memref<128x64xf32, #tpu.memory_space<vmem>>, %arg10: memref<128x64xf32, #tpu.memory_space<vmem>>, %arg11: memref<10240x64xf32, #tpu.memory_space<vmem_shared>>, %arg12: memref<10240x64xf32, #tpu.memory_space<vmem_shared>>, %arg13: memref<!tpu.dma_semaphore, #tpu.memory_space<semaphore_mem>>, %arg14: memref<!tpu.dma_semaphore, #tpu.memory_space<semaphore_mem>>) attributes {dimension_semantics = [#tpu.dimension_semantics<core_parallel>, #tpu.dimension_semantics<subcore_parallel>], iteration_bounds = array<i64: 2, 16>, scalar_prefetch = 0 : i64, scratch_operands = 9 : i64, tpu.core_type = #tpu.core_type<sc_vector_subcore>, window_params = [{transform_indices = #map}, {transform_indices = #map1}, {transform_indices = #map1}, {transform_indices = #map1}]} {
    %mul3A = arith.constant 16 : i32
    %mul3A_0 = arith.muli %arg0, %mul3A : i32
    %add3A = arith.addi %mul3A_0, %arg1 : i32
    "tpu.region"() ({
      %run_scoped3A = tpu.sem_alloc : memref<!tpu.dma_semaphore, #tpu.memory_space<semaphore_mem>>
      %dma_start3A = arith.constant 0 : i32
      %dma_start3A_45 = arith.constant 0 : i32
      %dma_start3A_46 = tpu.memref_slice %arg3[%add3A, %dma_start3A, %dma_start3A_45] : memref<32x84x128xi32, #tpu.memory_space<hbm>> -> memref<1x84x128xi32, #tpu.memory_space<hbm>>
      %dma_start3A_47 = tpu.memref_squeeze %dma_start3A_46 : memref<1x84x128xi32, #tpu.memory_space<hbm>> -> memref<84x128xi32, #tpu.memory_space<hbm>>
      %dma_start3A_48 = arith.constant 0 : i32
      %dma_start3A_49 = arith.constant 0 : i32
      %dma_start3A_50 = tpu.memref_slice %arg3[%add3A, %dma_start3A_48, %dma_start3A_49] : memref<32x84x128xi32, #tpu.memory_space<hbm>> -> memref<1x84x128xi32, #tpu.memory_space<hbm>>
      %dma_start3A_51 = tpu.memref_squeeze %dma_start3A_50 : memref<1x84x128xi32, #tpu.memory_space<hbm>> -> memref<84x128xi32, #tpu.memory_space<hbm>>
      tpu.enqueue_dma source(%dma_start3A_51 : memref<84x128xi32, #tpu.memory_space<hbm>>) target(%arg6 : memref<84x128xi32, #tpu.memory_space<vmem>>) target_semaphore(%run_scoped3A : memref<!tpu.dma_semaphore, #tpu.memory_space<semaphore_mem>>)
      %dma_wait3A = arith.constant 0 : i32
      %dma_wait3A_52 = arith.constant 0 : i32
      %dma_wait3A_53 = tpu.memref_slice %arg3[%add3A, %dma_wait3A, %dma_wait3A_52] : memref<32x84x128xi32, #tpu.memory_space<hbm>> -> memref<1x84x128xi32, #tpu.memory_space<hbm>>
      %dma_wait3A_54 = tpu.memref_squeeze %dma_wait3A_53 : memref<1x84x128xi32, #tpu.memory_space<hbm>> -> memref<84x128xi32, #tpu.memory_space<hbm>>
      %dma_wait3A_55 = arith.constant 0 : i32
      %dma_wait3A_56 = arith.constant 0 : i32
      %dma_wait3A_57 = tpu.memref_slice %arg3[%add3A, %dma_wait3A_55, %dma_wait3A_56] : memref<32x84x128xi32, #tpu.memory_space<hbm>> -> memref<1x84x128xi32, #tpu.memory_space<hbm>>
      %dma_wait3A_58 = tpu.memref_squeeze %dma_wait3A_57 : memref<1x84x128xi32, #tpu.memory_space<hbm>> -> memref<84x128xi32, #tpu.memory_space<hbm>>
      tpu.wait_dma2 semaphore(%run_scoped3A : memref<!tpu.dma_semaphore, #tpu.memory_space<semaphore_mem>>) src(%dma_wait3A_58 : memref<84x128xi32, #tpu.memory_space<hbm>>) dst(%arg6 : memref<84x128xi32, #tpu.memory_space<vmem>>)
      tpu.yield
    }) : () -> ()
    "tpu.region"() ({
      %run_scoped3A = tpu.sem_alloc : memref<!tpu.dma_semaphore, #tpu.memory_space<semaphore_mem>>
      %dma_start3A = arith.constant 0 : i32
      %dma_start3A_45 = arith.constant 0 : i32
      %dma_start3A_46 = tpu.memref_slice %arg4[%add3A, %dma_start3A, %dma_start3A_45] : memref<32x84x128xi32, #tpu.memory_space<hbm>> -> memref<1x84x128xi32, #tpu.memory_space<hbm>>
      %dma_start3A_47 = tpu.memref_squeeze %dma_start3A_46 : memref<1x84x128xi32, #tpu.memory_space<hbm>> -> memref<84x128xi32, #tpu.memory_space<hbm>>
      %dma_start3A_48 = arith.constant 0 : i32
      %dma_start3A_49 = arith.constant 0 : i32
      %dma_start3A_50 = tpu.memref_slice %arg4[%add3A, %dma_start3A_48, %dma_start3A_49] : memref<32x84x128xi32, #tpu.memory_space<hbm>> -> memref<1x84x128xi32, #tpu.memory_space<hbm>>
      %dma_start3A_51 = tpu.memref_squeeze %dma_start3A_50 : memref<1x84x128xi32, #tpu.memory_space<hbm>> -> memref<84x128xi32, #tpu.memory_space<hbm>>
      tpu.enqueue_dma source(%dma_start3A_51 : memref<84x128xi32, #tpu.memory_space<hbm>>) target(%arg7 : memref<84x128xi32, #tpu.memory_space<vmem>>) target_semaphore(%run_scoped3A : memref<!tpu.dma_semaphore, #tpu.memory_space<semaphore_mem>>)
      %dma_wait3A = arith.constant 0 : i32
      %dma_wait3A_52 = arith.constant 0 : i32
      %dma_wait3A_53 = tpu.memref_slice %arg4[%add3A, %dma_wait3A, %dma_wait3A_52] : memref<32x84x128xi32, #tpu.memory_space<hbm>> -> memref<1x84x128xi32, #tpu.memory_space<hbm>>
      %dma_wait3A_54 = tpu.memref_squeeze %dma_wait3A_53 : memref<1x84x128xi32, #tpu.memory_space<hbm>> -> memref<84x128xi32, #tpu.memory_space<hbm>>
      %dma_wait3A_55 = arith.constant 0 : i32
      %dma_wait3A_56 = arith.constant 0 : i32
      %dma_wait3A_57 = tpu.memref_slice %arg4[%add3A, %dma_wait3A_55, %dma_wait3A_56] : memref<32x84x128xi32, #tpu.memory_space<hbm>> -> memref<1x84x128xi32, #tpu.memory_space<hbm>>
      %dma_wait3A_58 = tpu.memref_squeeze %dma_wait3A_57 : memref<1x84x128xi32, #tpu.memory_space<hbm>> -> memref<84x128xi32, #tpu.memory_space<hbm>>
      tpu.wait_dma2 semaphore(%run_scoped3A : memref<!tpu.dma_semaphore, #tpu.memory_space<semaphore_mem>>) src(%dma_wait3A_58 : memref<84x128xi32, #tpu.memory_space<hbm>>) dst(%arg7 : memref<84x128xi32, #tpu.memory_space<vmem>>)
      tpu.yield
    }) : () -> ()
    %broadcast_in_dim3A = arith.constant 0.000000e+00 : f32
    %broadcast_in_dim3A_1 = vector.broadcast %broadcast_in_dim3A : f32 to vector<16xf32>
    %scan3A = arith.constant 0 : i32
    %scan3A_2 = arith.constant 0 : i32
    %scan3A_3 = arith.constant 128 : i32
    %scan3A_4 = arith.addi %scan3A_2, %scan3A_3 : i32
    %scan3A_5 = arith.constant 1 : i32
    %scan3A_6 = scf.for %scan3A_45 = %scan3A_2 to %scan3A_4 step %scan3A_5 iter_args(%scan3A_46 = %scan3A) -> (i32)  : i32 {
      %swap3A = arith.index_cast %scan3A_45 : i32 to index
      %swap3A_47 = arith.constant 0 : index
      %swap3A_48 = tpu.vector_load %arg10[%swap3A, %swap3A_47] {strides = array<i32>} : memref<128x64xf32, #tpu.memory_space<vmem>>, vector<1x16xf32>,
      %swap3A_49 = vector.shape_cast %swap3A_48 : vector<1x16xf32> to vector<16xf32>
      %swap3A_50 = vector.shape_cast %broadcast_in_dim3A_1 : vector<16xf32> to vector<1x16xf32>
      tpu.vector_store %arg10[%swap3A, %swap3A_47], %swap3A_50 {strides = array<i32>} : memref<128x64xf32, #tpu.memory_space<vmem>>, vector<1x16xf32>,
      %swap3A_51 = arith.index_cast %scan3A_45 : i32 to index
      %swap3A_52 = arith.constant 16 : index
      %swap3A_53 = tpu.vector_load %arg10[%swap3A_51, %swap3A_52] {strides = array<i32>} : memref<128x64xf32, #tpu.memory_space<vmem>>, vector<1x16xf32>,
      %swap3A_54 = vector.shape_cast %swap3A_53 : vector<1x16xf32> to vector<16xf32>
      %swap3A_55 = vector.shape_cast %broadcast_in_dim3A_1 : vector<16xf32> to vector<1x16xf32>
      tpu.vector_store %arg10[%swap3A_51, %swap3A_52], %swap3A_55 {strides = array<i32>} : memref<128x64xf32, #tpu.memory_space<vmem>>, vector<1x16xf32>,
      %swap3A_56 = arith.index_cast %scan3A_45 : i32 to index
      %swap3A_57 = arith.constant 32 : index
      %swap3A_58 = tpu.vector_load %arg10[%swap3A_56, %swap3A_57] {strides = array<i32>} : memref<128x64xf32, #tpu.memory_space<vmem>>, vector<1x16xf32>,
      %swap3A_59 = vector.shape_cast %swap3A_58 : vector<1x16xf32> to vector<16xf32>
      %swap3A_60 = vector.shape_cast %broadcast_in_dim3A_1 : vector<16xf32> to vector<1x16xf32>
      tpu.vector_store %arg10[%swap3A_56, %swap3A_57], %swap3A_60 {strides = array<i32>} : memref<128x64xf32, #tpu.memory_space<vmem>>, vector<1x16xf32>,
      %swap3A_61 = arith.index_cast %scan3A_45 : i32 to index
      %swap3A_62 = arith.constant 48 : index
      %swap3A_63 = tpu.vector_load %arg10[%swap3A_61, %swap3A_62] {strides = array<i32>} : memref<128x64xf32, #tpu.memory_space<vmem>>, vector<1x16xf32>,
      %swap3A_64 = vector.shape_cast %swap3A_63 : vector<1x16xf32> to vector<16xf32>
      %swap3A_65 = vector.shape_cast %broadcast_in_dim3A_1 : vector<16xf32> to vector<1x16xf32>
      tpu.vector_store %arg10[%swap3A_61, %swap3A_62], %swap3A_65 {strides = array<i32>} : memref<128x64xf32, #tpu.memory_space<vmem>>, vector<1x16xf32>,
      %scan3A_66 = arith.constant 0 : i32
      scf.yield %scan3A_66 : i32
    }
    %scan3A_7 = arith.constant 128 : i32
    %mul3A_8 = arith.constant 640 : i32
    %mul3A_9 = arith.muli %arg1, %mul3A_8 : i32
    %add3A_10 = arith.constant 0 : i32
    %add3A_11 = arith.addi %mul3A_9, %add3A_10 : i32
    "tpu.region"() ({
      %run_scoped3A = tpu.sem_alloc : memref<!tpu.dma_semaphore, #tpu.memory_space<semaphore_mem>>
      %dma_start3A = arith.constant 0 : i32
      %dma_start3A_45 = tpu.memref_slice %arg12[%add3A_11, %dma_start3A] : memref<10240x64xf32, #tpu.memory_space<vmem_shared>> -> memref<128x64xf32, #tpu.memory_space<vmem_shared>>
      %dma_start3A_46 = arith.constant 0 : i32
      %dma_start3A_47 = tpu.memref_slice %arg12[%add3A_11, %dma_start3A_46] : memref<10240x64xf32, #tpu.memory_space<vmem_shared>> -> memref<128x64xf32, #tpu.memory_space<vmem_shared>>
      tpu.enqueue_dma source(%arg10 : memref<128x64xf32, #tpu.memory_space<vmem>>) target(%dma_start3A_47 : memref<128x64xf32, #tpu.memory_space<vmem_shared>>) target_semaphore(%run_scoped3A : memref<!tpu.dma_semaphore, #tpu.memory_space<semaphore_mem>>)
      %dma_wait3A = arith.constant 0 : i32
      %dma_wait3A_48 = tpu.memref_slice %arg12[%add3A_11, %dma_wait3A] : memref<10240x64xf32, #tpu.memory_space<vmem_shared>> -> memref<128x64xf32, #tpu.memory_space<vmem_shared>>
      %dma_wait3A_49 = arith.constant 0 : i32
      %dma_wait3A_50 = tpu.memref_slice %arg12[%add3A_11, %dma_wait3A_49] : memref<10240x64xf32, #tpu.memory_space<vmem_shared>> -> memref<128x64xf32, #tpu.memory_space<vmem_shared>>
      tpu.wait_dma2 semaphore(%run_scoped3A : memref<!tpu.dma_semaphore, #tpu.memory_space<semaphore_mem>>) src(%arg10 : memref<128x64xf32, #tpu.memory_space<vmem>>) dst(%dma_wait3A_50 : memref<128x64xf32, #tpu.memory_space<vmem_shared>>)
      tpu.yield
    }) : () -> ()
    %mul3A_12 = arith.constant 640 : i32
    %mul3A_13 = arith.muli %arg1, %mul3A_12 : i32
    %add3A_14 = arith.constant 128 : i32
    %add3A_15 = arith.addi %mul3A_13, %add3A_14 : i32
    "tpu.region"() ({
      %run_scoped3A = tpu.sem_alloc : memref<!tpu.dma_semaphore, #tpu.memory_space<semaphore_mem>>
      %dma_start3A = arith.constant 0 : i32
      %dma_start3A_45 = tpu.memref_slice %arg12[%add3A_15, %dma_start3A] : memref<10240x64xf32, #tpu.memory_space<vmem_shared>> -> memref<128x64xf32, #tpu.memory_space<vmem_shared>>
      %dma_start3A_46 = arith.constant 0 : i32
      %dma_start3A_47 = tpu.memref_slice %arg12[%add3A_15, %dma_start3A_46] : memref<10240x64xf32, #tpu.memory_space<vmem_shared>> -> memref<128x64xf32, #tpu.memory_space<vmem_shared>>
      tpu.enqueue_dma source(%arg10 : memref<128x64xf32, #tpu.memory_space<vmem>>) target(%dma_start3A_47 : memref<128x64xf32, #tpu.memory_space<vmem_shared>>) target_semaphore(%run_scoped3A : memref<!tpu.dma_semaphore, #tpu.memory_space<semaphore_mem>>)
      %dma_wait3A = arith.constant 0 : i32
      %dma_wait3A_48 = tpu.memref_slice %arg12[%add3A_15, %dma_wait3A] : memref<10240x64xf32, #tpu.memory_space<vmem_shared>> -> memref<128x64xf32, #tpu.memory_space<vmem_shared>>
      %dma_wait3A_49 = arith.constant 0 : i32
      %dma_wait3A_50 = tpu.memref_slice %arg12[%add3A_15, %dma_wait3A_49] : memref<10240x64xf32, #tpu.memory_space<vmem_shared>> -> memref<128x64xf32, #tpu.memory_space<vmem_shared>>
      tpu.wait_dma2 semaphore(%run_scoped3A : memref<!tpu.dma_semaphore, #tpu.memory_space<semaphore_mem>>) src(%arg10 : memref<128x64xf32, #tpu.memory_space<vmem>>) dst(%dma_wait3A_50 : memref<128x64xf32, #tpu.memory_space<vmem_shared>>)
      tpu.yield
    }) : () -> ()
    %mul3A_16 = arith.constant 640 : i32
    %mul3A_17 = arith.muli %arg1, %mul3A_16 : i32
    %add3A_18 = arith.constant 256 : i32
    %add3A_19 = arith.addi %mul3A_17, %add3A_18 : i32
    "tpu.region"() ({
      %run_scoped3A = tpu.sem_alloc : memref<!tpu.dma_semaphore, #tpu.memory_space<semaphore_mem>>
      %dma_start3A = arith.constant 0 : i32
      %dma_start3A_45 = tpu.memref_slice %arg12[%add3A_19, %dma_start3A] : memref<10240x64xf32, #tpu.memory_space<vmem_shared>> -> memref<128x64xf32, #tpu.memory_space<vmem_shared>>
      %dma_start3A_46 = arith.constant 0 : i32
      %dma_start3A_47 = tpu.memref_slice %arg12[%add3A_19, %dma_start3A_46] : memref<10240x64xf32, #tpu.memory_space<vmem_shared>> -> memref<128x64xf32, #tpu.memory_space<vmem_shared>>
      tpu.enqueue_dma source(%arg10 : memref<128x64xf32, #tpu.memory_space<vmem>>) target(%dma_start3A_47 : memref<128x64xf32, #tpu.memory_space<vmem_shared>>) target_semaphore(%run_scoped3A : memref<!tpu.dma_semaphore, #tpu.memory_space<semaphore_mem>>)
      %dma_wait3A = arith.constant 0 : i32
      %dma_wait3A_48 = tpu.memref_slice %arg12[%add3A_19, %dma_wait3A] : memref<10240x64xf32, #tpu.memory_space<vmem_shared>> -> memref<128x64xf32, #tpu.memory_space<vmem_shared>>
      %dma_wait3A_49 = arith.constant 0 : i32
      %dma_wait3A_50 = tpu.memref_slice %arg12[%add3A_19, %dma_wait3A_49] : memref<10240x64xf32, #tpu.memory_space<vmem_shared>> -> memref<128x64xf32, #tpu.memory_space<vmem_shared>>
      tpu.wait_dma2 semaphore(%run_scoped3A : memref<!tpu.dma_semaphore, #tpu.memory_space<semaphore_mem>>) src(%arg10 : memref<128x64xf32, #tpu.memory_space<vmem>>) dst(%dma_wait3A_50 : memref<128x64xf32, #tpu.memory_space<vmem_shared>>)
      tpu.yield
    }) : () -> ()
    %mul3A_20 = arith.constant 640 : i32
    %mul3A_21 = arith.muli %arg1, %mul3A_20 : i32
    %add3A_22 = arith.constant 384 : i32
    %add3A_23 = arith.addi %mul3A_21, %add3A_22 : i32
    "tpu.region"() ({
      %run_scoped3A = tpu.sem_alloc : memref<!tpu.dma_semaphore, #tpu.memory_space<semaphore_mem>>
      %dma_start3A = arith.constant 0 : i32
      %dma_start3A_45 = tpu.memref_slice %arg12[%add3A_23, %dma_start3A] : memref<10240x64xf32, #tpu.memory_space<vmem_shared>> -> memref<128x64xf32, #tpu.memory_space<vmem_shared>>
      %dma_start3A_46 = arith.constant 0 : i32
      %dma_start3A_47 = tpu.memref_slice %arg12[%add3A_23, %dma_start3A_46] : memref<10240x64xf32, #tpu.memory_space<vmem_shared>> -> memref<128x64xf32, #tpu.memory_space<vmem_shared>>
      tpu.enqueue_dma source(%arg10 : memref<128x64xf32, #tpu.memory_space<vmem>>) target(%dma_start3A_47 : memref<128x64xf32, #tpu.memory_space<vmem_shared>>) target_semaphore(%run_scoped3A : memref<!tpu.dma_semaphore, #tpu.memory_space<semaphore_mem>>)
      %dma_wait3A = arith.constant 0 : i32
      %dma_wait3A_48 = tpu.memref_slice %arg12[%add3A_23, %dma_wait3A] : memref<10240x64xf32, #tpu.memory_space<vmem_shared>> -> memref<128x64xf32, #tpu.memory_space<vmem_shared>>
      %dma_wait3A_49 = arith.constant 0 : i32
      %dma_wait3A_50 = tpu.memref_slice %arg12[%add3A_23, %dma_wait3A_49] : memref<10240x64xf32, #tpu.memory_space<vmem_shared>> -> memref<128x64xf32, #tpu.memory_space<vmem_shared>>
      tpu.wait_dma2 semaphore(%run_scoped3A : memref<!tpu.dma_semaphore, #tpu.memory_space<semaphore_mem>>) src(%arg10 : memref<128x64xf32, #tpu.memory_space<vmem>>) dst(%dma_wait3A_50 : memref<128x64xf32, #tpu.memory_space<vmem_shared>>)
      tpu.yield
    }) : () -> ()
    %mul3A_24 = arith.constant 640 : i32
    %mul3A_25 = arith.muli %arg1, %mul3A_24 : i32
    %add3A_26 = arith.constant 512 : i32
    %add3A_27 = arith.addi %mul3A_25, %add3A_26 : i32
    "tpu.region"() ({
      %run_scoped3A = tpu.sem_alloc : memref<!tpu.dma_semaphore, #tpu.memory_space<semaphore_mem>>
      %dma_start3A = arith.constant 0 : i32
      %dma_start3A_45 = tpu.memref_slice %arg12[%add3A_27, %dma_start3A] : memref<10240x64xf32, #tpu.memory_space<vmem_shared>> -> memref<128x64xf32, #tpu.memory_space<vmem_shared>>
      %dma_start3A_46 = arith.constant 0 : i32
      %dma_start3A_47 = tpu.memref_slice %arg12[%add3A_27, %dma_start3A_46] : memref<10240x64xf32, #tpu.memory_space<vmem_shared>> -> memref<128x64xf32, #tpu.memory_space<vmem_shared>>
      tpu.enqueue_dma source(%arg10 : memref<128x64xf32, #tpu.memory_space<vmem>>) target(%dma_start3A_47 : memref<128x64xf32, #tpu.memory_space<vmem_shared>>) target_semaphore(%run_scoped3A : memref<!tpu.dma_semaphore, #tpu.memory_space<semaphore_mem>>)
      %dma_wait3A = arith.constant 0 : i32
      %dma_wait3A_48 = tpu.memref_slice %arg12[%add3A_27, %dma_wait3A] : memref<10240x64xf32, #tpu.memory_space<vmem_shared>> -> memref<128x64xf32, #tpu.memory_space<vmem_shared>>
      %dma_wait3A_49 = arith.constant 0 : i32
      %dma_wait3A_50 = tpu.memref_slice %arg12[%add3A_27, %dma_wait3A_49] : memref<10240x64xf32, #tpu.memory_space<vmem_shared>> -> memref<128x64xf32, #tpu.memory_space<vmem_shared>>
      tpu.wait_dma2 semaphore(%run_scoped3A : memref<!tpu.dma_semaphore, #tpu.memory_space<semaphore_mem>>) src(%arg10 : memref<128x64xf32, #tpu.memory_space<vmem>>) dst(%dma_wait3A_50 : memref<128x64xf32, #tpu.memory_space<vmem_shared>>)
      tpu.yield
    }) : () -> ()
    %barrier3A = arith.constant 0 : index
    tpu.barrier barrier_id(%barrier3A)
    %mul3A_28 = arith.constant 640 : i32
    %mul3A_29 = arith.muli %arg1, %mul3A_28 : i32
    %mul3A_30 = arith.constant 640 : i32
    %mul3A_31 = arith.muli %arg1, %mul3A_30 : i32
    "tpu.region"() ({
      %run_scoped3A = tpu.sem_alloc : memref<!tpu.dma_semaphore, #tpu.memory_space<semaphore_mem>>
      %dma_start3A = arith.constant 0 : i32
      %dma_start3A_45 = tpu.memref_slice %arg11[%mul3A_31, %dma_start3A] : memref<10240x64xf32, #tpu.memory_space<vmem_shared>> -> memref<640x64xf32, #tpu.memory_space<vmem_shared>>
      %dma_start3A_46 = arith.constant 0 : i32
      %dma_start3A_47 = tpu.memref_slice %arg2[%mul3A_29, %dma_start3A_46] : memref<10240x64xf32, #tpu.memory_space<hbm>> -> memref<640x64xf32, #tpu.memory_space<hbm>>
      tpu.enqueue_dma source(%dma_start3A_47 : memref<640x64xf32, #tpu.memory_space<hbm>>) target(%dma_start3A_45 : memref<640x64xf32, #tpu.memory_space<vmem_shared>>) target_semaphore(%run_scoped3A : memref<!tpu.dma_semaphore, #tpu.memory_space<semaphore_mem>>)
      %dma_wait3A = arith.constant 0 : i32
      %dma_wait3A_48 = tpu.memref_slice %arg11[%mul3A_31, %dma_wait3A] : memref<10240x64xf32, #tpu.memory_space<vmem_shared>> -> memref<640x64xf32, #tpu.memory_space<vmem_shared>>
      %dma_wait3A_49 = arith.constant 0 : i32
      %dma_wait3A_50 = tpu.memref_slice %arg2[%mul3A_29, %dma_wait3A_49] : memref<10240x64xf32, #tpu.memory_space<hbm>> -> memref<640x64xf32, #tpu.memory_space<hbm>>
      tpu.wait_dma2 semaphore(%run_scoped3A : memref<!tpu.dma_semaphore, #tpu.memory_space<semaphore_mem>>) src(%dma_wait3A_50 : memref<640x64xf32, #tpu.memory_space<hbm>>) dst(%dma_wait3A_48 : memref<640x64xf32, #tpu.memory_space<vmem_shared>>)
      tpu.yield
    }) : () -> ()
    %barrier3A_32 = arith.constant 0 : index
    tpu.barrier barrier_id(%barrier3A_32)
    %scan3A_33 = arith.constant 0 : i32
    %scan3A_34 = arith.constant 0 : i32
    %scan3A_35 = arith.constant 40 : i32
    %scan3A_36 = arith.addi %scan3A_34, %scan3A_35 : i32
    %scan3A_37 = arith.constant 1 : i32
    %scan3A_38 = scf.for %scan3A_45 = %scan3A_34 to %scan3A_36 step %scan3A_37 iter_args(%scan3A_46 = %scan3A_33) -> (i32)  : i32 {
      %mul3A_47 = arith.constant 2 : i32
      %mul3A_48 = arith.muli %mul3A_47, %scan3A_45 : i32
      %dma_start3A = arith.constant 0 : i32
      %dma_start3A_49 = tpu.memref_slice %arg6[%mul3A_48, %dma_start3A] : memref<84x128xi32, #tpu.memory_space<vmem>> -> memref<1x128xi32, #tpu.memory_space<vmem>>
      %dma_start3A_50 = tpu.memref_squeeze %dma_start3A_49 : memref<1x128xi32, #tpu.memory_space<vmem>> -> memref<128xi32, #tpu.memory_space<vmem>>
      %dma_start3A_51 = arith.constant 0 : i32
      %dma_start3A_52 = arith.constant 0 : i32
      %dma_start3A_53 = tpu.memref_slice %arg11[%dma_start3A_51, %dma_start3A_52] : memref<10240x64xf32, #tpu.memory_space<vmem_shared>> -> memref<10240x64xf32, #tpu.memory_space<vmem_shared>>
      tpu.enqueue_indirect_dma source(%dma_start3A_53 : memref<10240x64xf32, #tpu.memory_space<vmem_shared>>) target(%arg8 : memref<128x64xf32, #tpu.memory_space<vmem>>) offsets(%dma_start3A_50 : memref<128xi32, #tpu.memory_space<vmem>>) semaphore(%arg13 : memref<!tpu.dma_semaphore, #tpu.memory_space<semaphore_mem>>)
      %add3A_54 = arith.constant 1 : i32
      %add3A_55 = arith.addi %mul3A_48, %add3A_54 : i32
      %dma_start3A_56 = arith.constant 0 : i32
      %dma_start3A_57 = tpu.memref_slice %arg6[%add3A_55, %dma_start3A_56] : memref<84x128xi32, #tpu.memory_space<vmem>> -> memref<1x128xi32, #tpu.memory_space<vmem>>
      %dma_start3A_58 = tpu.memref_squeeze %dma_start3A_57 : memref<1x128xi32, #tpu.memory_space<vmem>> -> memref<128xi32, #tpu.memory_space<vmem>>
      %dma_start3A_59 = arith.constant 0 : i32
      %dma_start3A_60 = arith.constant 0 : i32
      %dma_start3A_61 = tpu.memref_slice %arg11[%dma_start3A_59, %dma_start3A_60] : memref<10240x64xf32, #tpu.memory_space<vmem_shared>> -> memref<10240x64xf32, #tpu.memory_space<vmem_shared>>
      tpu.enqueue_indirect_dma source(%dma_start3A_61 : memref<10240x64xf32, #tpu.memory_space<vmem_shared>>) target(%arg9 : memref<128x64xf32, #tpu.memory_space<vmem>>) offsets(%dma_start3A_58 : memref<128xi32, #tpu.memory_space<vmem>>) semaphore(%arg14 : memref<!tpu.dma_semaphore, #tpu.memory_space<semaphore_mem>>)
      %dma_wait3A = arith.constant 0 : i32
      %dma_wait3A_62 = tpu.memref_slice %arg6[%mul3A_48, %dma_wait3A] : memref<84x128xi32, #tpu.memory_space<vmem>> -> memref<1x128xi32, #tpu.memory_space<vmem>>
      %dma_wait3A_63 = tpu.memref_squeeze %dma_wait3A_62 : memref<1x128xi32, #tpu.memory_space<vmem>> -> memref<128xi32, #tpu.memory_space<vmem>>
      %dma_wait3A_64 = arith.constant 0 : i32
      %dma_wait3A_65 = arith.constant 0 : i32
      %dma_wait3A_66 = tpu.memref_slice %arg11[%dma_wait3A_64, %dma_wait3A_65] : memref<10240x64xf32, #tpu.memory_space<vmem_shared>> -> memref<10240x64xf32, #tpu.memory_space<vmem_shared>>
      tpu.wait_indirect_dma semaphore(%arg13 : memref<!tpu.dma_semaphore, #tpu.memory_space<semaphore_mem>>) src(%dma_wait3A_66 : memref<10240x64xf32, #tpu.memory_space<vmem_shared>>) dst(%arg8 : memref<128x64xf32, #tpu.memory_space<vmem>>)
      "tpu.region"() ({
        %run_scoped3A = tpu.sem_alloc : memref<!tpu.dma_semaphore, #tpu.memory_space<semaphore_mem>>
        %dma_start3A_76 = arith.constant 0 : i32
        %dma_start3A_77 = tpu.memref_slice %arg7[%mul3A_48, %dma_start3A_76] : memref<84x128xi32, #tpu.memory_space<vmem>> -> memref<1x128xi32, #tpu.memory_space<vmem>>
        %dma_start3A_78 = tpu.memref_squeeze %dma_start3A_77 : memref<1x128xi32, #tpu.memory_space<vmem>> -> memref<128xi32, #tpu.memory_space<vmem>>
        %dma_start3A_79 = arith.constant 0 : i32
        %dma_start3A_80 = arith.constant 0 : i32
        %dma_start3A_81 = tpu.memref_slice %arg12[%dma_start3A_79, %dma_start3A_80] : memref<10240x64xf32, #tpu.memory_space<vmem_shared>> -> memref<10240x64xf32, #tpu.memory_space<vmem_shared>>
        tpu.enqueue_indirect_dma source(%arg8 : memref<128x64xf32, #tpu.memory_space<vmem>>) target(%dma_start3A_81 : memref<10240x64xf32, #tpu.memory_space<vmem_shared>>) offsets(%dma_start3A_78 : memref<128xi32, #tpu.memory_space<vmem>>) semaphore(%run_scoped3A : memref<!tpu.dma_semaphore, #tpu.memory_space<semaphore_mem>>) {add = true}
        %dma_wait3A_82 = arith.constant 0 : i32
        %dma_wait3A_83 = tpu.memref_slice %arg7[%mul3A_48, %dma_wait3A_82] : memref<84x128xi32, #tpu.memory_space<vmem>> -> memref<1x128xi32, #tpu.memory_space<vmem>>
        %dma_wait3A_84 = tpu.memref_squeeze %dma_wait3A_83 : memref<1x128xi32, #tpu.memory_space<vmem>> -> memref<128xi32, #tpu.memory_space<vmem>>
        %dma_wait3A_85 = arith.constant 0 : i32
        %dma_wait3A_86 = arith.constant 0 : i32
        %dma_wait3A_87 = tpu.memref_slice %arg12[%dma_wait3A_85, %dma_wait3A_86] : memref<10240x64xf32, #tpu.memory_space<vmem_shared>> -> memref<10240x64xf32, #tpu.memory_space<vmem_shared>>
        tpu.wait_indirect_dma semaphore(%run_scoped3A : memref<!tpu.dma_semaphore, #tpu.memory_space<semaphore_mem>>) src(%arg8 : memref<128x64xf32, #tpu.memory_space<vmem>>) dst(%dma_wait3A_87 : memref<10240x64xf32, #tpu.memory_space<vmem_shared>>)
        tpu.yield
      }) : () -> ()
      %dma_wait3A_67 = arith.constant 0 : i32
      %dma_wait3A_68 = tpu.memref_slice %arg6[%add3A_55, %dma_wait3A_67] : memref<84x128xi32, #tpu.memory_space<vmem>> -> memref<1x128xi32, #tpu.memory_space<vmem>>
      %dma_wait3A_69 = tpu.memref_squeeze %dma_wait3A_68 : memref<1x128xi32, #tpu.memory_space<vmem>> -> memref<128xi32, #tpu.memory_space<vmem>>
      %dma_wait3A_70 = arith.constant 0 : i32
      %dma_wait3A_71 = arith.constant 0 : i32
      %dma_wait3A_72 = tpu.memref_slice %arg11[%dma_wait3A_70, %dma_wait3A_71] : memref<10240x64xf32, #tpu.memory_space<vmem_shared>> -> memref<10240x64xf32, #tpu.memory_space<vmem_shared>>
      tpu.wait_indirect_dma semaphore(%arg14 : memref<!tpu.dma_semaphore, #tpu.memory_space<semaphore_mem>>) src(%dma_wait3A_72 : memref<10240x64xf32, #tpu.memory_space<vmem_shared>>) dst(%arg9 : memref<128x64xf32, #tpu.memory_space<vmem>>)
      %add3A_73 = arith.constant 1 : i32
      %add3A_74 = arith.addi %mul3A_48, %add3A_73 : i32
      "tpu.region"() ({
        %run_scoped3A = tpu.sem_alloc : memref<!tpu.dma_semaphore, #tpu.memory_space<semaphore_mem>>
        %dma_start3A_76 = arith.constant 0 : i32
        %dma_start3A_77 = tpu.memref_slice %arg7[%add3A_74, %dma_start3A_76] : memref<84x128xi32, #tpu.memory_space<vmem>> -> memref<1x128xi32, #tpu.memory_space<vmem>>
        %dma_start3A_78 = tpu.memref_squeeze %dma_start3A_77 : memref<1x128xi32, #tpu.memory_space<vmem>> -> memref<128xi32, #tpu.memory_space<vmem>>
        %dma_start3A_79 = arith.constant 0 : i32
        %dma_start3A_80 = arith.constant 0 : i32
        %dma_start3A_81 = tpu.memref_slice %arg12[%dma_start3A_79, %dma_start3A_80] : memref<10240x64xf32, #tpu.memory_space<vmem_shared>> -> memref<10240x64xf32, #tpu.memory_space<vmem_shared>>
        tpu.enqueue_indirect_dma source(%arg9 : memref<128x64xf32, #tpu.memory_space<vmem>>) target(%dma_start3A_81 : memref<10240x64xf32, #tpu.memory_space<vmem_shared>>) offsets(%dma_start3A_78 : memref<128xi32, #tpu.memory_space<vmem>>) semaphore(%run_scoped3A : memref<!tpu.dma_semaphore, #tpu.memory_space<semaphore_mem>>) {add = true}
        %dma_wait3A_82 = arith.constant 0 : i32
        %dma_wait3A_83 = tpu.memref_slice %arg7[%add3A_74, %dma_wait3A_82] : memref<84x128xi32, #tpu.memory_space<vmem>> -> memref<1x128xi32, #tpu.memory_space<vmem>>
        %dma_wait3A_84 = tpu.memref_squeeze %dma_wait3A_83 : memref<1x128xi32, #tpu.memory_space<vmem>> -> memref<128xi32, #tpu.memory_space<vmem>>
        %dma_wait3A_85 = arith.constant 0 : i32
        %dma_wait3A_86 = arith.constant 0 : i32
        %dma_wait3A_87 = tpu.memref_slice %arg12[%dma_wait3A_85, %dma_wait3A_86] : memref<10240x64xf32, #tpu.memory_space<vmem_shared>> -> memref<10240x64xf32, #tpu.memory_space<vmem_shared>>
        tpu.wait_indirect_dma semaphore(%run_scoped3A : memref<!tpu.dma_semaphore, #tpu.memory_space<semaphore_mem>>) src(%arg9 : memref<128x64xf32, #tpu.memory_space<vmem>>) dst(%dma_wait3A_87 : memref<10240x64xf32, #tpu.memory_space<vmem_shared>>)
        tpu.yield
      }) : () -> ()
      %scan3A_75 = arith.constant 0 : i32
      scf.yield %scan3A_75 : i32
    }
    %scan3A_39 = arith.constant 40 : i32
    %barrier3A_40 = arith.constant 0 : index
    tpu.barrier barrier_id(%barrier3A_40)
    %mul3A_41 = arith.constant 640 : i32
    %mul3A_42 = arith.muli %arg1, %mul3A_41 : i32
    %mul3A_43 = arith.constant 640 : i32
    %mul3A_44 = arith.muli %arg1, %mul3A_43 : i32
    "tpu.region"() ({
      %run_scoped3A = tpu.sem_alloc : memref<!tpu.dma_semaphore, #tpu.memory_space<semaphore_mem>>
      %dma_start3A = arith.constant 0 : i32
      %dma_start3A_45 = tpu.memref_slice %arg5[%arg0, %mul3A_44, %dma_start3A] : memref<2x10240x64xf32, #tpu.memory_space<hbm>> -> memref<1x640x64xf32, #tpu.memory_space<hbm>>
      %dma_start3A_46 = tpu.memref_squeeze %dma_start3A_45 : memref<1x640x64xf32, #tpu.memory_space<hbm>> -> memref<640x64xf32, #tpu.memory_space<hbm>>
      %dma_start3A_47 = arith.constant 0 : i32
      %dma_start3A_48 = tpu.memref_slice %arg12[%mul3A_42, %dma_start3A_47] : memref<10240x64xf32, #tpu.memory_space<vmem_shared>> -> memref<640x64xf32, #tpu.memory_space<vmem_shared>>
      tpu.enqueue_dma source(%dma_start3A_48 : memref<640x64xf32, #tpu.memory_space<vmem_shared>>) target(%dma_start3A_46 : memref<640x64xf32, #tpu.memory_space<hbm>>) target_semaphore(%run_scoped3A : memref<!tpu.dma_semaphore, #tpu.memory_space<semaphore_mem>>)
      %dma_wait3A = arith.constant 0 : i32
      %dma_wait3A_49 = tpu.memref_slice %arg5[%arg0, %mul3A_44, %dma_wait3A] : memref<2x10240x64xf32, #tpu.memory_space<hbm>> -> memref<1x640x64xf32, #tpu.memory_space<hbm>>
      %dma_wait3A_50 = tpu.memref_squeeze %dma_wait3A_49 : memref<1x640x64xf32, #tpu.memory_space<hbm>> -> memref<640x64xf32, #tpu.memory_space<hbm>>
      %dma_wait3A_51 = arith.constant 0 : i32
      %dma_wait3A_52 = tpu.memref_slice %arg12[%mul3A_42, %dma_wait3A_51] : memref<10240x64xf32, #tpu.memory_space<vmem_shared>> -> memref<640x64xf32, #tpu.memory_space<vmem_shared>>
      tpu.wait_dma2 semaphore(%run_scoped3A : memref<!tpu.dma_semaphore, #tpu.memory_space<semaphore_mem>>) src(%dma_wait3A_52 : memref<640x64xf32, #tpu.memory_space<vmem_shared>>) dst(%dma_wait3A_50 : memref<640x64xf32, #tpu.memory_space<hbm>>)
      tpu.yield
    }) : () -> ()
    return
  }
}

#map = affine_map<(d0, d1) -> (0, 0)>
module attributes {stable_mosaic.version = 14 : i64} {
  func.func @_degree_body(%arg0: i32, %arg1: i32, %arg2: memref<32x10752xi32, #tpu.memory_space<hbm>>, %arg3: memref<2x10240xf32, #tpu.memory_space<hbm>>, %arg4: memref<10752xi32, #tpu.memory_space<vmem>>, %arg5: memref<10240xf32, #tpu.memory_space<vmem>>, %arg6: memref<16x640xf32, #tpu.memory_space<vmem>>, %arg7: memref<640xf32, #tpu.memory_space<vmem>>, %arg8: memref<16x10240xf32, #tpu.memory_space<vmem_shared>>) attributes {dimension_semantics = [#tpu.dimension_semantics<core_parallel>, #tpu.dimension_semantics<subcore_parallel>], iteration_bounds = array<i64: 2, 16>, scalar_prefetch = 0 : i64, scratch_operands = 5 : i64, tpu.core_type = #tpu.core_type<sc_vector_subcore>, window_params = [{transform_indices = #map}, {transform_indices = #map}]} {
    %mul3A = arith.constant 16 : i32
    %mul3A_0 = arith.muli %arg0, %mul3A : i32
    %add3A = arith.addi %mul3A_0, %arg1 : i32
    "tpu.region"() ({
      %run_scoped3A_89 = tpu.sem_alloc : memref<!tpu.dma_semaphore, #tpu.memory_space<semaphore_mem>>
      %dma_start3A = arith.constant 0 : i32
      %dma_start3A_90 = tpu.memref_slice %arg2[%add3A, %dma_start3A] : memref<32x10752xi32, #tpu.memory_space<hbm>> -> memref<1x10752xi32, #tpu.memory_space<hbm>>
      %dma_start3A_91 = tpu.memref_squeeze %dma_start3A_90 : memref<1x10752xi32, #tpu.memory_space<hbm>> -> memref<10752xi32, #tpu.memory_space<hbm>>
      %dma_start3A_92 = arith.constant 0 : i32
      %dma_start3A_93 = tpu.memref_slice %arg2[%add3A, %dma_start3A_92] : memref<32x10752xi32, #tpu.memory_space<hbm>> -> memref<1x10752xi32, #tpu.memory_space<hbm>>
      %dma_start3A_94 = tpu.memref_squeeze %dma_start3A_93 : memref<1x10752xi32, #tpu.memory_space<hbm>> -> memref<10752xi32, #tpu.memory_space<hbm>>
      tpu.enqueue_dma source(%dma_start3A_94 : memref<10752xi32, #tpu.memory_space<hbm>>) target(%arg4 : memref<10752xi32, #tpu.memory_space<vmem>>) target_semaphore(%run_scoped3A_89 : memref<!tpu.dma_semaphore, #tpu.memory_space<semaphore_mem>>)
      %dma_wait3A = arith.constant 0 : i32
      %dma_wait3A_95 = tpu.memref_slice %arg2[%add3A, %dma_wait3A] : memref<32x10752xi32, #tpu.memory_space<hbm>> -> memref<1x10752xi32, #tpu.memory_space<hbm>>
      %dma_wait3A_96 = tpu.memref_squeeze %dma_wait3A_95 : memref<1x10752xi32, #tpu.memory_space<hbm>> -> memref<10752xi32, #tpu.memory_space<hbm>>
      %dma_wait3A_97 = arith.constant 0 : i32
      %dma_wait3A_98 = tpu.memref_slice %arg2[%add3A, %dma_wait3A_97] : memref<32x10752xi32, #tpu.memory_space<hbm>> -> memref<1x10752xi32, #tpu.memory_space<hbm>>
      %dma_wait3A_99 = tpu.memref_squeeze %dma_wait3A_98 : memref<1x10752xi32, #tpu.memory_space<hbm>> -> memref<10752xi32, #tpu.memory_space<hbm>>
      tpu.wait_dma2 semaphore(%run_scoped3A_89 : memref<!tpu.dma_semaphore, #tpu.memory_space<semaphore_mem>>) src(%dma_wait3A_99 : memref<10752xi32, #tpu.memory_space<hbm>>) dst(%arg4 : memref<10752xi32, #tpu.memory_space<vmem>>)
      tpu.yield
    }) : () -> ()
    %broadcast_in_dim3A = arith.constant 0.000000e+00 : f32
    %broadcast_in_dim3A_1 = vector.broadcast %broadcast_in_dim3A : f32 to vector<16xf32>
    %scan3A = arith.constant 0 : i32
    %scan3A_2 = arith.constant 0 : i32
    %scan3A_3 = arith.constant 640 : i32
    %scan3A_4 = arith.addi %scan3A_2, %scan3A_3 : i32
    %scan3A_5 = arith.constant 1 : i32
    %scan3A_6 = scf.for %scan3A_89 = %scan3A_2 to %scan3A_4 step %scan3A_5 iter_args(%scan3A_90 = %scan3A) -> (i32)  : i32 {
      %mul3A_91 = arith.constant 16 : i32
      %mul3A_92 = arith.muli %scan3A_89, %mul3A_91 : i32
      %swap3A = arith.index_cast %mul3A_92 : i32 to index
      %swap3A_93 = tpu.vector_load %arg5[%swap3A] {strides = array<i32>} : memref<10240xf32, #tpu.memory_space<vmem>>, vector<16xf32>,
      tpu.vector_store %arg5[%swap3A], %broadcast_in_dim3A_1 {strides = array<i32>} : memref<10240xf32, #tpu.memory_space<vmem>>, vector<16xf32>,
      %scan3A_94 = arith.constant 0 : i32
      scf.yield %scan3A_94 : i32
    }
    %scan3A_7 = arith.constant 640 : i32
    %broadcast_in_dim3A_8 = arith.constant 1.000000e+00 : f32
    %broadcast_in_dim3A_9 = vector.broadcast %broadcast_in_dim3A_8 : f32 to vector<16xf32>
    %scan3A_10 = arith.constant 0 : i32
    %scan3A_11 = arith.constant 0 : i32
    %scan3A_12 = arith.constant 672 : i32
    %scan3A_13 = arith.addi %scan3A_11, %scan3A_12 : i32
    %scan3A_14 = arith.constant 1 : i32
    %scan3A_15 = scf.for %scan3A_89 = %scan3A_11 to %scan3A_13 step %scan3A_14 iter_args(%scan3A_90 = %scan3A_10) -> (i32)  : i32 {
      %mul3A_91 = arith.constant 16 : i32
      %mul3A_92 = arith.muli %scan3A_89, %mul3A_91 : i32
      %get3A = arith.index_cast %mul3A_92 : i32 to index
      %get3A_93 = tpu.vector_load %arg4[%get3A] {strides = array<i32>} : memref<10752xi32, #tpu.memory_space<vmem>>, vector<16xi32>,
      tpu.vector_store_idx %arg5[%get3A_93], %broadcast_in_dim3A_9 {add = true} : memref<10240xf32, #tpu.memory_space<vmem>>[vector<16xi32>], vector<16xf32>,
      %scan3A_94 = arith.constant 0 : i32
      scf.yield %scan3A_94 : i32
    }
    %scan3A_16 = arith.constant 672 : i32
    "tpu.region"() ({
      %run_scoped3A_89 = tpu.sem_alloc : memref<!tpu.dma_semaphore, #tpu.memory_space<semaphore_mem>>
      %dma_start3A = arith.constant 0 : i32
      %dma_start3A_90 = tpu.memref_slice %arg8[%arg1, %dma_start3A] : memref<16x10240xf32, #tpu.memory_space<vmem_shared>> -> memref<1x10240xf32, #tpu.memory_space<vmem_shared>>
      %dma_start3A_91 = tpu.memref_squeeze %dma_start3A_90 : memref<1x10240xf32, #tpu.memory_space<vmem_shared>> -> memref<10240xf32, #tpu.memory_space<vmem_shared>>
      %dma_start3A_92 = arith.constant 0 : i32
      %dma_start3A_93 = tpu.memref_slice %arg8[%arg1, %dma_start3A_92] : memref<16x10240xf32, #tpu.memory_space<vmem_shared>> -> memref<1x10240xf32, #tpu.memory_space<vmem_shared>>
      %dma_start3A_94 = tpu.memref_squeeze %dma_start3A_93 : memref<1x10240xf32, #tpu.memory_space<vmem_shared>> -> memref<10240xf32, #tpu.memory_space<vmem_shared>>
      tpu.enqueue_dma source(%arg5 : memref<10240xf32, #tpu.memory_space<vmem>>) target(%dma_start3A_94 : memref<10240xf32, #tpu.memory_space<vmem_shared>>) target_semaphore(%run_scoped3A_89 : memref<!tpu.dma_semaphore, #tpu.memory_space<semaphore_mem>>)
      %dma_wait3A = arith.constant 0 : i32
      %dma_wait3A_95 = tpu.memref_slice %arg8[%arg1, %dma_wait3A] : memref<16x10240xf32, #tpu.memory_space<vmem_shared>> -> memref<1x10240xf32, #tpu.memory_space<vmem_shared>>
      %dma_wait3A_96 = tpu.memref_squeeze %dma_wait3A_95 : memref<1x10240xf32, #tpu.memory_space<vmem_shared>> -> memref<10240xf32, #tpu.memory_space<vmem_shared>>
      %dma_wait3A_97 = arith.constant 0 : i32
      %dma_wait3A_98 = tpu.memref_slice %arg8[%arg1, %dma_wait3A_97] : memref<16x10240xf32, #tpu.memory_space<vmem_shared>> -> memref<1x10240xf32, #tpu.memory_space<vmem_shared>>
      %dma_wait3A_99 = tpu.memref_squeeze %dma_wait3A_98 : memref<1x10240xf32, #tpu.memory_space<vmem_shared>> -> memref<10240xf32, #tpu.memory_space<vmem_shared>>
      tpu.wait_dma2 semaphore(%run_scoped3A_89 : memref<!tpu.dma_semaphore, #tpu.memory_space<semaphore_mem>>) src(%arg5 : memref<10240xf32, #tpu.memory_space<vmem>>) dst(%dma_wait3A_99 : memref<10240xf32, #tpu.memory_space<vmem_shared>>)
      tpu.yield
    }) : () -> ()
    %barrier3A = arith.constant 0 : index
    tpu.barrier barrier_id(%barrier3A)
    %mul3A_17 = arith.constant 640 : i32
    %mul3A_18 = arith.muli %arg1, %mul3A_17 : i32
    %run_scoped3A = arith.constant 0 : i32
    %run_scoped3A_19 = arith.constant 0 : i32
    "tpu.region"() ({
      %run_scoped3A_89 = tpu.sem_alloc : memref<!tpu.dma_semaphore, #tpu.memory_space<semaphore_mem>>
      %dma_start3A = arith.constant 0 : i32
      %dma_start3A_90 = tpu.memref_slice %arg6[%run_scoped3A_19, %dma_start3A] : memref<16x640xf32, #tpu.memory_space<vmem>> -> memref<1x640xf32, #tpu.memory_space<vmem>>
      %dma_start3A_91 = tpu.memref_squeeze %dma_start3A_90 : memref<1x640xf32, #tpu.memory_space<vmem>> -> memref<640xf32, #tpu.memory_space<vmem>>
      %dma_start3A_92 = tpu.memref_slice %arg8[%run_scoped3A, %mul3A_18] : memref<16x10240xf32, #tpu.memory_space<vmem_shared>> -> memref<1x640xf32, #tpu.memory_space<vmem_shared>>
      %dma_start3A_93 = tpu.memref_squeeze %dma_start3A_92 : memref<1x640xf32, #tpu.memory_space<vmem_shared>> -> memref<640xf32, #tpu.memory_space<vmem_shared>>
      %dma_start3A_94 = arith.constant 0 : i32
      %dma_start3A_95 = tpu.memref_slice %arg6[%run_scoped3A_19, %dma_start3A_94] : memref<16x640xf32, #tpu.memory_space<vmem>> -> memref<1x640xf32, #tpu.memory_space<vmem>>
      %dma_start3A_96 = tpu.memref_squeeze %dma_start3A_95 : memref<1x640xf32, #tpu.memory_space<vmem>> -> memref<640xf32, #tpu.memory_space<vmem>>
      %dma_start3A_97 = tpu.memref_slice %arg8[%run_scoped3A, %mul3A_18] : memref<16x10240xf32, #tpu.memory_space<vmem_shared>> -> memref<1x640xf32, #tpu.memory_space<vmem_shared>>
      %dma_start3A_98 = tpu.memref_squeeze %dma_start3A_97 : memref<1x640xf32, #tpu.memory_space<vmem_shared>> -> memref<640xf32, #tpu.memory_space<vmem_shared>>
      tpu.enqueue_dma source(%dma_start3A_98 : memref<640xf32, #tpu.memory_space<vmem_shared>>) target(%dma_start3A_96 : memref<640xf32, #tpu.memory_space<vmem>>) target_semaphore(%run_scoped3A_89 : memref<!tpu.dma_semaphore, #tpu.memory_space<semaphore_mem>>)
      %dma_wait3A = arith.constant 0 : i32
      %dma_wait3A_99 = tpu.memref_slice %arg6[%run_scoped3A_19, %dma_wait3A] : memref<16x640xf32, #tpu.memory_space<vmem>> -> memref<1x640xf32, #tpu.memory_space<vmem>>
      %dma_wait3A_100 = tpu.memref_squeeze %dma_wait3A_99 : memref<1x640xf32, #tpu.memory_space<vmem>> -> memref<640xf32, #tpu.memory_space<vmem>>
      %dma_wait3A_101 = tpu.memref_slice %arg8[%run_scoped3A, %mul3A_18] : memref<16x10240xf32, #tpu.memory_space<vmem_shared>> -> memref<1x640xf32, #tpu.memory_space<vmem_shared>>
      %dma_wait3A_102 = tpu.memref_squeeze %dma_wait3A_101 : memref<1x640xf32, #tpu.memory_space<vmem_shared>> -> memref<640xf32, #tpu.memory_space<vmem_shared>>
      %dma_wait3A_103 = arith.constant 0 : i32
      %dma_wait3A_104 = tpu.memref_slice %arg6[%run_scoped3A_19, %dma_wait3A_103] : memref<16x640xf32, #tpu.memory_space<vmem>> -> memref<1x640xf32, #tpu.memory_space<vmem>>
      %dma_wait3A_105 = tpu.memref_squeeze %dma_wait3A_104 : memref<1x640xf32, #tpu.memory_space<vmem>> -> memref<640xf32, #tpu.memory_space<vmem>>
      %dma_wait3A_106 = tpu.memref_slice %arg8[%run_scoped3A, %mul3A_18] : memref<16x10240xf32, #tpu.memory_space<vmem_shared>> -> memref<1x640xf32, #tpu.memory_space<vmem_shared>>
      %dma_wait3A_107 = tpu.memref_squeeze %dma_wait3A_106 : memref<1x640xf32, #tpu.memory_space<vmem_shared>> -> memref<640xf32, #tpu.memory_space<vmem_shared>>
      tpu.wait_dma2 semaphore(%run_scoped3A_89 : memref<!tpu.dma_semaphore, #tpu.memory_space<semaphore_mem>>) src(%dma_wait3A_107 : memref<640xf32, #tpu.memory_space<vmem_shared>>) dst(%dma_wait3A_105 : memref<640xf32, #tpu.memory_space<vmem>>)
      tpu.yield
    }) : () -> ()
    %mul3A_20 = arith.constant 640 : i32
    %mul3A_21 = arith.muli %arg1, %mul3A_20 : i32
    %run_scoped3A_22 = arith.constant 1 : i32
    %run_scoped3A_23 = arith.constant 1 : i32
    "tpu.region"() ({
      %run_scoped3A_89 = tpu.sem_alloc : memref<!tpu.dma_semaphore, #tpu.memory_space<semaphore_mem>>
      %dma_start3A = arith.constant 0 : i32
      %dma_start3A_90 = tpu.memref_slice %arg6[%run_scoped3A_23, %dma_start3A] : memref<16x640xf32, #tpu.memory_space<vmem>> -> memref<1x640xf32, #tpu.memory_space<vmem>>
      %dma_start3A_91 = tpu.memref_squeeze %dma_start3A_90 : memref<1x640xf32, #tpu.memory_space<vmem>> -> memref<640xf32, #tpu.memory_space<vmem>>
      %dma_start3A_92 = tpu.memref_slice %arg8[%run_scoped3A_22, %mul3A_21] : memref<16x10240xf32, #tpu.memory_space<vmem_shared>> -> memref<1x640xf32, #tpu.memory_space<vmem_shared>>
      %dma_start3A_93 = tpu.memref_squeeze %dma_start3A_92 : memref<1x640xf32, #tpu.memory_space<vmem_shared>> -> memref<640xf32, #tpu.memory_space<vmem_shared>>
      %dma_start3A_94 = arith.constant 0 : i32
      %dma_start3A_95 = tpu.memref_slice %arg6[%run_scoped3A_23, %dma_start3A_94] : memref<16x640xf32, #tpu.memory_space<vmem>> -> memref<1x640xf32, #tpu.memory_space<vmem>>
      %dma_start3A_96 = tpu.memref_squeeze %dma_start3A_95 : memref<1x640xf32, #tpu.memory_space<vmem>> -> memref<640xf32, #tpu.memory_space<vmem>>
      %dma_start3A_97 = tpu.memref_slice %arg8[%run_scoped3A_22, %mul3A_21] : memref<16x10240xf32, #tpu.memory_space<vmem_shared>> -> memref<1x640xf32, #tpu.memory_space<vmem_shared>>
      %dma_start3A_98 = tpu.memref_squeeze %dma_start3A_97 : memref<1x640xf32, #tpu.memory_space<vmem_shared>> -> memref<640xf32, #tpu.memory_space<vmem_shared>>
      tpu.enqueue_dma source(%dma_start3A_98 : memref<640xf32, #tpu.memory_space<vmem_shared>>) target(%dma_start3A_96 : memref<640xf32, #tpu.memory_space<vmem>>) target_semaphore(%run_scoped3A_89 : memref<!tpu.dma_semaphore, #tpu.memory_space<semaphore_mem>>)
      %dma_wait3A = arith.constant 0 : i32
      %dma_wait3A_99 = tpu.memref_slice %arg6[%run_scoped3A_23, %dma_wait3A] : memref<16x640xf32, #tpu.memory_space<vmem>> -> memref<1x640xf32, #tpu.memory_space<vmem>>
      %dma_wait3A_100 = tpu.memref_squeeze %dma_wait3A_99 : memref<1x640xf32, #tpu.memory_space<vmem>> -> memref<640xf32, #tpu.memory_space<vmem>>
      %dma_wait3A_101 = tpu.memref_slice %arg8[%run_scoped3A_22, %mul3A_21] : memref<16x10240xf32, #tpu.memory_space<vmem_shared>> -> memref<1x640xf32, #tpu.memory_space<vmem_shared>>
      %dma_wait3A_102 = tpu.memref_squeeze %dma_wait3A_101 : memref<1x640xf32, #tpu.memory_space<vmem_shared>> -> memref<640xf32, #tpu.memory_space<vmem_shared>>
      %dma_wait3A_103 = arith.constant 0 : i32
      %dma_wait3A_104 = tpu.memref_slice %arg6[%run_scoped3A_23, %dma_wait3A_103] : memref<16x640xf32, #tpu.memory_space<vmem>> -> memref<1x640xf32, #tpu.memory_space<vmem>>
      %dma_wait3A_105 = tpu.memref_squeeze %dma_wait3A_104 : memref<1x640xf32, #tpu.memory_space<vmem>> -> memref<640xf32, #tpu.memory_space<vmem>>
      %dma_wait3A_106 = tpu.memref_slice %arg8[%run_scoped3A_22, %mul3A_21] : memref<16x10240xf32, #tpu.memory_space<vmem_shared>> -> memref<1x640xf32, #tpu.memory_space<vmem_shared>>
      %dma_wait3A_107 = tpu.memref_squeeze %dma_wait3A_106 : memref<1x640xf32, #tpu.memory_space<vmem_shared>> -> memref<640xf32, #tpu.memory_space<vmem_shared>>
      tpu.wait_dma2 semaphore(%run_scoped3A_89 : memref<!tpu.dma_semaphore, #tpu.memory_space<semaphore_mem>>) src(%dma_wait3A_107 : memref<640xf32, #tpu.memory_space<vmem_shared>>) dst(%dma_wait3A_105 : memref<640xf32, #tpu.memory_space<vmem>>)
      tpu.yield
    }) : () -> ()
    %mul3A_24 = arith.constant 640 : i32
    %mul3A_25 = arith.muli %arg1, %mul3A_24 : i32
    %run_scoped3A_26 = arith.constant 2 : i32
    %run_scoped3A_27 = arith.constant 2 : i32
    "tpu.region"() ({
      %run_scoped3A_89 = tpu.sem_alloc : memref<!tpu.dma_semaphore, #tpu.memory_space<semaphore_mem>>
      %dma_start3A = arith.constant 0 : i32
      %dma_start3A_90 = tpu.memref_slice %arg6[%run_scoped3A_27, %dma_start3A] : memref<16x640xf32, #tpu.memory_space<vmem>> -> memref<1x640xf32, #tpu.memory_space<vmem>>
      %dma_start3A_91 = tpu.memref_squeeze %dma_start3A_90 : memref<1x640xf32, #tpu.memory_space<vmem>> -> memref<640xf32, #tpu.memory_space<vmem>>
      %dma_start3A_92 = tpu.memref_slice %arg8[%run_scoped3A_26, %mul3A_25] : memref<16x10240xf32, #tpu.memory_space<vmem_shared>> -> memref<1x640xf32, #tpu.memory_space<vmem_shared>>
      %dma_start3A_93 = tpu.memref_squeeze %dma_start3A_92 : memref<1x640xf32, #tpu.memory_space<vmem_shared>> -> memref<640xf32, #tpu.memory_space<vmem_shared>>
      %dma_start3A_94 = arith.constant 0 : i32
      %dma_start3A_95 = tpu.memref_slice %arg6[%run_scoped3A_27, %dma_start3A_94] : memref<16x640xf32, #tpu.memory_space<vmem>> -> memref<1x640xf32, #tpu.memory_space<vmem>>
      %dma_start3A_96 = tpu.memref_squeeze %dma_start3A_95 : memref<1x640xf32, #tpu.memory_space<vmem>> -> memref<640xf32, #tpu.memory_space<vmem>>
      %dma_start3A_97 = tpu.memref_slice %arg8[%run_scoped3A_26, %mul3A_25] : memref<16x10240xf32, #tpu.memory_space<vmem_shared>> -> memref<1x640xf32, #tpu.memory_space<vmem_shared>>
      %dma_start3A_98 = tpu.memref_squeeze %dma_start3A_97 : memref<1x640xf32, #tpu.memory_space<vmem_shared>> -> memref<640xf32, #tpu.memory_space<vmem_shared>>
      tpu.enqueue_dma source(%dma_start3A_98 : memref<640xf32, #tpu.memory_space<vmem_shared>>) target(%dma_start3A_96 : memref<640xf32, #tpu.memory_space<vmem>>) target_semaphore(%run_scoped3A_89 : memref<!tpu.dma_semaphore, #tpu.memory_space<semaphore_mem>>)
      %dma_wait3A = arith.constant 0 : i32
      %dma_wait3A_99 = tpu.memref_slice %arg6[%run_scoped3A_27, %dma_wait3A] : memref<16x640xf32, #tpu.memory_space<vmem>> -> memref<1x640xf32, #tpu.memory_space<vmem>>
      %dma_wait3A_100 = tpu.memref_squeeze %dma_wait3A_99 : memref<1x640xf32, #tpu.memory_space<vmem>> -> memref<640xf32, #tpu.memory_space<vmem>>
      %dma_wait3A_101 = tpu.memref_slice %arg8[%run_scoped3A_26, %mul3A_25] : memref<16x10240xf32, #tpu.memory_space<vmem_shared>> -> memref<1x640xf32, #tpu.memory_space<vmem_shared>>
      %dma_wait3A_102 = tpu.memref_squeeze %dma_wait3A_101 : memref<1x640xf32, #tpu.memory_space<vmem_shared>> -> memref<640xf32, #tpu.memory_space<vmem_shared>>
      %dma_wait3A_103 = arith.constant 0 : i32
      %dma_wait3A_104 = tpu.memref_slice %arg6[%run_scoped3A_27, %dma_wait3A_103] : memref<16x640xf32, #tpu.memory_space<vmem>> -> memref<1x640xf32, #tpu.memory_space<vmem>>
      %dma_wait3A_105 = tpu.memref_squeeze %dma_wait3A_104 : memref<1x640xf32, #tpu.memory_space<vmem>> -> memref<640xf32, #tpu.memory_space<vmem>>
      %dma_wait3A_106 = tpu.memref_slice %arg8[%run_scoped3A_26, %mul3A_25] : memref<16x10240xf32, #tpu.memory_space<vmem_shared>> -> memref<1x640xf32, #tpu.memory_space<vmem_shared>>
      %dma_wait3A_107 = tpu.memref_squeeze %dma_wait3A_106 : memref<1x640xf32, #tpu.memory_space<vmem_shared>> -> memref<640xf32, #tpu.memory_space<vmem_shared>>
      tpu.wait_dma2 semaphore(%run_scoped3A_89 : memref<!tpu.dma_semaphore, #tpu.memory_space<semaphore_mem>>) src(%dma_wait3A_107 : memref<640xf32, #tpu.memory_space<vmem_shared>>) dst(%dma_wait3A_105 : memref<640xf32, #tpu.memory_space<vmem>>)
      tpu.yield
    }) : () -> ()
    %mul3A_28 = arith.constant 640 : i32
    %mul3A_29 = arith.muli %arg1, %mul3A_28 : i32
    %run_scoped3A_30 = arith.constant 3 : i32
    %run_scoped3A_31 = arith.constant 3 : i32
    "tpu.region"() ({
      %run_scoped3A_89 = tpu.sem_alloc : memref<!tpu.dma_semaphore, #tpu.memory_space<semaphore_mem>>
      %dma_start3A = arith.constant 0 : i32
      %dma_start3A_90 = tpu.memref_slice %arg6[%run_scoped3A_31, %dma_start3A] : memref<16x640xf32, #tpu.memory_space<vmem>> -> memref<1x640xf32, #tpu.memory_space<vmem>>
      %dma_start3A_91 = tpu.memref_squeeze %dma_start3A_90 : memref<1x640xf32, #tpu.memory_space<vmem>> -> memref<640xf32, #tpu.memory_space<vmem>>
      %dma_start3A_92 = tpu.memref_slice %arg8[%run_scoped3A_30, %mul3A_29] : memref<16x10240xf32, #tpu.memory_space<vmem_shared>> -> memref<1x640xf32, #tpu.memory_space<vmem_shared>>
      %dma_start3A_93 = tpu.memref_squeeze %dma_start3A_92 : memref<1x640xf32, #tpu.memory_space<vmem_shared>> -> memref<640xf32, #tpu.memory_space<vmem_shared>>
      %dma_start3A_94 = arith.constant 0 : i32
      %dma_start3A_95 = tpu.memref_slice %arg6[%run_scoped3A_31, %dma_start3A_94] : memref<16x640xf32, #tpu.memory_space<vmem>> -> memref<1x640xf32, #tpu.memory_space<vmem>>
      %dma_start3A_96 = tpu.memref_squeeze %dma_start3A_95 : memref<1x640xf32, #tpu.memory_space<vmem>> -> memref<640xf32, #tpu.memory_space<vmem>>
      %dma_start3A_97 = tpu.memref_slice %arg8[%run_scoped3A_30, %mul3A_29] : memref<16x10240xf32, #tpu.memory_space<vmem_shared>> -> memref<1x640xf32, #tpu.memory_space<vmem_shared>>
      %dma_start3A_98 = tpu.memref_squeeze %dma_start3A_97 : memref<1x640xf32, #tpu.memory_space<vmem_shared>> -> memref<640xf32, #tpu.memory_space<vmem_shared>>
      tpu.enqueue_dma source(%dma_start3A_98 : memref<640xf32, #tpu.memory_space<vmem_shared>>) target(%dma_start3A_96 : memref<640xf32, #tpu.memory_space<vmem>>) target_semaphore(%run_scoped3A_89 : memref<!tpu.dma_semaphore, #tpu.memory_space<semaphore_mem>>)
      %dma_wait3A = arith.constant 0 : i32
      %dma_wait3A_99 = tpu.memref_slice %arg6[%run_scoped3A_31, %dma_wait3A] : memref<16x640xf32, #tpu.memory_space<vmem>> -> memref<1x640xf32, #tpu.memory_space<vmem>>
      %dma_wait3A_100 = tpu.memref_squeeze %dma_wait3A_99 : memref<1x640xf32, #tpu.memory_space<vmem>> -> memref<640xf32, #tpu.memory_space<vmem>>
      %dma_wait3A_101 = tpu.memref_slice %arg8[%run_scoped3A_30, %mul3A_29] : memref<16x10240xf32, #tpu.memory_space<vmem_shared>> -> memref<1x640xf32, #tpu.memory_space<vmem_shared>>
      %dma_wait3A_102 = tpu.memref_squeeze %dma_wait3A_101 : memref<1x640xf32, #tpu.memory_space<vmem_shared>> -> memref<640xf32, #tpu.memory_space<vmem_shared>>
      %dma_wait3A_103 = arith.constant 0 : i32
      %dma_wait3A_104 = tpu.memref_slice %arg6[%run_scoped3A_31, %dma_wait3A_103] : memref<16x640xf32, #tpu.memory_space<vmem>> -> memref<1x640xf32, #tpu.memory_space<vmem>>
      %dma_wait3A_105 = tpu.memref_squeeze %dma_wait3A_104 : memref<1x640xf32, #tpu.memory_space<vmem>> -> memref<640xf32, #tpu.memory_space<vmem>>
      %dma_wait3A_106 = tpu.memref_slice %arg8[%run_scoped3A_30, %mul3A_29] : memref<16x10240xf32, #tpu.memory_space<vmem_shared>> -> memref<1x640xf32, #tpu.memory_space<vmem_shared>>
      %dma_wait3A_107 = tpu.memref_squeeze %dma_wait3A_106 : memref<1x640xf32, #tpu.memory_space<vmem_shared>> -> memref<640xf32, #tpu.memory_space<vmem_shared>>
      tpu.wait_dma2 semaphore(%run_scoped3A_89 : memref<!tpu.dma_semaphore, #tpu.memory_space<semaphore_mem>>) src(%dma_wait3A_107 : memref<640xf32, #tpu.memory_space<vmem_shared>>) dst(%dma_wait3A_105 : memref<640xf32, #tpu.memory_space<vmem>>)
      tpu.yield
    }) : () -> ()
    %mul3A_32 = arith.constant 640 : i32
    %mul3A_33 = arith.muli %arg1, %mul3A_32 : i32
    %run_scoped3A_34 = arith.constant 4 : i32
    %run_scoped3A_35 = arith.constant 4 : i32
    "tpu.region"() ({
      %run_scoped3A_89 = tpu.sem_alloc : memref<!tpu.dma_semaphore, #tpu.memory_space<semaphore_mem>>
      %dma_start3A = arith.constant 0 : i32
      %dma_start3A_90 = tpu.memref_slice %arg6[%run_scoped3A_35, %dma_start3A] : memref<16x640xf32, #tpu.memory_space<vmem>> -> memref<1x640xf32, #tpu.memory_space<vmem>>
      %dma_start3A_91 = tpu.memref_squeeze %dma_start3A_90 : memref<1x640xf32, #tpu.memory_space<vmem>> -> memref<640xf32, #tpu.memory_space<vmem>>
      %dma_start3A_92 = tpu.memref_slice %arg8[%run_scoped3A_34, %mul3A_33] : memref<16x10240xf32, #tpu.memory_space<vmem_shared>> -> memref<1x640xf32, #tpu.memory_space<vmem_shared>>
      %dma_start3A_93 = tpu.memref_squeeze %dma_start3A_92 : memref<1x640xf32, #tpu.memory_space<vmem_shared>> -> memref<640xf32, #tpu.memory_space<vmem_shared>>
      %dma_start3A_94 = arith.constant 0 : i32
      %dma_start3A_95 = tpu.memref_slice %arg6[%run_scoped3A_35, %dma_start3A_94] : memref<16x640xf32, #tpu.memory_space<vmem>> -> memref<1x640xf32, #tpu.memory_space<vmem>>
      %dma_start3A_96 = tpu.memref_squeeze %dma_start3A_95 : memref<1x640xf32, #tpu.memory_space<vmem>> -> memref<640xf32, #tpu.memory_space<vmem>>
      %dma_start3A_97 = tpu.memref_slice %arg8[%run_scoped3A_34, %mul3A_33] : memref<16x10240xf32, #tpu.memory_space<vmem_shared>> -> memref<1x640xf32, #tpu.memory_space<vmem_shared>>
      %dma_start3A_98 = tpu.memref_squeeze %dma_start3A_97 : memref<1x640xf32, #tpu.memory_space<vmem_shared>> -> memref<640xf32, #tpu.memory_space<vmem_shared>>
      tpu.enqueue_dma source(%dma_start3A_98 : memref<640xf32, #tpu.memory_space<vmem_shared>>) target(%dma_start3A_96 : memref<640xf32, #tpu.memory_space<vmem>>) target_semaphore(%run_scoped3A_89 : memref<!tpu.dma_semaphore, #tpu.memory_space<semaphore_mem>>)
      %dma_wait3A = arith.constant 0 : i32
      %dma_wait3A_99 = tpu.memref_slice %arg6[%run_scoped3A_35, %dma_wait3A] : memref<16x640xf32, #tpu.memory_space<vmem>> -> memref<1x640xf32, #tpu.memory_space<vmem>>
      %dma_wait3A_100 = tpu.memref_squeeze %dma_wait3A_99 : memref<1x640xf32, #tpu.memory_space<vmem>> -> memref<640xf32, #tpu.memory_space<vmem>>
      %dma_wait3A_101 = tpu.memref_slice %arg8[%run_scoped3A_34, %mul3A_33] : memref<16x10240xf32, #tpu.memory_space<vmem_shared>> -> memref<1x640xf32, #tpu.memory_space<vmem_shared>>
      %dma_wait3A_102 = tpu.memref_squeeze %dma_wait3A_101 : memref<1x640xf32, #tpu.memory_space<vmem_shared>> -> memref<640xf32, #tpu.memory_space<vmem_shared>>
      %dma_wait3A_103 = arith.constant 0 : i32
      %dma_wait3A_104 = tpu.memref_slice %arg6[%run_scoped3A_35, %dma_wait3A_103] : memref<16x640xf32, #tpu.memory_space<vmem>> -> memref<1x640xf32, #tpu.memory_space<vmem>>
      %dma_wait3A_105 = tpu.memref_squeeze %dma_wait3A_104 : memref<1x640xf32, #tpu.memory_space<vmem>> -> memref<640xf32, #tpu.memory_space<vmem>>
      %dma_wait3A_106 = tpu.memref_slice %arg8[%run_scoped3A_34, %mul3A_33] : memref<16x10240xf32, #tpu.memory_space<vmem_shared>> -> memref<1x640xf32, #tpu.memory_space<vmem_shared>>
      %dma_wait3A_107 = tpu.memref_squeeze %dma_wait3A_106 : memref<1x640xf32, #tpu.memory_space<vmem_shared>> -> memref<640xf32, #tpu.memory_space<vmem_shared>>
      tpu.wait_dma2 semaphore(%run_scoped3A_89 : memref<!tpu.dma_semaphore, #tpu.memory_space<semaphore_mem>>) src(%dma_wait3A_107 : memref<640xf32, #tpu.memory_space<vmem_shared>>) dst(%dma_wait3A_105 : memref<640xf32, #tpu.memory_space<vmem>>)
      tpu.yield
    }) : () -> ()
    %mul3A_36 = arith.constant 640 : i32
    %mul3A_37 = arith.muli %arg1, %mul3A_36 : i32
    %run_scoped3A_38 = arith.constant 5 : i32
    %run_scoped3A_39 = arith.constant 5 : i32
    "tpu.region"() ({
      %run_scoped3A_89 = tpu.sem_alloc : memref<!tpu.dma_semaphore, #tpu.memory_space<semaphore_mem>>
      %dma_start3A = arith.constant 0 : i32
      %dma_start3A_90 = tpu.memref_slice %arg6[%run_scoped3A_39, %dma_start3A] : memref<16x640xf32, #tpu.memory_space<vmem>> -> memref<1x640xf32, #tpu.memory_space<vmem>>
      %dma_start3A_91 = tpu.memref_squeeze %dma_start3A_90 : memref<1x640xf32, #tpu.memory_space<vmem>> -> memref<640xf32, #tpu.memory_space<vmem>>
      %dma_start3A_92 = tpu.memref_slice %arg8[%run_scoped3A_38, %mul3A_37] : memref<16x10240xf32, #tpu.memory_space<vmem_shared>> -> memref<1x640xf32, #tpu.memory_space<vmem_shared>>
      %dma_start3A_93 = tpu.memref_squeeze %dma_start3A_92 : memref<1x640xf32, #tpu.memory_space<vmem_shared>> -> memref<640xf32, #tpu.memory_space<vmem_shared>>
      %dma_start3A_94 = arith.constant 0 : i32
      %dma_start3A_95 = tpu.memref_slice %arg6[%run_scoped3A_39, %dma_start3A_94] : memref<16x640xf32, #tpu.memory_space<vmem>> -> memref<1x640xf32, #tpu.memory_space<vmem>>
      %dma_start3A_96 = tpu.memref_squeeze %dma_start3A_95 : memref<1x640xf32, #tpu.memory_space<vmem>> -> memref<640xf32, #tpu.memory_space<vmem>>
      %dma_start3A_97 = tpu.memref_slice %arg8[%run_scoped3A_38, %mul3A_37] : memref<16x10240xf32, #tpu.memory_space<vmem_shared>> -> memref<1x640xf32, #tpu.memory_space<vmem_shared>>
      %dma_start3A_98 = tpu.memref_squeeze %dma_start3A_97 : memref<1x640xf32, #tpu.memory_space<vmem_shared>> -> memref<640xf32, #tpu.memory_space<vmem_shared>>
      tpu.enqueue_dma source(%dma_start3A_98 : memref<640xf32, #tpu.memory_space<vmem_shared>>) target(%dma_start3A_96 : memref<640xf32, #tpu.memory_space<vmem>>) target_semaphore(%run_scoped3A_89 : memref<!tpu.dma_semaphore, #tpu.memory_space<semaphore_mem>>)
      %dma_wait3A = arith.constant 0 : i32
      %dma_wait3A_99 = tpu.memref_slice %arg6[%run_scoped3A_39, %dma_wait3A] : memref<16x640xf32, #tpu.memory_space<vmem>> -> memref<1x640xf32, #tpu.memory_space<vmem>>
      %dma_wait3A_100 = tpu.memref_squeeze %dma_wait3A_99 : memref<1x640xf32, #tpu.memory_space<vmem>> -> memref<640xf32, #tpu.memory_space<vmem>>
      %dma_wait3A_101 = tpu.memref_slice %arg8[%run_scoped3A_38, %mul3A_37] : memref<16x10240xf32, #tpu.memory_space<vmem_shared>> -> memref<1x640xf32, #tpu.memory_space<vmem_shared>>
      %dma_wait3A_102 = tpu.memref_squeeze %dma_wait3A_101 : memref<1x640xf32, #tpu.memory_space<vmem_shared>> -> memref<640xf32, #tpu.memory_space<vmem_shared>>
      %dma_wait3A_103 = arith.constant 0 : i32
      %dma_wait3A_104 = tpu.memref_slice %arg6[%run_scoped3A_39, %dma_wait3A_103] : memref<16x640xf32, #tpu.memory_space<vmem>> -> memref<1x640xf32, #tpu.memory_space<vmem>>
      %dma_wait3A_105 = tpu.memref_squeeze %dma_wait3A_104 : memref<1x640xf32, #tpu.memory_space<vmem>> -> memref<640xf32, #tpu.memory_space<vmem>>
      %dma_wait3A_106 = tpu.memref_slice %arg8[%run_scoped3A_38, %mul3A_37] : memref<16x10240xf32, #tpu.memory_space<vmem_shared>> -> memref<1x640xf32, #tpu.memory_space<vmem_shared>>
      %dma_wait3A_107 = tpu.memref_squeeze %dma_wait3A_106 : memref<1x640xf32, #tpu.memory_space<vmem_shared>> -> memref<640xf32, #tpu.memory_space<vmem_shared>>
      tpu.wait_dma2 semaphore(%run_scoped3A_89 : memref<!tpu.dma_semaphore, #tpu.memory_space<semaphore_mem>>) src(%dma_wait3A_107 : memref<640xf32, #tpu.memory_space<vmem_shared>>) dst(%dma_wait3A_105 : memref<640xf32, #tpu.memory_space<vmem>>)
      tpu.yield
    }) : () -> ()
    %mul3A_40 = arith.constant 640 : i32
    %mul3A_41 = arith.muli %arg1, %mul3A_40 : i32
    %run_scoped3A_42 = arith.constant 6 : i32
    %run_scoped3A_43 = arith.constant 6 : i32
    "tpu.region"() ({
      %run_scoped3A_89 = tpu.sem_alloc : memref<!tpu.dma_semaphore, #tpu.memory_space<semaphore_mem>>
      %dma_start3A = arith.constant 0 : i32
      %dma_start3A_90 = tpu.memref_slice %arg6[%run_scoped3A_43, %dma_start3A] : memref<16x640xf32, #tpu.memory_space<vmem>> -> memref<1x640xf32, #tpu.memory_space<vmem>>
      %dma_start3A_91 = tpu.memref_squeeze %dma_start3A_90 : memref<1x640xf32, #tpu.memory_space<vmem>> -> memref<640xf32, #tpu.memory_space<vmem>>
      %dma_start3A_92 = tpu.memref_slice %arg8[%run_scoped3A_42, %mul3A_41] : memref<16x10240xf32, #tpu.memory_space<vmem_shared>> -> memref<1x640xf32, #tpu.memory_space<vmem_shared>>
      %dma_start3A_93 = tpu.memref_squeeze %dma_start3A_92 : memref<1x640xf32, #tpu.memory_space<vmem_shared>> -> memref<640xf32, #tpu.memory_space<vmem_shared>>
      %dma_start3A_94 = arith.constant 0 : i32
      %dma_start3A_95 = tpu.memref_slice %arg6[%run_scoped3A_43, %dma_start3A_94] : memref<16x640xf32, #tpu.memory_space<vmem>> -> memref<1x640xf32, #tpu.memory_space<vmem>>
      %dma_start3A_96 = tpu.memref_squeeze %dma_start3A_95 : memref<1x640xf32, #tpu.memory_space<vmem>> -> memref<640xf32, #tpu.memory_space<vmem>>
      %dma_start3A_97 = tpu.memref_slice %arg8[%run_scoped3A_42, %mul3A_41] : memref<16x10240xf32, #tpu.memory_space<vmem_shared>> -> memref<1x640xf32, #tpu.memory_space<vmem_shared>>
      %dma_start3A_98 = tpu.memref_squeeze %dma_start3A_97 : memref<1x640xf32, #tpu.memory_space<vmem_shared>> -> memref<640xf32, #tpu.memory_space<vmem_shared>>
      tpu.enqueue_dma source(%dma_start3A_98 : memref<640xf32, #tpu.memory_space<vmem_shared>>) target(%dma_start3A_96 : memref<640xf32, #tpu.memory_space<vmem>>) target_semaphore(%run_scoped3A_89 : memref<!tpu.dma_semaphore, #tpu.memory_space<semaphore_mem>>)
      %dma_wait3A = arith.constant 0 : i32
      %dma_wait3A_99 = tpu.memref_slice %arg6[%run_scoped3A_43, %dma_wait3A] : memref<16x640xf32, #tpu.memory_space<vmem>> -> memref<1x640xf32, #tpu.memory_space<vmem>>
      %dma_wait3A_100 = tpu.memref_squeeze %dma_wait3A_99 : memref<1x640xf32, #tpu.memory_space<vmem>> -> memref<640xf32, #tpu.memory_space<vmem>>
      %dma_wait3A_101 = tpu.memref_slice %arg8[%run_scoped3A_42, %mul3A_41] : memref<16x10240xf32, #tpu.memory_space<vmem_shared>> -> memref<1x640xf32, #tpu.memory_space<vmem_shared>>
      %dma_wait3A_102 = tpu.memref_squeeze %dma_wait3A_101 : memref<1x640xf32, #tpu.memory_space<vmem_shared>> -> memref<640xf32, #tpu.memory_space<vmem_shared>>
      %dma_wait3A_103 = arith.constant 0 : i32
      %dma_wait3A_104 = tpu.memref_slice %arg6[%run_scoped3A_43, %dma_wait3A_103] : memref<16x640xf32, #tpu.memory_space<vmem>> -> memref<1x640xf32, #tpu.memory_space<vmem>>
      %dma_wait3A_105 = tpu.memref_squeeze %dma_wait3A_104 : memref<1x640xf32, #tpu.memory_space<vmem>> -> memref<640xf32, #tpu.memory_space<vmem>>
      %dma_wait3A_106 = tpu.memref_slice %arg8[%run_scoped3A_42, %mul3A_41] : memref<16x10240xf32, #tpu.memory_space<vmem_shared>> -> memref<1x640xf32, #tpu.memory_space<vmem_shared>>
      %dma_wait3A_107 = tpu.memref_squeeze %dma_wait3A_106 : memref<1x640xf32, #tpu.memory_space<vmem_shared>> -> memref<640xf32, #tpu.memory_space<vmem_shared>>
      tpu.wait_dma2 semaphore(%run_scoped3A_89 : memref<!tpu.dma_semaphore, #tpu.memory_space<semaphore_mem>>) src(%dma_wait3A_107 : memref<640xf32, #tpu.memory_space<vmem_shared>>) dst(%dma_wait3A_105 : memref<640xf32, #tpu.memory_space<vmem>>)
      tpu.yield
    }) : () -> ()
    %mul3A_44 = arith.constant 640 : i32
    %mul3A_45 = arith.muli %arg1, %mul3A_44 : i32
    %run_scoped3A_46 = arith.constant 7 : i32
    %run_scoped3A_47 = arith.constant 7 : i32
    "tpu.region"() ({
      %run_scoped3A_89 = tpu.sem_alloc : memref<!tpu.dma_semaphore, #tpu.memory_space<semaphore_mem>>
      %dma_start3A = arith.constant 0 : i32
      %dma_start3A_90 = tpu.memref_slice %arg6[%run_scoped3A_47, %dma_start3A] : memref<16x640xf32, #tpu.memory_space<vmem>> -> memref<1x640xf32, #tpu.memory_space<vmem>>
      %dma_start3A_91 = tpu.memref_squeeze %dma_start3A_90 : memref<1x640xf32, #tpu.memory_space<vmem>> -> memref<640xf32, #tpu.memory_space<vmem>>
      %dma_start3A_92 = tpu.memref_slice %arg8[%run_scoped3A_46, %mul3A_45] : memref<16x10240xf32, #tpu.memory_space<vmem_shared>> -> memref<1x640xf32, #tpu.memory_space<vmem_shared>>
      %dma_start3A_93 = tpu.memref_squeeze %dma_start3A_92 : memref<1x640xf32, #tpu.memory_space<vmem_shared>> -> memref<640xf32, #tpu.memory_space<vmem_shared>>
      %dma_start3A_94 = arith.constant 0 : i32
      %dma_start3A_95 = tpu.memref_slice %arg6[%run_scoped3A_47, %dma_start3A_94] : memref<16x640xf32, #tpu.memory_space<vmem>> -> memref<1x640xf32, #tpu.memory_space<vmem>>
      %dma_start3A_96 = tpu.memref_squeeze %dma_start3A_95 : memref<1x640xf32, #tpu.memory_space<vmem>> -> memref<640xf32, #tpu.memory_space<vmem>>
      %dma_start3A_97 = tpu.memref_slice %arg8[%run_scoped3A_46, %mul3A_45] : memref<16x10240xf32, #tpu.memory_space<vmem_shared>> -> memref<1x640xf32, #tpu.memory_space<vmem_shared>>
      %dma_start3A_98 = tpu.memref_squeeze %dma_start3A_97 : memref<1x640xf32, #tpu.memory_space<vmem_shared>> -> memref<640xf32, #tpu.memory_space<vmem_shared>>
      tpu.enqueue_dma source(%dma_start3A_98 : memref<640xf32, #tpu.memory_space<vmem_shared>>) target(%dma_start3A_96 : memref<640xf32, #tpu.memory_space<vmem>>) target_semaphore(%run_scoped3A_89 : memref<!tpu.dma_semaphore, #tpu.memory_space<semaphore_mem>>)
      %dma_wait3A = arith.constant 0 : i32
      %dma_wait3A_99 = tpu.memref_slice %arg6[%run_scoped3A_47, %dma_wait3A] : memref<16x640xf32, #tpu.memory_space<vmem>> -> memref<1x640xf32, #tpu.memory_space<vmem>>
      %dma_wait3A_100 = tpu.memref_squeeze %dma_wait3A_99 : memref<1x640xf32, #tpu.memory_space<vmem>> -> memref<640xf32, #tpu.memory_space<vmem>>
      %dma_wait3A_101 = tpu.memref_slice %arg8[%run_scoped3A_46, %mul3A_45] : memref<16x10240xf32, #tpu.memory_space<vmem_shared>> -> memref<1x640xf32, #tpu.memory_space<vmem_shared>>
      %dma_wait3A_102 = tpu.memref_squeeze %dma_wait3A_101 : memref<1x640xf32, #tpu.memory_space<vmem_shared>> -> memref<640xf32, #tpu.memory_space<vmem_shared>>
      %dma_wait3A_103 = arith.constant 0 : i32
      %dma_wait3A_104 = tpu.memref_slice %arg6[%run_scoped3A_47, %dma_wait3A_103] : memref<16x640xf32, #tpu.memory_space<vmem>> -> memref<1x640xf32, #tpu.memory_space<vmem>>
      %dma_wait3A_105 = tpu.memref_squeeze %dma_wait3A_104 : memref<1x640xf32, #tpu.memory_space<vmem>> -> memref<640xf32, #tpu.memory_space<vmem>>
      %dma_wait3A_106 = tpu.memref_slice %arg8[%run_scoped3A_46, %mul3A_45] : memref<16x10240xf32, #tpu.memory_space<vmem_shared>> -> memref<1x640xf32, #tpu.memory_space<vmem_shared>>
      %dma_wait3A_107 = tpu.memref_squeeze %dma_wait3A_106 : memref<1x640xf32, #tpu.memory_space<vmem_shared>> -> memref<640xf32, #tpu.memory_space<vmem_shared>>
      tpu.wait_dma2 semaphore(%run_scoped3A_89 : memref<!tpu.dma_semaphore, #tpu.memory_space<semaphore_mem>>) src(%dma_wait3A_107 : memref<640xf32, #tpu.memory_space<vmem_shared>>) dst(%dma_wait3A_105 : memref<640xf32, #tpu.memory_space<vmem>>)
      tpu.yield
    }) : () -> ()
    %mul3A_48 = arith.constant 640 : i32
    %mul3A_49 = arith.muli %arg1, %mul3A_48 : i32
    %run_scoped3A_50 = arith.constant 8 : i32
    %run_scoped3A_51 = arith.constant 8 : i32
    "tpu.region"() ({
      %run_scoped3A_89 = tpu.sem_alloc : memref<!tpu.dma_semaphore, #tpu.memory_space<semaphore_mem>>
      %dma_start3A = arith.constant 0 : i32
      %dma_start3A_90 = tpu.memref_slice %arg6[%run_scoped3A_51, %dma_start3A] : memref<16x640xf32, #tpu.memory_space<vmem>> -> memref<1x640xf32, #tpu.memory_space<vmem>>
      %dma_start3A_91 = tpu.memref_squeeze %dma_start3A_90 : memref<1x640xf32, #tpu.memory_space<vmem>> -> memref<640xf32, #tpu.memory_space<vmem>>
      %dma_start3A_92 = tpu.memref_slice %arg8[%run_scoped3A_50, %mul3A_49] : memref<16x10240xf32, #tpu.memory_space<vmem_shared>> -> memref<1x640xf32, #tpu.memory_space<vmem_shared>>
      %dma_start3A_93 = tpu.memref_squeeze %dma_start3A_92 : memref<1x640xf32, #tpu.memory_space<vmem_shared>> -> memref<640xf32, #tpu.memory_space<vmem_shared>>
      %dma_start3A_94 = arith.constant 0 : i32
      %dma_start3A_95 = tpu.memref_slice %arg6[%run_scoped3A_51, %dma_start3A_94] : memref<16x640xf32, #tpu.memory_space<vmem>> -> memref<1x640xf32, #tpu.memory_space<vmem>>
      %dma_start3A_96 = tpu.memref_squeeze %dma_start3A_95 : memref<1x640xf32, #tpu.memory_space<vmem>> -> memref<640xf32, #tpu.memory_space<vmem>>
      %dma_start3A_97 = tpu.memref_slice %arg8[%run_scoped3A_50, %mul3A_49] : memref<16x10240xf32, #tpu.memory_space<vmem_shared>> -> memref<1x640xf32, #tpu.memory_space<vmem_shared>>
      %dma_start3A_98 = tpu.memref_squeeze %dma_start3A_97 : memref<1x640xf32, #tpu.memory_space<vmem_shared>> -> memref<640xf32, #tpu.memory_space<vmem_shared>>
      tpu.enqueue_dma source(%dma_start3A_98 : memref<640xf32, #tpu.memory_space<vmem_shared>>) target(%dma_start3A_96 : memref<640xf32, #tpu.memory_space<vmem>>) target_semaphore(%run_scoped3A_89 : memref<!tpu.dma_semaphore, #tpu.memory_space<semaphore_mem>>)
      %dma_wait3A = arith.constant 0 : i32
      %dma_wait3A_99 = tpu.memref_slice %arg6[%run_scoped3A_51, %dma_wait3A] : memref<16x640xf32, #tpu.memory_space<vmem>> -> memref<1x640xf32, #tpu.memory_space<vmem>>
      %dma_wait3A_100 = tpu.memref_squeeze %dma_wait3A_99 : memref<1x640xf32, #tpu.memory_space<vmem>> -> memref<640xf32, #tpu.memory_space<vmem>>
      %dma_wait3A_101 = tpu.memref_slice %arg8[%run_scoped3A_50, %mul3A_49] : memref<16x10240xf32, #tpu.memory_space<vmem_shared>> -> memref<1x640xf32, #tpu.memory_space<vmem_shared>>
      %dma_wait3A_102 = tpu.memref_squeeze %dma_wait3A_101 : memref<1x640xf32, #tpu.memory_space<vmem_shared>> -> memref<640xf32, #tpu.memory_space<vmem_shared>>
      %dma_wait3A_103 = arith.constant 0 : i32
      %dma_wait3A_104 = tpu.memref_slice %arg6[%run_scoped3A_51, %dma_wait3A_103] : memref<16x640xf32, #tpu.memory_space<vmem>> -> memref<1x640xf32, #tpu.memory_space<vmem>>
      %dma_wait3A_105 = tpu.memref_squeeze %dma_wait3A_104 : memref<1x640xf32, #tpu.memory_space<vmem>> -> memref<640xf32, #tpu.memory_space<vmem>>
      %dma_wait3A_106 = tpu.memref_slice %arg8[%run_scoped3A_50, %mul3A_49] : memref<16x10240xf32, #tpu.memory_space<vmem_shared>> -> memref<1x640xf32, #tpu.memory_space<vmem_shared>>
      %dma_wait3A_107 = tpu.memref_squeeze %dma_wait3A_106 : memref<1x640xf32, #tpu.memory_space<vmem_shared>> -> memref<640xf32, #tpu.memory_space<vmem_shared>>
      tpu.wait_dma2 semaphore(%run_scoped3A_89 : memref<!tpu.dma_semaphore, #tpu.memory_space<semaphore_mem>>) src(%dma_wait3A_107 : memref<640xf32, #tpu.memory_space<vmem_shared>>) dst(%dma_wait3A_105 : memref<640xf32, #tpu.memory_space<vmem>>)
      tpu.yield
    }) : () -> ()
    %mul3A_52 = arith.constant 640 : i32
    %mul3A_53 = arith.muli %arg1, %mul3A_52 : i32
    %run_scoped3A_54 = arith.constant 9 : i32
    %run_scoped3A_55 = arith.constant 9 : i32
    "tpu.region"() ({
      %run_scoped3A_89 = tpu.sem_alloc : memref<!tpu.dma_semaphore, #tpu.memory_space<semaphore_mem>>
      %dma_start3A = arith.constant 0 : i32
      %dma_start3A_90 = tpu.memref_slice %arg6[%run_scoped3A_55, %dma_start3A] : memref<16x640xf32, #tpu.memory_space<vmem>> -> memref<1x640xf32, #tpu.memory_space<vmem>>
      %dma_start3A_91 = tpu.memref_squeeze %dma_start3A_90 : memref<1x640xf32, #tpu.memory_space<vmem>> -> memref<640xf32, #tpu.memory_space<vmem>>
      %dma_start3A_92 = tpu.memref_slice %arg8[%run_scoped3A_54, %mul3A_53] : memref<16x10240xf32, #tpu.memory_space<vmem_shared>> -> memref<1x640xf32, #tpu.memory_space<vmem_shared>>
      %dma_start3A_93 = tpu.memref_squeeze %dma_start3A_92 : memref<1x640xf32, #tpu.memory_space<vmem_shared>> -> memref<640xf32, #tpu.memory_space<vmem_shared>>
      %dma_start3A_94 = arith.constant 0 : i32
      %dma_start3A_95 = tpu.memref_slice %arg6[%run_scoped3A_55, %dma_start3A_94] : memref<16x640xf32, #tpu.memory_space<vmem>> -> memref<1x640xf32, #tpu.memory_space<vmem>>
      %dma_start3A_96 = tpu.memref_squeeze %dma_start3A_95 : memref<1x640xf32, #tpu.memory_space<vmem>> -> memref<640xf32, #tpu.memory_space<vmem>>
      %dma_start3A_97 = tpu.memref_slice %arg8[%run_scoped3A_54, %mul3A_53] : memref<16x10240xf32, #tpu.memory_space<vmem_shared>> -> memref<1x640xf32, #tpu.memory_space<vmem_shared>>
      %dma_start3A_98 = tpu.memref_squeeze %dma_start3A_97 : memref<1x640xf32, #tpu.memory_space<vmem_shared>> -> memref<640xf32, #tpu.memory_space<vmem_shared>>
      tpu.enqueue_dma source(%dma_start3A_98 : memref<640xf32, #tpu.memory_space<vmem_shared>>) target(%dma_start3A_96 : memref<640xf32, #tpu.memory_space<vmem>>) target_semaphore(%run_scoped3A_89 : memref<!tpu.dma_semaphore, #tpu.memory_space<semaphore_mem>>)
      %dma_wait3A = arith.constant 0 : i32
      %dma_wait3A_99 = tpu.memref_slice %arg6[%run_scoped3A_55, %dma_wait3A] : memref<16x640xf32, #tpu.memory_space<vmem>> -> memref<1x640xf32, #tpu.memory_space<vmem>>
      %dma_wait3A_100 = tpu.memref_squeeze %dma_wait3A_99 : memref<1x640xf32, #tpu.memory_space<vmem>> -> memref<640xf32, #tpu.memory_space<vmem>>
      %dma_wait3A_101 = tpu.memref_slice %arg8[%run_scoped3A_54, %mul3A_53] : memref<16x10240xf32, #tpu.memory_space<vmem_shared>> -> memref<1x640xf32, #tpu.memory_space<vmem_shared>>
      %dma_wait3A_102 = tpu.memref_squeeze %dma_wait3A_101 : memref<1x640xf32, #tpu.memory_space<vmem_shared>> -> memref<640xf32, #tpu.memory_space<vmem_shared>>
      %dma_wait3A_103 = arith.constant 0 : i32
      %dma_wait3A_104 = tpu.memref_slice %arg6[%run_scoped3A_55, %dma_wait3A_103] : memref<16x640xf32, #tpu.memory_space<vmem>> -> memref<1x640xf32, #tpu.memory_space<vmem>>
      %dma_wait3A_105 = tpu.memref_squeeze %dma_wait3A_104 : memref<1x640xf32, #tpu.memory_space<vmem>> -> memref<640xf32, #tpu.memory_space<vmem>>
      %dma_wait3A_106 = tpu.memref_slice %arg8[%run_scoped3A_54, %mul3A_53] : memref<16x10240xf32, #tpu.memory_space<vmem_shared>> -> memref<1x640xf32, #tpu.memory_space<vmem_shared>>
      %dma_wait3A_107 = tpu.memref_squeeze %dma_wait3A_106 : memref<1x640xf32, #tpu.memory_space<vmem_shared>> -> memref<640xf32, #tpu.memory_space<vmem_shared>>
      tpu.wait_dma2 semaphore(%run_scoped3A_89 : memref<!tpu.dma_semaphore, #tpu.memory_space<semaphore_mem>>) src(%dma_wait3A_107 : memref<640xf32, #tpu.memory_space<vmem_shared>>) dst(%dma_wait3A_105 : memref<640xf32, #tpu.memory_space<vmem>>)
      tpu.yield
    }) : () -> ()
    %mul3A_56 = arith.constant 640 : i32
    %mul3A_57 = arith.muli %arg1, %mul3A_56 : i32
    %run_scoped3A_58 = arith.constant 10 : i32
    %run_scoped3A_59 = arith.constant 10 : i32
    "tpu.region"() ({
      %run_scoped3A_89 = tpu.sem_alloc : memref<!tpu.dma_semaphore, #tpu.memory_space<semaphore_mem>>
      %dma_start3A = arith.constant 0 : i32
      %dma_start3A_90 = tpu.memref_slice %arg6[%run_scoped3A_59, %dma_start3A] : memref<16x640xf32, #tpu.memory_space<vmem>> -> memref<1x640xf32, #tpu.memory_space<vmem>>
      %dma_start3A_91 = tpu.memref_squeeze %dma_start3A_90 : memref<1x640xf32, #tpu.memory_space<vmem>> -> memref<640xf32, #tpu.memory_space<vmem>>
      %dma_start3A_92 = tpu.memref_slice %arg8[%run_scoped3A_58, %mul3A_57] : memref<16x10240xf32, #tpu.memory_space<vmem_shared>> -> memref<1x640xf32, #tpu.memory_space<vmem_shared>>
      %dma_start3A_93 = tpu.memref_squeeze %dma_start3A_92 : memref<1x640xf32, #tpu.memory_space<vmem_shared>> -> memref<640xf32, #tpu.memory_space<vmem_shared>>
      %dma_start3A_94 = arith.constant 0 : i32
      %dma_start3A_95 = tpu.memref_slice %arg6[%run_scoped3A_59, %dma_start3A_94] : memref<16x640xf32, #tpu.memory_space<vmem>> -> memref<1x640xf32, #tpu.memory_space<vmem>>
      %dma_start3A_96 = tpu.memref_squeeze %dma_start3A_95 : memref<1x640xf32, #tpu.memory_space<vmem>> -> memref<640xf32, #tpu.memory_space<vmem>>
      %dma_start3A_97 = tpu.memref_slice %arg8[%run_scoped3A_58, %mul3A_57] : memref<16x10240xf32, #tpu.memory_space<vmem_shared>> -> memref<1x640xf32, #tpu.memory_space<vmem_shared>>
      %dma_start3A_98 = tpu.memref_squeeze %dma_start3A_97 : memref<1x640xf32, #tpu.memory_space<vmem_shared>> -> memref<640xf32, #tpu.memory_space<vmem_shared>>
      tpu.enqueue_dma source(%dma_start3A_98 : memref<640xf32, #tpu.memory_space<vmem_shared>>) target(%dma_start3A_96 : memref<640xf32, #tpu.memory_space<vmem>>) target_semaphore(%run_scoped3A_89 : memref<!tpu.dma_semaphore, #tpu.memory_space<semaphore_mem>>)
      %dma_wait3A = arith.constant 0 : i32
      %dma_wait3A_99 = tpu.memref_slice %arg6[%run_scoped3A_59, %dma_wait3A] : memref<16x640xf32, #tpu.memory_space<vmem>> -> memref<1x640xf32, #tpu.memory_space<vmem>>
      %dma_wait3A_100 = tpu.memref_squeeze %dma_wait3A_99 : memref<1x640xf32, #tpu.memory_space<vmem>> -> memref<640xf32, #tpu.memory_space<vmem>>
      %dma_wait3A_101 = tpu.memref_slice %arg8[%run_scoped3A_58, %mul3A_57] : memref<16x10240xf32, #tpu.memory_space<vmem_shared>> -> memref<1x640xf32, #tpu.memory_space<vmem_shared>>
      %dma_wait3A_102 = tpu.memref_squeeze %dma_wait3A_101 : memref<1x640xf32, #tpu.memory_space<vmem_shared>> -> memref<640xf32, #tpu.memory_space<vmem_shared>>
      %dma_wait3A_103 = arith.constant 0 : i32
      %dma_wait3A_104 = tpu.memref_slice %arg6[%run_scoped3A_59, %dma_wait3A_103] : memref<16x640xf32, #tpu.memory_space<vmem>> -> memref<1x640xf32, #tpu.memory_space<vmem>>
      %dma_wait3A_105 = tpu.memref_squeeze %dma_wait3A_104 : memref<1x640xf32, #tpu.memory_space<vmem>> -> memref<640xf32, #tpu.memory_space<vmem>>
      %dma_wait3A_106 = tpu.memref_slice %arg8[%run_scoped3A_58, %mul3A_57] : memref<16x10240xf32, #tpu.memory_space<vmem_shared>> -> memref<1x640xf32, #tpu.memory_space<vmem_shared>>
      %dma_wait3A_107 = tpu.memref_squeeze %dma_wait3A_106 : memref<1x640xf32, #tpu.memory_space<vmem_shared>> -> memref<640xf32, #tpu.memory_space<vmem_shared>>
      tpu.wait_dma2 semaphore(%run_scoped3A_89 : memref<!tpu.dma_semaphore, #tpu.memory_space<semaphore_mem>>) src(%dma_wait3A_107 : memref<640xf32, #tpu.memory_space<vmem_shared>>) dst(%dma_wait3A_105 : memref<640xf32, #tpu.memory_space<vmem>>)
      tpu.yield
    }) : () -> ()
    %mul3A_60 = arith.constant 640 : i32
    %mul3A_61 = arith.muli %arg1, %mul3A_60 : i32
    %run_scoped3A_62 = arith.constant 11 : i32
    %run_scoped3A_63 = arith.constant 11 : i32
    "tpu.region"() ({
      %run_scoped3A_89 = tpu.sem_alloc : memref<!tpu.dma_semaphore, #tpu.memory_space<semaphore_mem>>
      %dma_start3A = arith.constant 0 : i32
      %dma_start3A_90 = tpu.memref_slice %arg6[%run_scoped3A_63, %dma_start3A] : memref<16x640xf32, #tpu.memory_space<vmem>> -> memref<1x640xf32, #tpu.memory_space<vmem>>
      %dma_start3A_91 = tpu.memref_squeeze %dma_start3A_90 : memref<1x640xf32, #tpu.memory_space<vmem>> -> memref<640xf32, #tpu.memory_space<vmem>>
      %dma_start3A_92 = tpu.memref_slice %arg8[%run_scoped3A_62, %mul3A_61] : memref<16x10240xf32, #tpu.memory_space<vmem_shared>> -> memref<1x640xf32, #tpu.memory_space<vmem_shared>>
      %dma_start3A_93 = tpu.memref_squeeze %dma_start3A_92 : memref<1x640xf32, #tpu.memory_space<vmem_shared>> -> memref<640xf32, #tpu.memory_space<vmem_shared>>
      %dma_start3A_94 = arith.constant 0 : i32
      %dma_start3A_95 = tpu.memref_slice %arg6[%run_scoped3A_63, %dma_start3A_94] : memref<16x640xf32, #tpu.memory_space<vmem>> -> memref<1x640xf32, #tpu.memory_space<vmem>>
      %dma_start3A_96 = tpu.memref_squeeze %dma_start3A_95 : memref<1x640xf32, #tpu.memory_space<vmem>> -> memref<640xf32, #tpu.memory_space<vmem>>
      %dma_start3A_97 = tpu.memref_slice %arg8[%run_scoped3A_62, %mul3A_61] : memref<16x10240xf32, #tpu.memory_space<vmem_shared>> -> memref<1x640xf32, #tpu.memory_space<vmem_shared>>
      %dma_start3A_98 = tpu.memref_squeeze %dma_start3A_97 : memref<1x640xf32, #tpu.memory_space<vmem_shared>> -> memref<640xf32, #tpu.memory_space<vmem_shared>>
      tpu.enqueue_dma source(%dma_start3A_98 : memref<640xf32, #tpu.memory_space<vmem_shared>>) target(%dma_start3A_96 : memref<640xf32, #tpu.memory_space<vmem>>) target_semaphore(%run_scoped3A_89 : memref<!tpu.dma_semaphore, #tpu.memory_space<semaphore_mem>>)
      %dma_wait3A = arith.constant 0 : i32
      %dma_wait3A_99 = tpu.memref_slice %arg6[%run_scoped3A_63, %dma_wait3A] : memref<16x640xf32, #tpu.memory_space<vmem>> -> memref<1x640xf32, #tpu.memory_space<vmem>>
      %dma_wait3A_100 = tpu.memref_squeeze %dma_wait3A_99 : memref<1x640xf32, #tpu.memory_space<vmem>> -> memref<640xf32, #tpu.memory_space<vmem>>
      %dma_wait3A_101 = tpu.memref_slice %arg8[%run_scoped3A_62, %mul3A_61] : memref<16x10240xf32, #tpu.memory_space<vmem_shared>> -> memref<1x640xf32, #tpu.memory_space<vmem_shared>>
      %dma_wait3A_102 = tpu.memref_squeeze %dma_wait3A_101 : memref<1x640xf32, #tpu.memory_space<vmem_shared>> -> memref<640xf32, #tpu.memory_space<vmem_shared>>
      %dma_wait3A_103 = arith.constant 0 : i32
      %dma_wait3A_104 = tpu.memref_slice %arg6[%run_scoped3A_63, %dma_wait3A_103] : memref<16x640xf32, #tpu.memory_space<vmem>> -> memref<1x640xf32, #tpu.memory_space<vmem>>
      %dma_wait3A_105 = tpu.memref_squeeze %dma_wait3A_104 : memref<1x640xf32, #tpu.memory_space<vmem>> -> memref<640xf32, #tpu.memory_space<vmem>>
      %dma_wait3A_106 = tpu.memref_slice %arg8[%run_scoped3A_62, %mul3A_61] : memref<16x10240xf32, #tpu.memory_space<vmem_shared>> -> memref<1x640xf32, #tpu.memory_space<vmem_shared>>
      %dma_wait3A_107 = tpu.memref_squeeze %dma_wait3A_106 : memref<1x640xf32, #tpu.memory_space<vmem_shared>> -> memref<640xf32, #tpu.memory_space<vmem_shared>>
      tpu.wait_dma2 semaphore(%run_scoped3A_89 : memref<!tpu.dma_semaphore, #tpu.memory_space<semaphore_mem>>) src(%dma_wait3A_107 : memref<640xf32, #tpu.memory_space<vmem_shared>>) dst(%dma_wait3A_105 : memref<640xf32, #tpu.memory_space<vmem>>)
      tpu.yield
    }) : () -> ()
    %mul3A_64 = arith.constant 640 : i32
    %mul3A_65 = arith.muli %arg1, %mul3A_64 : i32
    %run_scoped3A_66 = arith.constant 12 : i32
    %run_scoped3A_67 = arith.constant 12 : i32
    "tpu.region"() ({
      %run_scoped3A_89 = tpu.sem_alloc : memref<!tpu.dma_semaphore, #tpu.memory_space<semaphore_mem>>
      %dma_start3A = arith.constant 0 : i32
      %dma_start3A_90 = tpu.memref_slice %arg6[%run_scoped3A_67, %dma_start3A] : memref<16x640xf32, #tpu.memory_space<vmem>> -> memref<1x640xf32, #tpu.memory_space<vmem>>
      %dma_start3A_91 = tpu.memref_squeeze %dma_start3A_90 : memref<1x640xf32, #tpu.memory_space<vmem>> -> memref<640xf32, #tpu.memory_space<vmem>>
      %dma_start3A_92 = tpu.memref_slice %arg8[%run_scoped3A_66, %mul3A_65] : memref<16x10240xf32, #tpu.memory_space<vmem_shared>> -> memref<1x640xf32, #tpu.memory_space<vmem_shared>>
      %dma_start3A_93 = tpu.memref_squeeze %dma_start3A_92 : memref<1x640xf32, #tpu.memory_space<vmem_shared>> -> memref<640xf32, #tpu.memory_space<vmem_shared>>
      %dma_start3A_94 = arith.constant 0 : i32
      %dma_start3A_95 = tpu.memref_slice %arg6[%run_scoped3A_67, %dma_start3A_94] : memref<16x640xf32, #tpu.memory_space<vmem>> -> memref<1x640xf32, #tpu.memory_space<vmem>>
      %dma_start3A_96 = tpu.memref_squeeze %dma_start3A_95 : memref<1x640xf32, #tpu.memory_space<vmem>> -> memref<640xf32, #tpu.memory_space<vmem>>
      %dma_start3A_97 = tpu.memref_slice %arg8[%run_scoped3A_66, %mul3A_65] : memref<16x10240xf32, #tpu.memory_space<vmem_shared>> -> memref<1x640xf32, #tpu.memory_space<vmem_shared>>
      %dma_start3A_98 = tpu.memref_squeeze %dma_start3A_97 : memref<1x640xf32, #tpu.memory_space<vmem_shared>> -> memref<640xf32, #tpu.memory_space<vmem_shared>>
      tpu.enqueue_dma source(%dma_start3A_98 : memref<640xf32, #tpu.memory_space<vmem_shared>>) target(%dma_start3A_96 : memref<640xf32, #tpu.memory_space<vmem>>) target_semaphore(%run_scoped3A_89 : memref<!tpu.dma_semaphore, #tpu.memory_space<semaphore_mem>>)
      %dma_wait3A = arith.constant 0 : i32
      %dma_wait3A_99 = tpu.memref_slice %arg6[%run_scoped3A_67, %dma_wait3A] : memref<16x640xf32, #tpu.memory_space<vmem>> -> memref<1x640xf32, #tpu.memory_space<vmem>>
      %dma_wait3A_100 = tpu.memref_squeeze %dma_wait3A_99 : memref<1x640xf32, #tpu.memory_space<vmem>> -> memref<640xf32, #tpu.memory_space<vmem>>
      %dma_wait3A_101 = tpu.memref_slice %arg8[%run_scoped3A_66, %mul3A_65] : memref<16x10240xf32, #tpu.memory_space<vmem_shared>> -> memref<1x640xf32, #tpu.memory_space<vmem_shared>>
      %dma_wait3A_102 = tpu.memref_squeeze %dma_wait3A_101 : memref<1x640xf32, #tpu.memory_space<vmem_shared>> -> memref<640xf32, #tpu.memory_space<vmem_shared>>
      %dma_wait3A_103 = arith.constant 0 : i32
      %dma_wait3A_104 = tpu.memref_slice %arg6[%run_scoped3A_67, %dma_wait3A_103] : memref<16x640xf32, #tpu.memory_space<vmem>> -> memref<1x640xf32, #tpu.memory_space<vmem>>
      %dma_wait3A_105 = tpu.memref_squeeze %dma_wait3A_104 : memref<1x640xf32, #tpu.memory_space<vmem>> -> memref<640xf32, #tpu.memory_space<vmem>>
      %dma_wait3A_106 = tpu.memref_slice %arg8[%run_scoped3A_66, %mul3A_65] : memref<16x10240xf32, #tpu.memory_space<vmem_shared>> -> memref<1x640xf32, #tpu.memory_space<vmem_shared>>
      %dma_wait3A_107 = tpu.memref_squeeze %dma_wait3A_106 : memref<1x640xf32, #tpu.memory_space<vmem_shared>> -> memref<640xf32, #tpu.memory_space<vmem_shared>>
      tpu.wait_dma2 semaphore(%run_scoped3A_89 : memref<!tpu.dma_semaphore, #tpu.memory_space<semaphore_mem>>) src(%dma_wait3A_107 : memref<640xf32, #tpu.memory_space<vmem_shared>>) dst(%dma_wait3A_105 : memref<640xf32, #tpu.memory_space<vmem>>)
      tpu.yield
    }) : () -> ()
    %mul3A_68 = arith.constant 640 : i32
    %mul3A_69 = arith.muli %arg1, %mul3A_68 : i32
    %run_scoped3A_70 = arith.constant 13 : i32
    %run_scoped3A_71 = arith.constant 13 : i32
    "tpu.region"() ({
      %run_scoped3A_89 = tpu.sem_alloc : memref<!tpu.dma_semaphore, #tpu.memory_space<semaphore_mem>>
      %dma_start3A = arith.constant 0 : i32
      %dma_start3A_90 = tpu.memref_slice %arg6[%run_scoped3A_71, %dma_start3A] : memref<16x640xf32, #tpu.memory_space<vmem>> -> memref<1x640xf32, #tpu.memory_space<vmem>>
      %dma_start3A_91 = tpu.memref_squeeze %dma_start3A_90 : memref<1x640xf32, #tpu.memory_space<vmem>> -> memref<640xf32, #tpu.memory_space<vmem>>
      %dma_start3A_92 = tpu.memref_slice %arg8[%run_scoped3A_70, %mul3A_69] : memref<16x10240xf32, #tpu.memory_space<vmem_shared>> -> memref<1x640xf32, #tpu.memory_space<vmem_shared>>
      %dma_start3A_93 = tpu.memref_squeeze %dma_start3A_92 : memref<1x640xf32, #tpu.memory_space<vmem_shared>> -> memref<640xf32, #tpu.memory_space<vmem_shared>>
      %dma_start3A_94 = arith.constant 0 : i32
      %dma_start3A_95 = tpu.memref_slice %arg6[%run_scoped3A_71, %dma_start3A_94] : memref<16x640xf32, #tpu.memory_space<vmem>> -> memref<1x640xf32, #tpu.memory_space<vmem>>
      %dma_start3A_96 = tpu.memref_squeeze %dma_start3A_95 : memref<1x640xf32, #tpu.memory_space<vmem>> -> memref<640xf32, #tpu.memory_space<vmem>>
      %dma_start3A_97 = tpu.memref_slice %arg8[%run_scoped3A_70, %mul3A_69] : memref<16x10240xf32, #tpu.memory_space<vmem_shared>> -> memref<1x640xf32, #tpu.memory_space<vmem_shared>>
      %dma_start3A_98 = tpu.memref_squeeze %dma_start3A_97 : memref<1x640xf32, #tpu.memory_space<vmem_shared>> -> memref<640xf32, #tpu.memory_space<vmem_shared>>
      tpu.enqueue_dma source(%dma_start3A_98 : memref<640xf32, #tpu.memory_space<vmem_shared>>) target(%dma_start3A_96 : memref<640xf32, #tpu.memory_space<vmem>>) target_semaphore(%run_scoped3A_89 : memref<!tpu.dma_semaphore, #tpu.memory_space<semaphore_mem>>)
      %dma_wait3A = arith.constant 0 : i32
      %dma_wait3A_99 = tpu.memref_slice %arg6[%run_scoped3A_71, %dma_wait3A] : memref<16x640xf32, #tpu.memory_space<vmem>> -> memref<1x640xf32, #tpu.memory_space<vmem>>
      %dma_wait3A_100 = tpu.memref_squeeze %dma_wait3A_99 : memref<1x640xf32, #tpu.memory_space<vmem>> -> memref<640xf32, #tpu.memory_space<vmem>>
      %dma_wait3A_101 = tpu.memref_slice %arg8[%run_scoped3A_70, %mul3A_69] : memref<16x10240xf32, #tpu.memory_space<vmem_shared>> -> memref<1x640xf32, #tpu.memory_space<vmem_shared>>
      %dma_wait3A_102 = tpu.memref_squeeze %dma_wait3A_101 : memref<1x640xf32, #tpu.memory_space<vmem_shared>> -> memref<640xf32, #tpu.memory_space<vmem_shared>>
      %dma_wait3A_103 = arith.constant 0 : i32
      %dma_wait3A_104 = tpu.memref_slice %arg6[%run_scoped3A_71, %dma_wait3A_103] : memref<16x640xf32, #tpu.memory_space<vmem>> -> memref<1x640xf32, #tpu.memory_space<vmem>>
      %dma_wait3A_105 = tpu.memref_squeeze %dma_wait3A_104 : memref<1x640xf32, #tpu.memory_space<vmem>> -> memref<640xf32, #tpu.memory_space<vmem>>
      %dma_wait3A_106 = tpu.memref_slice %arg8[%run_scoped3A_70, %mul3A_69] : memref<16x10240xf32, #tpu.memory_space<vmem_shared>> -> memref<1x640xf32, #tpu.memory_space<vmem_shared>>
      %dma_wait3A_107 = tpu.memref_squeeze %dma_wait3A_106 : memref<1x640xf32, #tpu.memory_space<vmem_shared>> -> memref<640xf32, #tpu.memory_space<vmem_shared>>
      tpu.wait_dma2 semaphore(%run_scoped3A_89 : memref<!tpu.dma_semaphore, #tpu.memory_space<semaphore_mem>>) src(%dma_wait3A_107 : memref<640xf32, #tpu.memory_space<vmem_shared>>) dst(%dma_wait3A_105 : memref<640xf32, #tpu.memory_space<vmem>>)
      tpu.yield
    }) : () -> ()
    %mul3A_72 = arith.constant 640 : i32
    %mul3A_73 = arith.muli %arg1, %mul3A_72 : i32
    %run_scoped3A_74 = arith.constant 14 : i32
    %run_scoped3A_75 = arith.constant 14 : i32
    "tpu.region"() ({
      %run_scoped3A_89 = tpu.sem_alloc : memref<!tpu.dma_semaphore, #tpu.memory_space<semaphore_mem>>
      %dma_start3A = arith.constant 0 : i32
      %dma_start3A_90 = tpu.memref_slice %arg6[%run_scoped3A_75, %dma_start3A] : memref<16x640xf32, #tpu.memory_space<vmem>> -> memref<1x640xf32, #tpu.memory_space<vmem>>
      %dma_start3A_91 = tpu.memref_squeeze %dma_start3A_90 : memref<1x640xf32, #tpu.memory_space<vmem>> -> memref<640xf32, #tpu.memory_space<vmem>>
      %dma_start3A_92 = tpu.memref_slice %arg8[%run_scoped3A_74, %mul3A_73] : memref<16x10240xf32, #tpu.memory_space<vmem_shared>> -> memref<1x640xf32, #tpu.memory_space<vmem_shared>>
      %dma_start3A_93 = tpu.memref_squeeze %dma_start3A_92 : memref<1x640xf32, #tpu.memory_space<vmem_shared>> -> memref<640xf32, #tpu.memory_space<vmem_shared>>
      %dma_start3A_94 = arith.constant 0 : i32
      %dma_start3A_95 = tpu.memref_slice %arg6[%run_scoped3A_75, %dma_start3A_94] : memref<16x640xf32, #tpu.memory_space<vmem>> -> memref<1x640xf32, #tpu.memory_space<vmem>>
      %dma_start3A_96 = tpu.memref_squeeze %dma_start3A_95 : memref<1x640xf32, #tpu.memory_space<vmem>> -> memref<640xf32, #tpu.memory_space<vmem>>
      %dma_start3A_97 = tpu.memref_slice %arg8[%run_scoped3A_74, %mul3A_73] : memref<16x10240xf32, #tpu.memory_space<vmem_shared>> -> memref<1x640xf32, #tpu.memory_space<vmem_shared>>
      %dma_start3A_98 = tpu.memref_squeeze %dma_start3A_97 : memref<1x640xf32, #tpu.memory_space<vmem_shared>> -> memref<640xf32, #tpu.memory_space<vmem_shared>>
      tpu.enqueue_dma source(%dma_start3A_98 : memref<640xf32, #tpu.memory_space<vmem_shared>>) target(%dma_start3A_96 : memref<640xf32, #tpu.memory_space<vmem>>) target_semaphore(%run_scoped3A_89 : memref<!tpu.dma_semaphore, #tpu.memory_space<semaphore_mem>>)
      %dma_wait3A = arith.constant 0 : i32
      %dma_wait3A_99 = tpu.memref_slice %arg6[%run_scoped3A_75, %dma_wait3A] : memref<16x640xf32, #tpu.memory_space<vmem>> -> memref<1x640xf32, #tpu.memory_space<vmem>>
      %dma_wait3A_100 = tpu.memref_squeeze %dma_wait3A_99 : memref<1x640xf32, #tpu.memory_space<vmem>> -> memref<640xf32, #tpu.memory_space<vmem>>
      %dma_wait3A_101 = tpu.memref_slice %arg8[%run_scoped3A_74, %mul3A_73] : memref<16x10240xf32, #tpu.memory_space<vmem_shared>> -> memref<1x640xf32, #tpu.memory_space<vmem_shared>>
      %dma_wait3A_102 = tpu.memref_squeeze %dma_wait3A_101 : memref<1x640xf32, #tpu.memory_space<vmem_shared>> -> memref<640xf32, #tpu.memory_space<vmem_shared>>
      %dma_wait3A_103 = arith.constant 0 : i32
      %dma_wait3A_104 = tpu.memref_slice %arg6[%run_scoped3A_75, %dma_wait3A_103] : memref<16x640xf32, #tpu.memory_space<vmem>> -> memref<1x640xf32, #tpu.memory_space<vmem>>
      %dma_wait3A_105 = tpu.memref_squeeze %dma_wait3A_104 : memref<1x640xf32, #tpu.memory_space<vmem>> -> memref<640xf32, #tpu.memory_space<vmem>>
      %dma_wait3A_106 = tpu.memref_slice %arg8[%run_scoped3A_74, %mul3A_73] : memref<16x10240xf32, #tpu.memory_space<vmem_shared>> -> memref<1x640xf32, #tpu.memory_space<vmem_shared>>
      %dma_wait3A_107 = tpu.memref_squeeze %dma_wait3A_106 : memref<1x640xf32, #tpu.memory_space<vmem_shared>> -> memref<640xf32, #tpu.memory_space<vmem_shared>>
      tpu.wait_dma2 semaphore(%run_scoped3A_89 : memref<!tpu.dma_semaphore, #tpu.memory_space<semaphore_mem>>) src(%dma_wait3A_107 : memref<640xf32, #tpu.memory_space<vmem_shared>>) dst(%dma_wait3A_105 : memref<640xf32, #tpu.memory_space<vmem>>)
      tpu.yield
    }) : () -> ()
    %mul3A_76 = arith.constant 640 : i32
    %mul3A_77 = arith.muli %arg1, %mul3A_76 : i32
    %run_scoped3A_78 = arith.constant 15 : i32
    %run_scoped3A_79 = arith.constant 15 : i32
    "tpu.region"() ({
      %run_scoped3A_89 = tpu.sem_alloc : memref<!tpu.dma_semaphore, #tpu.memory_space<semaphore_mem>>
      %dma_start3A = arith.constant 0 : i32
      %dma_start3A_90 = tpu.memref_slice %arg6[%run_scoped3A_79, %dma_start3A] : memref<16x640xf32, #tpu.memory_space<vmem>> -> memref<1x640xf32, #tpu.memory_space<vmem>>
      %dma_start3A_91 = tpu.memref_squeeze %dma_start3A_90 : memref<1x640xf32, #tpu.memory_space<vmem>> -> memref<640xf32, #tpu.memory_space<vmem>>
      %dma_start3A_92 = tpu.memref_slice %arg8[%run_scoped3A_78, %mul3A_77] : memref<16x10240xf32, #tpu.memory_space<vmem_shared>> -> memref<1x640xf32, #tpu.memory_space<vmem_shared>>
      %dma_start3A_93 = tpu.memref_squeeze %dma_start3A_92 : memref<1x640xf32, #tpu.memory_space<vmem_shared>> -> memref<640xf32, #tpu.memory_space<vmem_shared>>
      %dma_start3A_94 = arith.constant 0 : i32
      %dma_start3A_95 = tpu.memref_slice %arg6[%run_scoped3A_79, %dma_start3A_94] : memref<16x640xf32, #tpu.memory_space<vmem>> -> memref<1x640xf32, #tpu.memory_space<vmem>>
      %dma_start3A_96 = tpu.memref_squeeze %dma_start3A_95 : memref<1x640xf32, #tpu.memory_space<vmem>> -> memref<640xf32, #tpu.memory_space<vmem>>
      %dma_start3A_97 = tpu.memref_slice %arg8[%run_scoped3A_78, %mul3A_77] : memref<16x10240xf32, #tpu.memory_space<vmem_shared>> -> memref<1x640xf32, #tpu.memory_space<vmem_shared>>
      %dma_start3A_98 = tpu.memref_squeeze %dma_start3A_97 : memref<1x640xf32, #tpu.memory_space<vmem_shared>> -> memref<640xf32, #tpu.memory_space<vmem_shared>>
      tpu.enqueue_dma source(%dma_start3A_98 : memref<640xf32, #tpu.memory_space<vmem_shared>>) target(%dma_start3A_96 : memref<640xf32, #tpu.memory_space<vmem>>) target_semaphore(%run_scoped3A_89 : memref<!tpu.dma_semaphore, #tpu.memory_space<semaphore_mem>>)
      %dma_wait3A = arith.constant 0 : i32
      %dma_wait3A_99 = tpu.memref_slice %arg6[%run_scoped3A_79, %dma_wait3A] : memref<16x640xf32, #tpu.memory_space<vmem>> -> memref<1x640xf32, #tpu.memory_space<vmem>>
      %dma_wait3A_100 = tpu.memref_squeeze %dma_wait3A_99 : memref<1x640xf32, #tpu.memory_space<vmem>> -> memref<640xf32, #tpu.memory_space<vmem>>
      %dma_wait3A_101 = tpu.memref_slice %arg8[%run_scoped3A_78, %mul3A_77] : memref<16x10240xf32, #tpu.memory_space<vmem_shared>> -> memref<1x640xf32, #tpu.memory_space<vmem_shared>>
      %dma_wait3A_102 = tpu.memref_squeeze %dma_wait3A_101 : memref<1x640xf32, #tpu.memory_space<vmem_shared>> -> memref<640xf32, #tpu.memory_space<vmem_shared>>
      %dma_wait3A_103 = arith.constant 0 : i32
      %dma_wait3A_104 = tpu.memref_slice %arg6[%run_scoped3A_79, %dma_wait3A_103] : memref<16x640xf32, #tpu.memory_space<vmem>> -> memref<1x640xf32, #tpu.memory_space<vmem>>
      %dma_wait3A_105 = tpu.memref_squeeze %dma_wait3A_104 : memref<1x640xf32, #tpu.memory_space<vmem>> -> memref<640xf32, #tpu.memory_space<vmem>>
      %dma_wait3A_106 = tpu.memref_slice %arg8[%run_scoped3A_78, %mul3A_77] : memref<16x10240xf32, #tpu.memory_space<vmem_shared>> -> memref<1x640xf32, #tpu.memory_space<vmem_shared>>
      %dma_wait3A_107 = tpu.memref_squeeze %dma_wait3A_106 : memref<1x640xf32, #tpu.memory_space<vmem_shared>> -> memref<640xf32, #tpu.memory_space<vmem_shared>>
      tpu.wait_dma2 semaphore(%run_scoped3A_89 : memref<!tpu.dma_semaphore, #tpu.memory_space<semaphore_mem>>) src(%dma_wait3A_107 : memref<640xf32, #tpu.memory_space<vmem_shared>>) dst(%dma_wait3A_105 : memref<640xf32, #tpu.memory_space<vmem>>)
      tpu.yield
    }) : () -> ()
    %scan3A_80 = arith.constant 0 : i32
    %scan3A_81 = arith.constant 0 : i32
    %scan3A_82 = arith.constant 40 : i32
    %scan3A_83 = arith.addi %scan3A_81, %scan3A_82 : i32
    %scan3A_84 = arith.constant 1 : i32
    %scan3A_85 = scf.for %scan3A_89 = %scan3A_81 to %scan3A_83 step %scan3A_84 iter_args(%scan3A_90 = %scan3A_80) -> (i32)  : i32 {
      %mul3A_91 = arith.constant 16 : i32
      %mul3A_92 = arith.muli %scan3A_89, %mul3A_91 : i32
      %get3A = arith.constant 0 : i32
      %get3A_93 = arith.index_cast %get3A : i32 to index
      %get3A_94 = arith.index_cast %mul3A_92 : i32 to index
      %get3A_95 = tpu.vector_load %arg6[%get3A_93, %get3A_94] {strides = array<i32>} : memref<16x640xf32, #tpu.memory_space<vmem>>, vector<16xf32>,
      %mul3A_96 = arith.constant 16 : i32
      %mul3A_97 = arith.muli %scan3A_89, %mul3A_96 : i32
      %get3A_98 = arith.constant 1 : i32
      %get3A_99 = arith.index_cast %get3A_98 : i32 to index
      %get3A_100 = arith.index_cast %mul3A_97 : i32 to index
      %get3A_101 = tpu.vector_load %arg6[%get3A_99, %get3A_100] {strides = array<i32>} : memref<16x640xf32, #tpu.memory_space<vmem>>, vector<16xf32>,
      %add3A_102 = arith.addf %get3A_95, %get3A_101 : vector<16xf32>
      %mul3A_103 = arith.constant 16 : i32
      %mul3A_104 = arith.muli %scan3A_89, %mul3A_103 : i32
      %get3A_105 = arith.constant 2 : i32
      %get3A_106 = arith.index_cast %get3A_105 : i32 to index
      %get3A_107 = arith.index_cast %mul3A_104 : i32 to index
      %get3A_108 = tpu.vector_load %arg6[%get3A_106, %get3A_107] {strides = array<i32>} : memref<16x640xf32, #tpu.memory_space<vmem>>, vector<16xf32>,
      %add3A_109 = arith.addf %add3A_102, %get3A_108 : vector<16xf32>
      %mul3A_110 = arith.constant 16 : i32
      %mul3A_111 = arith.muli %scan3A_89, %mul3A_110 : i32
      %get3A_112 = arith.constant 3 : i32
      %get3A_113 = arith.index_cast %get3A_112 : i32 to index
      %get3A_114 = arith.index_cast %mul3A_111 : i32 to index
      %get3A_115 = tpu.vector_load %arg6[%get3A_113, %get3A_114] {strides = array<i32>} : memref<16x640xf32, #tpu.memory_space<vmem>>, vector<16xf32>,
      %add3A_116 = arith.addf %add3A_109, %get3A_115 : vector<16xf32>
      %mul3A_117 = arith.constant 16 : i32
      %mul3A_118 = arith.muli %scan3A_89, %mul3A_117 : i32
      %get3A_119 = arith.constant 4 : i32
      %get3A_120 = arith.index_cast %get3A_119 : i32 to index
      %get3A_121 = arith.index_cast %mul3A_118 : i32 to index
      %get3A_122 = tpu.vector_load %arg6[%get3A_120, %get3A_121] {strides = array<i32>} : memref<16x640xf32, #tpu.memory_space<vmem>>, vector<16xf32>,
      %add3A_123 = arith.addf %add3A_116, %get3A_122 : vector<16xf32>
      %mul3A_124 = arith.constant 16 : i32
      %mul3A_125 = arith.muli %scan3A_89, %mul3A_124 : i32
      %get3A_126 = arith.constant 5 : i32
      %get3A_127 = arith.index_cast %get3A_126 : i32 to index
      %get3A_128 = arith.index_cast %mul3A_125 : i32 to index
      %get3A_129 = tpu.vector_load %arg6[%get3A_127, %get3A_128] {strides = array<i32>} : memref<16x640xf32, #tpu.memory_space<vmem>>, vector<16xf32>,
      %add3A_130 = arith.addf %add3A_123, %get3A_129 : vector<16xf32>
      %mul3A_131 = arith.constant 16 : i32
      %mul3A_132 = arith.muli %scan3A_89, %mul3A_131 : i32
      %get3A_133 = arith.constant 6 : i32
      %get3A_134 = arith.index_cast %get3A_133 : i32 to index
      %get3A_135 = arith.index_cast %mul3A_132 : i32 to index
      %get3A_136 = tpu.vector_load %arg6[%get3A_134, %get3A_135] {strides = array<i32>} : memref<16x640xf32, #tpu.memory_space<vmem>>, vector<16xf32>,
      %add3A_137 = arith.addf %add3A_130, %get3A_136 : vector<16xf32>
      %mul3A_138 = arith.constant 16 : i32
      %mul3A_139 = arith.muli %scan3A_89, %mul3A_138 : i32
      %get3A_140 = arith.constant 7 : i32
      %get3A_141 = arith.index_cast %get3A_140 : i32 to index
      %get3A_142 = arith.index_cast %mul3A_139 : i32 to index
      %get3A_143 = tpu.vector_load %arg6[%get3A_141, %get3A_142] {strides = array<i32>} : memref<16x640xf32, #tpu.memory_space<vmem>>, vector<16xf32>,
      %add3A_144 = arith.addf %add3A_137, %get3A_143 : vector<16xf32>
      %mul3A_145 = arith.constant 16 : i32
      %mul3A_146 = arith.muli %scan3A_89, %mul3A_145 : i32
      %get3A_147 = arith.constant 8 : i32
      %get3A_148 = arith.index_cast %get3A_147 : i32 to index
      %get3A_149 = arith.index_cast %mul3A_146 : i32 to index
      %get3A_150 = tpu.vector_load %arg6[%get3A_148, %get3A_149] {strides = array<i32>} : memref<16x640xf32, #tpu.memory_space<vmem>>, vector<16xf32>,
      %add3A_151 = arith.addf %add3A_144, %get3A_150 : vector<16xf32>
      %mul3A_152 = arith.constant 16 : i32
      %mul3A_153 = arith.muli %scan3A_89, %mul3A_152 : i32
      %get3A_154 = arith.constant 9 : i32
      %get3A_155 = arith.index_cast %get3A_154 : i32 to index
      %get3A_156 = arith.index_cast %mul3A_153 : i32 to index
      %get3A_157 = tpu.vector_load %arg6[%get3A_155, %get3A_156] {strides = array<i32>} : memref<16x640xf32, #tpu.memory_space<vmem>>, vector<16xf32>,
      %add3A_158 = arith.addf %add3A_151, %get3A_157 : vector<16xf32>
      %mul3A_159 = arith.constant 16 : i32
      %mul3A_160 = arith.muli %scan3A_89, %mul3A_159 : i32
      %get3A_161 = arith.constant 10 : i32
      %get3A_162 = arith.index_cast %get3A_161 : i32 to index
      %get3A_163 = arith.index_cast %mul3A_160 : i32 to index
      %get3A_164 = tpu.vector_load %arg6[%get3A_162, %get3A_163] {strides = array<i32>} : memref<16x640xf32, #tpu.memory_space<vmem>>, vector<16xf32>,
      %add3A_165 = arith.addf %add3A_158, %get3A_164 : vector<16xf32>
      %mul3A_166 = arith.constant 16 : i32
      %mul3A_167 = arith.muli %scan3A_89, %mul3A_166 : i32
      %get3A_168 = arith.constant 11 : i32
      %get3A_169 = arith.index_cast %get3A_168 : i32 to index
      %get3A_170 = arith.index_cast %mul3A_167 : i32 to index
      %get3A_171 = tpu.vector_load %arg6[%get3A_169, %get3A_170] {strides = array<i32>} : memref<16x640xf32, #tpu.memory_space<vmem>>, vector<16xf32>,
      %add3A_172 = arith.addf %add3A_165, %get3A_171 : vector<16xf32>
      %mul3A_173 = arith.constant 16 : i32
      %mul3A_174 = arith.muli %scan3A_89, %mul3A_173 : i32
      %get3A_175 = arith.constant 12 : i32
      %get3A_176 = arith.index_cast %get3A_175 : i32 to index
      %get3A_177 = arith.index_cast %mul3A_174 : i32 to index
      %get3A_178 = tpu.vector_load %arg6[%get3A_176, %get3A_177] {strides = array<i32>} : memref<16x640xf32, #tpu.memory_space<vmem>>, vector<16xf32>,
      %add3A_179 = arith.addf %add3A_172, %get3A_178 : vector<16xf32>
      %mul3A_180 = arith.constant 16 : i32
      %mul3A_181 = arith.muli %scan3A_89, %mul3A_180 : i32
      %get3A_182 = arith.constant 13 : i32
      %get3A_183 = arith.index_cast %get3A_182 : i32 to index
      %get3A_184 = arith.index_cast %mul3A_181 : i32 to index
      %get3A_185 = tpu.vector_load %arg6[%get3A_183, %get3A_184] {strides = array<i32>} : memref<16x640xf32, #tpu.memory_space<vmem>>, vector<16xf32>,
      %add3A_186 = arith.addf %add3A_179, %get3A_185 : vector<16xf32>
      %mul3A_187 = arith.constant 16 : i32
      %mul3A_188 = arith.muli %scan3A_89, %mul3A_187 : i32
      %get3A_189 = arith.constant 14 : i32
      %get3A_190 = arith.index_cast %get3A_189 : i32 to index
      %get3A_191 = arith.index_cast %mul3A_188 : i32 to index
      %get3A_192 = tpu.vector_load %arg6[%get3A_190, %get3A_191] {strides = array<i32>} : memref<16x640xf32, #tpu.memory_space<vmem>>, vector<16xf32>,
      %add3A_193 = arith.addf %add3A_186, %get3A_192 : vector<16xf32>
      %mul3A_194 = arith.constant 16 : i32
      %mul3A_195 = arith.muli %scan3A_89, %mul3A_194 : i32
      %get3A_196 = arith.constant 15 : i32
      %get3A_197 = arith.index_cast %get3A_196 : i32 to index
      %get3A_198 = arith.index_cast %mul3A_195 : i32 to index
      %get3A_199 = tpu.vector_load %arg6[%get3A_197, %get3A_198] {strides = array<i32>} : memref<16x640xf32, #tpu.memory_space<vmem>>, vector<16xf32>,
      %add3A_200 = arith.addf %add3A_193, %get3A_199 : vector<16xf32>
      %mul3A_201 = arith.constant 16 : i32
      %mul3A_202 = arith.muli %scan3A_89, %mul3A_201 : i32
      %swap3A = arith.index_cast %mul3A_202 : i32 to index
      %swap3A_203 = tpu.vector_load %arg7[%swap3A] {strides = array<i32>} : memref<640xf32, #tpu.memory_space<vmem>>, vector<16xf32>,
      tpu.vector_store %arg7[%swap3A], %add3A_200 {strides = array<i32>} : memref<640xf32, #tpu.memory_space<vmem>>, vector<16xf32>,
      %scan3A_204 = arith.constant 0 : i32
      scf.yield %scan3A_204 : i32
    }
    %scan3A_86 = arith.constant 40 : i32
    %mul3A_87 = arith.constant 640 : i32
    %mul3A_88 = arith.muli %arg1, %mul3A_87 : i32
    "tpu.region"() ({
      %run_scoped3A_89 = tpu.sem_alloc : memref<!tpu.dma_semaphore, #tpu.memory_space<semaphore_mem>>
      %dma_start3A = tpu.memref_slice %arg3[%arg0, %mul3A_88] : memref<2x10240xf32, #tpu.memory_space<hbm>> -> memref<1x640xf32, #tpu.memory_space<hbm>>
      %dma_start3A_90 = tpu.memref_squeeze %dma_start3A : memref<1x640xf32, #tpu.memory_space<hbm>> -> memref<640xf32, #tpu.memory_space<hbm>>
      %dma_start3A_91 = tpu.memref_slice %arg3[%arg0, %mul3A_88] : memref<2x10240xf32, #tpu.memory_space<hbm>> -> memref<1x640xf32, #tpu.memory_space<hbm>>
      %dma_start3A_92 = tpu.memref_squeeze %dma_start3A_91 : memref<1x640xf32, #tpu.memory_space<hbm>> -> memref<640xf32, #tpu.memory_space<hbm>>
      tpu.enqueue_dma source(%arg7 : memref<640xf32, #tpu.memory_space<vmem>>) target(%dma_start3A_92 : memref<640xf32, #tpu.memory_space<hbm>>) target_semaphore(%run_scoped3A_89 : memref<!tpu.dma_semaphore, #tpu.memory_space<semaphore_mem>>)
      %dma_wait3A = tpu.memref_slice %arg3[%arg0, %mul3A_88] : memref<2x10240xf32, #tpu.memory_space<hbm>> -> memref<1x640xf32, #tpu.memory_space<hbm>>
      %dma_wait3A_93 = tpu.memref_squeeze %dma_wait3A : memref<1x640xf32, #tpu.memory_space<hbm>> -> memref<640xf32, #tpu.memory_space<hbm>>
      %dma_wait3A_94 = tpu.memref_slice %arg3[%arg0, %mul3A_88] : memref<2x10240xf32, #tpu.memory_space<hbm>> -> memref<1x640xf32, #tpu.memory_space<hbm>>
      %dma_wait3A_95 = tpu.memref_squeeze %dma_wait3A_94 : memref<1x640xf32, #tpu.memory_space<hbm>> -> memref<640xf32, #tpu.memory_space<hbm>>
      tpu.wait_dma2 semaphore(%run_scoped3A_89 : memref<!tpu.dma_semaphore, #tpu.memory_space<semaphore_mem>>) src(%arg7 : memref<640xf32, #tpu.memory_space<vmem>>) dst(%dma_wait3A_95 : memref<640xf32, #tpu.memory_space<hbm>>)
      tpu.yield
    }) : () -> ()
    return
  }
}

#map = affine_map<(d0, d1) -> (0, 0)>
#map1 = affine_map<(d0, d1) -> (0, 0, 0)>
module attributes {stable_mosaic.version = 14 : i64} {
  func.func @_agg_body(%arg0: i32, %arg1: i32, %arg2: memref<10240x64xf32, #tpu.memory_space<hbm>>, %arg3: memref<32x84x128xi32, #tpu.memory_space<hbm>>, %arg4: memref<32x84x128xi32, #tpu.memory_space<hbm>>, %arg5: memref<2x10240x64xf32, #tpu.memory_space<hbm>>, %arg6: memref<84x128xi32, #tpu.memory_space<vmem>>, %arg7: memref<84x128xi32, #tpu.memory_space<vmem>>, %arg8: memref<128x64xf32, #tpu.memory_space<vmem>>, %arg9: memref<128x64xf32, #tpu.memory_space<vmem>>, %arg10: memref<128x64xf32, #tpu.memory_space<vmem>>, %arg11: memref<10240x64xf32, #tpu.memory_space<vmem_shared>>, %arg12: memref<10240x64xf32, #tpu.memory_space<vmem_shared>>, %arg13: memref<!tpu.dma_semaphore, #tpu.memory_space<semaphore_mem>>, %arg14: memref<!tpu.dma_semaphore, #tpu.memory_space<semaphore_mem>>) attributes {dimension_semantics = [#tpu.dimension_semantics<core_parallel>, #tpu.dimension_semantics<subcore_parallel>], iteration_bounds = array<i64: 2, 16>, scalar_prefetch = 0 : i64, scratch_operands = 9 : i64, tpu.core_type = #tpu.core_type<sc_vector_subcore>, window_params = [{transform_indices = #map}, {transform_indices = #map1}, {transform_indices = #map1}, {transform_indices = #map1}]} {
    %mul3A = arith.constant 16 : i32
    %mul3A_0 = arith.muli %arg0, %mul3A : i32
    %add3A = arith.addi %mul3A_0, %arg1 : i32
    "tpu.region"() ({
      %run_scoped3A = tpu.sem_alloc : memref<!tpu.dma_semaphore, #tpu.memory_space<semaphore_mem>>
      %dma_start3A = arith.constant 0 : i32
      %dma_start3A_45 = arith.constant 0 : i32
      %dma_start3A_46 = tpu.memref_slice %arg3[%add3A, %dma_start3A, %dma_start3A_45] : memref<32x84x128xi32, #tpu.memory_space<hbm>> -> memref<1x84x128xi32, #tpu.memory_space<hbm>>
      %dma_start3A_47 = tpu.memref_squeeze %dma_start3A_46 : memref<1x84x128xi32, #tpu.memory_space<hbm>> -> memref<84x128xi32, #tpu.memory_space<hbm>>
      %dma_start3A_48 = arith.constant 0 : i32
      %dma_start3A_49 = arith.constant 0 : i32
      %dma_start3A_50 = tpu.memref_slice %arg3[%add3A, %dma_start3A_48, %dma_start3A_49] : memref<32x84x128xi32, #tpu.memory_space<hbm>> -> memref<1x84x128xi32, #tpu.memory_space<hbm>>
      %dma_start3A_51 = tpu.memref_squeeze %dma_start3A_50 : memref<1x84x128xi32, #tpu.memory_space<hbm>> -> memref<84x128xi32, #tpu.memory_space<hbm>>
      tpu.enqueue_dma source(%dma_start3A_51 : memref<84x128xi32, #tpu.memory_space<hbm>>) target(%arg6 : memref<84x128xi32, #tpu.memory_space<vmem>>) target_semaphore(%run_scoped3A : memref<!tpu.dma_semaphore, #tpu.memory_space<semaphore_mem>>)
      %dma_wait3A = arith.constant 0 : i32
      %dma_wait3A_52 = arith.constant 0 : i32
      %dma_wait3A_53 = tpu.memref_slice %arg3[%add3A, %dma_wait3A, %dma_wait3A_52] : memref<32x84x128xi32, #tpu.memory_space<hbm>> -> memref<1x84x128xi32, #tpu.memory_space<hbm>>
      %dma_wait3A_54 = tpu.memref_squeeze %dma_wait3A_53 : memref<1x84x128xi32, #tpu.memory_space<hbm>> -> memref<84x128xi32, #tpu.memory_space<hbm>>
      %dma_wait3A_55 = arith.constant 0 : i32
      %dma_wait3A_56 = arith.constant 0 : i32
      %dma_wait3A_57 = tpu.memref_slice %arg3[%add3A, %dma_wait3A_55, %dma_wait3A_56] : memref<32x84x128xi32, #tpu.memory_space<hbm>> -> memref<1x84x128xi32, #tpu.memory_space<hbm>>
      %dma_wait3A_58 = tpu.memref_squeeze %dma_wait3A_57 : memref<1x84x128xi32, #tpu.memory_space<hbm>> -> memref<84x128xi32, #tpu.memory_space<hbm>>
      tpu.wait_dma2 semaphore(%run_scoped3A : memref<!tpu.dma_semaphore, #tpu.memory_space<semaphore_mem>>) src(%dma_wait3A_58 : memref<84x128xi32, #tpu.memory_space<hbm>>) dst(%arg6 : memref<84x128xi32, #tpu.memory_space<vmem>>)
      tpu.yield
    }) : () -> ()
    "tpu.region"() ({
      %run_scoped3A = tpu.sem_alloc : memref<!tpu.dma_semaphore, #tpu.memory_space<semaphore_mem>>
      %dma_start3A = arith.constant 0 : i32
      %dma_start3A_45 = arith.constant 0 : i32
      %dma_start3A_46 = tpu.memref_slice %arg4[%add3A, %dma_start3A, %dma_start3A_45] : memref<32x84x128xi32, #tpu.memory_space<hbm>> -> memref<1x84x128xi32, #tpu.memory_space<hbm>>
      %dma_start3A_47 = tpu.memref_squeeze %dma_start3A_46 : memref<1x84x128xi32, #tpu.memory_space<hbm>> -> memref<84x128xi32, #tpu.memory_space<hbm>>
      %dma_start3A_48 = arith.constant 0 : i32
      %dma_start3A_49 = arith.constant 0 : i32
      %dma_start3A_50 = tpu.memref_slice %arg4[%add3A, %dma_start3A_48, %dma_start3A_49] : memref<32x84x128xi32, #tpu.memory_space<hbm>> -> memref<1x84x128xi32, #tpu.memory_space<hbm>>
      %dma_start3A_51 = tpu.memref_squeeze %dma_start3A_50 : memref<1x84x128xi32, #tpu.memory_space<hbm>> -> memref<84x128xi32, #tpu.memory_space<hbm>>
      tpu.enqueue_dma source(%dma_start3A_51 : memref<84x128xi32, #tpu.memory_space<hbm>>) target(%arg7 : memref<84x128xi32, #tpu.memory_space<vmem>>) target_semaphore(%run_scoped3A : memref<!tpu.dma_semaphore, #tpu.memory_space<semaphore_mem>>)
      %dma_wait3A = arith.constant 0 : i32
      %dma_wait3A_52 = arith.constant 0 : i32
      %dma_wait3A_53 = tpu.memref_slice %arg4[%add3A, %dma_wait3A, %dma_wait3A_52] : memref<32x84x128xi32, #tpu.memory_space<hbm>> -> memref<1x84x128xi32, #tpu.memory_space<hbm>>
      %dma_wait3A_54 = tpu.memref_squeeze %dma_wait3A_53 : memref<1x84x128xi32, #tpu.memory_space<hbm>> -> memref<84x128xi32, #tpu.memory_space<hbm>>
      %dma_wait3A_55 = arith.constant 0 : i32
      %dma_wait3A_56 = arith.constant 0 : i32
      %dma_wait3A_57 = tpu.memref_slice %arg4[%add3A, %dma_wait3A_55, %dma_wait3A_56] : memref<32x84x128xi32, #tpu.memory_space<hbm>> -> memref<1x84x128xi32, #tpu.memory_space<hbm>>
      %dma_wait3A_58 = tpu.memref_squeeze %dma_wait3A_57 : memref<1x84x128xi32, #tpu.memory_space<hbm>> -> memref<84x128xi32, #tpu.memory_space<hbm>>
      tpu.wait_dma2 semaphore(%run_scoped3A : memref<!tpu.dma_semaphore, #tpu.memory_space<semaphore_mem>>) src(%dma_wait3A_58 : memref<84x128xi32, #tpu.memory_space<hbm>>) dst(%arg7 : memref<84x128xi32, #tpu.memory_space<vmem>>)
      tpu.yield
    }) : () -> ()
    %broadcast_in_dim3A = arith.constant 0.000000e+00 : f32
    %broadcast_in_dim3A_1 = vector.broadcast %broadcast_in_dim3A : f32 to vector<16xf32>
    %scan3A = arith.constant 0 : i32
    %scan3A_2 = arith.constant 0 : i32
    %scan3A_3 = arith.constant 128 : i32
    %scan3A_4 = arith.addi %scan3A_2, %scan3A_3 : i32
    %scan3A_5 = arith.constant 1 : i32
    %scan3A_6 = scf.for %scan3A_45 = %scan3A_2 to %scan3A_4 step %scan3A_5 iter_args(%scan3A_46 = %scan3A) -> (i32)  : i32 {
      %swap3A = arith.index_cast %scan3A_45 : i32 to index
      %swap3A_47 = arith.constant 0 : index
      %swap3A_48 = tpu.vector_load %arg10[%swap3A, %swap3A_47] {strides = array<i32>} : memref<128x64xf32, #tpu.memory_space<vmem>>, vector<1x16xf32>,
      %swap3A_49 = vector.shape_cast %swap3A_48 : vector<1x16xf32> to vector<16xf32>
      %swap3A_50 = vector.shape_cast %broadcast_in_dim3A_1 : vector<16xf32> to vector<1x16xf32>
      tpu.vector_store %arg10[%swap3A, %swap3A_47], %swap3A_50 {strides = array<i32>} : memref<128x64xf32, #tpu.memory_space<vmem>>, vector<1x16xf32>,
      %swap3A_51 = arith.index_cast %scan3A_45 : i32 to index
      %swap3A_52 = arith.constant 16 : index
      %swap3A_53 = tpu.vector_load %arg10[%swap3A_51, %swap3A_52] {strides = array<i32>} : memref<128x64xf32, #tpu.memory_space<vmem>>, vector<1x16xf32>,
      %swap3A_54 = vector.shape_cast %swap3A_53 : vector<1x16xf32> to vector<16xf32>
      %swap3A_55 = vector.shape_cast %broadcast_in_dim3A_1 : vector<16xf32> to vector<1x16xf32>
      tpu.vector_store %arg10[%swap3A_51, %swap3A_52], %swap3A_55 {strides = array<i32>} : memref<128x64xf32, #tpu.memory_space<vmem>>, vector<1x16xf32>,
      %swap3A_56 = arith.index_cast %scan3A_45 : i32 to index
      %swap3A_57 = arith.constant 32 : index
      %swap3A_58 = tpu.vector_load %arg10[%swap3A_56, %swap3A_57] {strides = array<i32>} : memref<128x64xf32, #tpu.memory_space<vmem>>, vector<1x16xf32>,
      %swap3A_59 = vector.shape_cast %swap3A_58 : vector<1x16xf32> to vector<16xf32>
      %swap3A_60 = vector.shape_cast %broadcast_in_dim3A_1 : vector<16xf32> to vector<1x16xf32>
      tpu.vector_store %arg10[%swap3A_56, %swap3A_57], %swap3A_60 {strides = array<i32>} : memref<128x64xf32, #tpu.memory_space<vmem>>, vector<1x16xf32>,
      %swap3A_61 = arith.index_cast %scan3A_45 : i32 to index
      %swap3A_62 = arith.constant 48 : index
      %swap3A_63 = tpu.vector_load %arg10[%swap3A_61, %swap3A_62] {strides = array<i32>} : memref<128x64xf32, #tpu.memory_space<vmem>>, vector<1x16xf32>,
      %swap3A_64 = vector.shape_cast %swap3A_63 : vector<1x16xf32> to vector<16xf32>
      %swap3A_65 = vector.shape_cast %broadcast_in_dim3A_1 : vector<16xf32> to vector<1x16xf32>
      tpu.vector_store %arg10[%swap3A_61, %swap3A_62], %swap3A_65 {strides = array<i32>} : memref<128x64xf32, #tpu.memory_space<vmem>>, vector<1x16xf32>,
      %scan3A_66 = arith.constant 0 : i32
      scf.yield %scan3A_66 : i32
    }
    %scan3A_7 = arith.constant 128 : i32
    %mul3A_8 = arith.constant 640 : i32
    %mul3A_9 = arith.muli %arg1, %mul3A_8 : i32
    %add3A_10 = arith.constant 0 : i32
    %add3A_11 = arith.addi %mul3A_9, %add3A_10 : i32
    "tpu.region"() ({
      %run_scoped3A = tpu.sem_alloc : memref<!tpu.dma_semaphore, #tpu.memory_space<semaphore_mem>>
      %dma_start3A = arith.constant 0 : i32
      %dma_start3A_45 = tpu.memref_slice %arg12[%add3A_11, %dma_start3A] : memref<10240x64xf32, #tpu.memory_space<vmem_shared>> -> memref<128x64xf32, #tpu.memory_space<vmem_shared>>
      %dma_start3A_46 = arith.constant 0 : i32
      %dma_start3A_47 = tpu.memref_slice %arg12[%add3A_11, %dma_start3A_46] : memref<10240x64xf32, #tpu.memory_space<vmem_shared>> -> memref<128x64xf32, #tpu.memory_space<vmem_shared>>
      tpu.enqueue_dma source(%arg10 : memref<128x64xf32, #tpu.memory_space<vmem>>) target(%dma_start3A_47 : memref<128x64xf32, #tpu.memory_space<vmem_shared>>) target_semaphore(%run_scoped3A : memref<!tpu.dma_semaphore, #tpu.memory_space<semaphore_mem>>)
      %dma_wait3A = arith.constant 0 : i32
      %dma_wait3A_48 = tpu.memref_slice %arg12[%add3A_11, %dma_wait3A] : memref<10240x64xf32, #tpu.memory_space<vmem_shared>> -> memref<128x64xf32, #tpu.memory_space<vmem_shared>>
      %dma_wait3A_49 = arith.constant 0 : i32
      %dma_wait3A_50 = tpu.memref_slice %arg12[%add3A_11, %dma_wait3A_49] : memref<10240x64xf32, #tpu.memory_space<vmem_shared>> -> memref<128x64xf32, #tpu.memory_space<vmem_shared>>
      tpu.wait_dma2 semaphore(%run_scoped3A : memref<!tpu.dma_semaphore, #tpu.memory_space<semaphore_mem>>) src(%arg10 : memref<128x64xf32, #tpu.memory_space<vmem>>) dst(%dma_wait3A_50 : memref<128x64xf32, #tpu.memory_space<vmem_shared>>)
      tpu.yield
    }) : () -> ()
    %mul3A_12 = arith.constant 640 : i32
    %mul3A_13 = arith.muli %arg1, %mul3A_12 : i32
    %add3A_14 = arith.constant 128 : i32
    %add3A_15 = arith.addi %mul3A_13, %add3A_14 : i32
    "tpu.region"() ({
      %run_scoped3A = tpu.sem_alloc : memref<!tpu.dma_semaphore, #tpu.memory_space<semaphore_mem>>
      %dma_start3A = arith.constant 0 : i32
      %dma_start3A_45 = tpu.memref_slice %arg12[%add3A_15, %dma_start3A] : memref<10240x64xf32, #tpu.memory_space<vmem_shared>> -> memref<128x64xf32, #tpu.memory_space<vmem_shared>>
      %dma_start3A_46 = arith.constant 0 : i32
      %dma_start3A_47 = tpu.memref_slice %arg12[%add3A_15, %dma_start3A_46] : memref<10240x64xf32, #tpu.memory_space<vmem_shared>> -> memref<128x64xf32, #tpu.memory_space<vmem_shared>>
      tpu.enqueue_dma source(%arg10 : memref<128x64xf32, #tpu.memory_space<vmem>>) target(%dma_start3A_47 : memref<128x64xf32, #tpu.memory_space<vmem_shared>>) target_semaphore(%run_scoped3A : memref<!tpu.dma_semaphore, #tpu.memory_space<semaphore_mem>>)
      %dma_wait3A = arith.constant 0 : i32
      %dma_wait3A_48 = tpu.memref_slice %arg12[%add3A_15, %dma_wait3A] : memref<10240x64xf32, #tpu.memory_space<vmem_shared>> -> memref<128x64xf32, #tpu.memory_space<vmem_shared>>
      %dma_wait3A_49 = arith.constant 0 : i32
      %dma_wait3A_50 = tpu.memref_slice %arg12[%add3A_15, %dma_wait3A_49] : memref<10240x64xf32, #tpu.memory_space<vmem_shared>> -> memref<128x64xf32, #tpu.memory_space<vmem_shared>>
      tpu.wait_dma2 semaphore(%run_scoped3A : memref<!tpu.dma_semaphore, #tpu.memory_space<semaphore_mem>>) src(%arg10 : memref<128x64xf32, #tpu.memory_space<vmem>>) dst(%dma_wait3A_50 : memref<128x64xf32, #tpu.memory_space<vmem_shared>>)
      tpu.yield
    }) : () -> ()
    %mul3A_16 = arith.constant 640 : i32
    %mul3A_17 = arith.muli %arg1, %mul3A_16 : i32
    %add3A_18 = arith.constant 256 : i32
    %add3A_19 = arith.addi %mul3A_17, %add3A_18 : i32
    "tpu.region"() ({
      %run_scoped3A = tpu.sem_alloc : memref<!tpu.dma_semaphore, #tpu.memory_space<semaphore_mem>>
      %dma_start3A = arith.constant 0 : i32
      %dma_start3A_45 = tpu.memref_slice %arg12[%add3A_19, %dma_start3A] : memref<10240x64xf32, #tpu.memory_space<vmem_shared>> -> memref<128x64xf32, #tpu.memory_space<vmem_shared>>
      %dma_start3A_46 = arith.constant 0 : i32
      %dma_start3A_47 = tpu.memref_slice %arg12[%add3A_19, %dma_start3A_46] : memref<10240x64xf32, #tpu.memory_space<vmem_shared>> -> memref<128x64xf32, #tpu.memory_space<vmem_shared>>
      tpu.enqueue_dma source(%arg10 : memref<128x64xf32, #tpu.memory_space<vmem>>) target(%dma_start3A_47 : memref<128x64xf32, #tpu.memory_space<vmem_shared>>) target_semaphore(%run_scoped3A : memref<!tpu.dma_semaphore, #tpu.memory_space<semaphore_mem>>)
      %dma_wait3A = arith.constant 0 : i32
      %dma_wait3A_48 = tpu.memref_slice %arg12[%add3A_19, %dma_wait3A] : memref<10240x64xf32, #tpu.memory_space<vmem_shared>> -> memref<128x64xf32, #tpu.memory_space<vmem_shared>>
      %dma_wait3A_49 = arith.constant 0 : i32
      %dma_wait3A_50 = tpu.memref_slice %arg12[%add3A_19, %dma_wait3A_49] : memref<10240x64xf32, #tpu.memory_space<vmem_shared>> -> memref<128x64xf32, #tpu.memory_space<vmem_shared>>
      tpu.wait_dma2 semaphore(%run_scoped3A : memref<!tpu.dma_semaphore, #tpu.memory_space<semaphore_mem>>) src(%arg10 : memref<128x64xf32, #tpu.memory_space<vmem>>) dst(%dma_wait3A_50 : memref<128x64xf32, #tpu.memory_space<vmem_shared>>)
      tpu.yield
    }) : () -> ()
    %mul3A_20 = arith.constant 640 : i32
    %mul3A_21 = arith.muli %arg1, %mul3A_20 : i32
    %add3A_22 = arith.constant 384 : i32
    %add3A_23 = arith.addi %mul3A_21, %add3A_22 : i32
    "tpu.region"() ({
      %run_scoped3A = tpu.sem_alloc : memref<!tpu.dma_semaphore, #tpu.memory_space<semaphore_mem>>
      %dma_start3A = arith.constant 0 : i32
      %dma_start3A_45 = tpu.memref_slice %arg12[%add3A_23, %dma_start3A] : memref<10240x64xf32, #tpu.memory_space<vmem_shared>> -> memref<128x64xf32, #tpu.memory_space<vmem_shared>>
      %dma_start3A_46 = arith.constant 0 : i32
      %dma_start3A_47 = tpu.memref_slice %arg12[%add3A_23, %dma_start3A_46] : memref<10240x64xf32, #tpu.memory_space<vmem_shared>> -> memref<128x64xf32, #tpu.memory_space<vmem_shared>>
      tpu.enqueue_dma source(%arg10 : memref<128x64xf32, #tpu.memory_space<vmem>>) target(%dma_start3A_47 : memref<128x64xf32, #tpu.memory_space<vmem_shared>>) target_semaphore(%run_scoped3A : memref<!tpu.dma_semaphore, #tpu.memory_space<semaphore_mem>>)
      %dma_wait3A = arith.constant 0 : i32
      %dma_wait3A_48 = tpu.memref_slice %arg12[%add3A_23, %dma_wait3A] : memref<10240x64xf32, #tpu.memory_space<vmem_shared>> -> memref<128x64xf32, #tpu.memory_space<vmem_shared>>
      %dma_wait3A_49 = arith.constant 0 : i32
      %dma_wait3A_50 = tpu.memref_slice %arg12[%add3A_23, %dma_wait3A_49] : memref<10240x64xf32, #tpu.memory_space<vmem_shared>> -> memref<128x64xf32, #tpu.memory_space<vmem_shared>>
      tpu.wait_dma2 semaphore(%run_scoped3A : memref<!tpu.dma_semaphore, #tpu.memory_space<semaphore_mem>>) src(%arg10 : memref<128x64xf32, #tpu.memory_space<vmem>>) dst(%dma_wait3A_50 : memref<128x64xf32, #tpu.memory_space<vmem_shared>>)
      tpu.yield
    }) : () -> ()
    %mul3A_24 = arith.constant 640 : i32
    %mul3A_25 = arith.muli %arg1, %mul3A_24 : i32
    %add3A_26 = arith.constant 512 : i32
    %add3A_27 = arith.addi %mul3A_25, %add3A_26 : i32
    "tpu.region"() ({
      %run_scoped3A = tpu.sem_alloc : memref<!tpu.dma_semaphore, #tpu.memory_space<semaphore_mem>>
      %dma_start3A = arith.constant 0 : i32
      %dma_start3A_45 = tpu.memref_slice %arg12[%add3A_27, %dma_start3A] : memref<10240x64xf32, #tpu.memory_space<vmem_shared>> -> memref<128x64xf32, #tpu.memory_space<vmem_shared>>
      %dma_start3A_46 = arith.constant 0 : i32
      %dma_start3A_47 = tpu.memref_slice %arg12[%add3A_27, %dma_start3A_46] : memref<10240x64xf32, #tpu.memory_space<vmem_shared>> -> memref<128x64xf32, #tpu.memory_space<vmem_shared>>
      tpu.enqueue_dma source(%arg10 : memref<128x64xf32, #tpu.memory_space<vmem>>) target(%dma_start3A_47 : memref<128x64xf32, #tpu.memory_space<vmem_shared>>) target_semaphore(%run_scoped3A : memref<!tpu.dma_semaphore, #tpu.memory_space<semaphore_mem>>)
      %dma_wait3A = arith.constant 0 : i32
      %dma_wait3A_48 = tpu.memref_slice %arg12[%add3A_27, %dma_wait3A] : memref<10240x64xf32, #tpu.memory_space<vmem_shared>> -> memref<128x64xf32, #tpu.memory_space<vmem_shared>>
      %dma_wait3A_49 = arith.constant 0 : i32
      %dma_wait3A_50 = tpu.memref_slice %arg12[%add3A_27, %dma_wait3A_49] : memref<10240x64xf32, #tpu.memory_space<vmem_shared>> -> memref<128x64xf32, #tpu.memory_space<vmem_shared>>
      tpu.wait_dma2 semaphore(%run_scoped3A : memref<!tpu.dma_semaphore, #tpu.memory_space<semaphore_mem>>) src(%arg10 : memref<128x64xf32, #tpu.memory_space<vmem>>) dst(%dma_wait3A_50 : memref<128x64xf32, #tpu.memory_space<vmem_shared>>)
      tpu.yield
    }) : () -> ()
    %barrier3A = arith.constant 0 : index
    tpu.barrier barrier_id(%barrier3A)
    %mul3A_28 = arith.constant 640 : i32
    %mul3A_29 = arith.muli %arg1, %mul3A_28 : i32
    %mul3A_30 = arith.constant 640 : i32
    %mul3A_31 = arith.muli %arg1, %mul3A_30 : i32
    "tpu.region"() ({
      %run_scoped3A = tpu.sem_alloc : memref<!tpu.dma_semaphore, #tpu.memory_space<semaphore_mem>>
      %dma_start3A = arith.constant 0 : i32
      %dma_start3A_45 = tpu.memref_slice %arg11[%mul3A_31, %dma_start3A] : memref<10240x64xf32, #tpu.memory_space<vmem_shared>> -> memref<640x64xf32, #tpu.memory_space<vmem_shared>>
      %dma_start3A_46 = arith.constant 0 : i32
      %dma_start3A_47 = tpu.memref_slice %arg2[%mul3A_29, %dma_start3A_46] : memref<10240x64xf32, #tpu.memory_space<hbm>> -> memref<640x64xf32, #tpu.memory_space<hbm>>
      tpu.enqueue_dma source(%dma_start3A_47 : memref<640x64xf32, #tpu.memory_space<hbm>>) target(%dma_start3A_45 : memref<640x64xf32, #tpu.memory_space<vmem_shared>>) target_semaphore(%run_scoped3A : memref<!tpu.dma_semaphore, #tpu.memory_space<semaphore_mem>>)
      %dma_wait3A = arith.constant 0 : i32
      %dma_wait3A_48 = tpu.memref_slice %arg11[%mul3A_31, %dma_wait3A] : memref<10240x64xf32, #tpu.memory_space<vmem_shared>> -> memref<640x64xf32, #tpu.memory_space<vmem_shared>>
      %dma_wait3A_49 = arith.constant 0 : i32
      %dma_wait3A_50 = tpu.memref_slice %arg2[%mul3A_29, %dma_wait3A_49] : memref<10240x64xf32, #tpu.memory_space<hbm>> -> memref<640x64xf32, #tpu.memory_space<hbm>>
      tpu.wait_dma2 semaphore(%run_scoped3A : memref<!tpu.dma_semaphore, #tpu.memory_space<semaphore_mem>>) src(%dma_wait3A_50 : memref<640x64xf32, #tpu.memory_space<hbm>>) dst(%dma_wait3A_48 : memref<640x64xf32, #tpu.memory_space<vmem_shared>>)
      tpu.yield
    }) : () -> ()
    %barrier3A_32 = arith.constant 0 : index
    tpu.barrier barrier_id(%barrier3A_32)
    %scan3A_33 = arith.constant 0 : i32
    %scan3A_34 = arith.constant 0 : i32
    %scan3A_35 = arith.constant 40 : i32
    %scan3A_36 = arith.addi %scan3A_34, %scan3A_35 : i32
    %scan3A_37 = arith.constant 1 : i32
    %scan3A_38 = scf.for %scan3A_45 = %scan3A_34 to %scan3A_36 step %scan3A_37 iter_args(%scan3A_46 = %scan3A_33) -> (i32)  : i32 {
      %mul3A_47 = arith.constant 2 : i32
      %mul3A_48 = arith.muli %mul3A_47, %scan3A_45 : i32
      %dma_start3A = arith.constant 0 : i32
      %dma_start3A_49 = tpu.memref_slice %arg6[%mul3A_48, %dma_start3A] : memref<84x128xi32, #tpu.memory_space<vmem>> -> memref<1x128xi32, #tpu.memory_space<vmem>>
      %dma_start3A_50 = tpu.memref_squeeze %dma_start3A_49 : memref<1x128xi32, #tpu.memory_space<vmem>> -> memref<128xi32, #tpu.memory_space<vmem>>
      %dma_start3A_51 = arith.constant 0 : i32
      %dma_start3A_52 = arith.constant 0 : i32
      %dma_start3A_53 = tpu.memref_slice %arg11[%dma_start3A_51, %dma_start3A_52] : memref<10240x64xf32, #tpu.memory_space<vmem_shared>> -> memref<10240x64xf32, #tpu.memory_space<vmem_shared>>
      tpu.enqueue_indirect_dma source(%dma_start3A_53 : memref<10240x64xf32, #tpu.memory_space<vmem_shared>>) target(%arg8 : memref<128x64xf32, #tpu.memory_space<vmem>>) offsets(%dma_start3A_50 : memref<128xi32, #tpu.memory_space<vmem>>) semaphore(%arg13 : memref<!tpu.dma_semaphore, #tpu.memory_space<semaphore_mem>>)
      %add3A_54 = arith.constant 1 : i32
      %add3A_55 = arith.addi %mul3A_48, %add3A_54 : i32
      %dma_start3A_56 = arith.constant 0 : i32
      %dma_start3A_57 = tpu.memref_slice %arg6[%add3A_55, %dma_start3A_56] : memref<84x128xi32, #tpu.memory_space<vmem>> -> memref<1x128xi32, #tpu.memory_space<vmem>>
      %dma_start3A_58 = tpu.memref_squeeze %dma_start3A_57 : memref<1x128xi32, #tpu.memory_space<vmem>> -> memref<128xi32, #tpu.memory_space<vmem>>
      %dma_start3A_59 = arith.constant 0 : i32
      %dma_start3A_60 = arith.constant 0 : i32
      %dma_start3A_61 = tpu.memref_slice %arg11[%dma_start3A_59, %dma_start3A_60] : memref<10240x64xf32, #tpu.memory_space<vmem_shared>> -> memref<10240x64xf32, #tpu.memory_space<vmem_shared>>
      tpu.enqueue_indirect_dma source(%dma_start3A_61 : memref<10240x64xf32, #tpu.memory_space<vmem_shared>>) target(%arg9 : memref<128x64xf32, #tpu.memory_space<vmem>>) offsets(%dma_start3A_58 : memref<128xi32, #tpu.memory_space<vmem>>) semaphore(%arg14 : memref<!tpu.dma_semaphore, #tpu.memory_space<semaphore_mem>>)
      %dma_wait3A = arith.constant 0 : i32
      %dma_wait3A_62 = tpu.memref_slice %arg6[%mul3A_48, %dma_wait3A] : memref<84x128xi32, #tpu.memory_space<vmem>> -> memref<1x128xi32, #tpu.memory_space<vmem>>
      %dma_wait3A_63 = tpu.memref_squeeze %dma_wait3A_62 : memref<1x128xi32, #tpu.memory_space<vmem>> -> memref<128xi32, #tpu.memory_space<vmem>>
      %dma_wait3A_64 = arith.constant 0 : i32
      %dma_wait3A_65 = arith.constant 0 : i32
      %dma_wait3A_66 = tpu.memref_slice %arg11[%dma_wait3A_64, %dma_wait3A_65] : memref<10240x64xf32, #tpu.memory_space<vmem_shared>> -> memref<10240x64xf32, #tpu.memory_space<vmem_shared>>
      tpu.wait_indirect_dma semaphore(%arg13 : memref<!tpu.dma_semaphore, #tpu.memory_space<semaphore_mem>>) src(%dma_wait3A_66 : memref<10240x64xf32, #tpu.memory_space<vmem_shared>>) dst(%arg8 : memref<128x64xf32, #tpu.memory_space<vmem>>)
      "tpu.region"() ({
        %run_scoped3A = tpu.sem_alloc : memref<!tpu.dma_semaphore, #tpu.memory_space<semaphore_mem>>
        %dma_start3A_76 = arith.constant 0 : i32
        %dma_start3A_77 = tpu.memref_slice %arg7[%mul3A_48, %dma_start3A_76] : memref<84x128xi32, #tpu.memory_space<vmem>> -> memref<1x128xi32, #tpu.memory_space<vmem>>
        %dma_start3A_78 = tpu.memref_squeeze %dma_start3A_77 : memref<1x128xi32, #tpu.memory_space<vmem>> -> memref<128xi32, #tpu.memory_space<vmem>>
        %dma_start3A_79 = arith.constant 0 : i32
        %dma_start3A_80 = arith.constant 0 : i32
        %dma_start3A_81 = tpu.memref_slice %arg12[%dma_start3A_79, %dma_start3A_80] : memref<10240x64xf32, #tpu.memory_space<vmem_shared>> -> memref<10240x64xf32, #tpu.memory_space<vmem_shared>>
        tpu.enqueue_indirect_dma source(%arg8 : memref<128x64xf32, #tpu.memory_space<vmem>>) target(%dma_start3A_81 : memref<10240x64xf32, #tpu.memory_space<vmem_shared>>) offsets(%dma_start3A_78 : memref<128xi32, #tpu.memory_space<vmem>>) semaphore(%run_scoped3A : memref<!tpu.dma_semaphore, #tpu.memory_space<semaphore_mem>>) {add = true}
        %dma_wait3A_82 = arith.constant 0 : i32
        %dma_wait3A_83 = tpu.memref_slice %arg7[%mul3A_48, %dma_wait3A_82] : memref<84x128xi32, #tpu.memory_space<vmem>> -> memref<1x128xi32, #tpu.memory_space<vmem>>
        %dma_wait3A_84 = tpu.memref_squeeze %dma_wait3A_83 : memref<1x128xi32, #tpu.memory_space<vmem>> -> memref<128xi32, #tpu.memory_space<vmem>>
        %dma_wait3A_85 = arith.constant 0 : i32
        %dma_wait3A_86 = arith.constant 0 : i32
        %dma_wait3A_87 = tpu.memref_slice %arg12[%dma_wait3A_85, %dma_wait3A_86] : memref<10240x64xf32, #tpu.memory_space<vmem_shared>> -> memref<10240x64xf32, #tpu.memory_space<vmem_shared>>
        tpu.wait_indirect_dma semaphore(%run_scoped3A : memref<!tpu.dma_semaphore, #tpu.memory_space<semaphore_mem>>) src(%arg8 : memref<128x64xf32, #tpu.memory_space<vmem>>) dst(%dma_wait3A_87 : memref<10240x64xf32, #tpu.memory_space<vmem_shared>>)
        tpu.yield
      }) : () -> ()
      %dma_wait3A_67 = arith.constant 0 : i32
      %dma_wait3A_68 = tpu.memref_slice %arg6[%add3A_55, %dma_wait3A_67] : memref<84x128xi32, #tpu.memory_space<vmem>> -> memref<1x128xi32, #tpu.memory_space<vmem>>
      %dma_wait3A_69 = tpu.memref_squeeze %dma_wait3A_68 : memref<1x128xi32, #tpu.memory_space<vmem>> -> memref<128xi32, #tpu.memory_space<vmem>>
      %dma_wait3A_70 = arith.constant 0 : i32
      %dma_wait3A_71 = arith.constant 0 : i32
      %dma_wait3A_72 = tpu.memref_slice %arg11[%dma_wait3A_70, %dma_wait3A_71] : memref<10240x64xf32, #tpu.memory_space<vmem_shared>> -> memref<10240x64xf32, #tpu.memory_space<vmem_shared>>
      tpu.wait_indirect_dma semaphore(%arg14 : memref<!tpu.dma_semaphore, #tpu.memory_space<semaphore_mem>>) src(%dma_wait3A_72 : memref<10240x64xf32, #tpu.memory_space<vmem_shared>>) dst(%arg9 : memref<128x64xf32, #tpu.memory_space<vmem>>)
      %add3A_73 = arith.constant 1 : i32
      %add3A_74 = arith.addi %mul3A_48, %add3A_73 : i32
      "tpu.region"() ({
        %run_scoped3A = tpu.sem_alloc : memref<!tpu.dma_semaphore, #tpu.memory_space<semaphore_mem>>
        %dma_start3A_76 = arith.constant 0 : i32
        %dma_start3A_77 = tpu.memref_slice %arg7[%add3A_74, %dma_start3A_76] : memref<84x128xi32, #tpu.memory_space<vmem>> -> memref<1x128xi32, #tpu.memory_space<vmem>>
        %dma_start3A_78 = tpu.memref_squeeze %dma_start3A_77 : memref<1x128xi32, #tpu.memory_space<vmem>> -> memref<128xi32, #tpu.memory_space<vmem>>
        %dma_start3A_79 = arith.constant 0 : i32
        %dma_start3A_80 = arith.constant 0 : i32
        %dma_start3A_81 = tpu.memref_slice %arg12[%dma_start3A_79, %dma_start3A_80] : memref<10240x64xf32, #tpu.memory_space<vmem_shared>> -> memref<10240x64xf32, #tpu.memory_space<vmem_shared>>
        tpu.enqueue_indirect_dma source(%arg9 : memref<128x64xf32, #tpu.memory_space<vmem>>) target(%dma_start3A_81 : memref<10240x64xf32, #tpu.memory_space<vmem_shared>>) offsets(%dma_start3A_78 : memref<128xi32, #tpu.memory_space<vmem>>) semaphore(%run_scoped3A : memref<!tpu.dma_semaphore, #tpu.memory_space<semaphore_mem>>) {add = true}
        %dma_wait3A_82 = arith.constant 0 : i32
        %dma_wait3A_83 = tpu.memref_slice %arg7[%add3A_74, %dma_wait3A_82] : memref<84x128xi32, #tpu.memory_space<vmem>> -> memref<1x128xi32, #tpu.memory_space<vmem>>
        %dma_wait3A_84 = tpu.memref_squeeze %dma_wait3A_83 : memref<1x128xi32, #tpu.memory_space<vmem>> -> memref<128xi32, #tpu.memory_space<vmem>>
        %dma_wait3A_85 = arith.constant 0 : i32
        %dma_wait3A_86 = arith.constant 0 : i32
        %dma_wait3A_87 = tpu.memref_slice %arg12[%dma_wait3A_85, %dma_wait3A_86] : memref<10240x64xf32, #tpu.memory_space<vmem_shared>> -> memref<10240x64xf32, #tpu.memory_space<vmem_shared>>
        tpu.wait_indirect_dma semaphore(%run_scoped3A : memref<!tpu.dma_semaphore, #tpu.memory_space<semaphore_mem>>) src(%arg9 : memref<128x64xf32, #tpu.memory_space<vmem>>) dst(%dma_wait3A_87 : memref<10240x64xf32, #tpu.memory_space<vmem_shared>>)
        tpu.yield
      }) : () -> ()
      %scan3A_75 = arith.constant 0 : i32
      scf.yield %scan3A_75 : i32
    }
    %scan3A_39 = arith.constant 40 : i32
    %barrier3A_40 = arith.constant 0 : index
    tpu.barrier barrier_id(%barrier3A_40)
    %mul3A_41 = arith.constant 640 : i32
    %mul3A_42 = arith.muli %arg1, %mul3A_41 : i32
    %mul3A_43 = arith.constant 640 : i32
    %mul3A_44 = arith.muli %arg1, %mul3A_43 : i32
    "tpu.region"() ({
      %run_scoped3A = tpu.sem_alloc : memref<!tpu.dma_semaphore, #tpu.memory_space<semaphore_mem>>
      %dma_start3A = arith.constant 0 : i32
      %dma_start3A_45 = tpu.memref_slice %arg5[%arg0, %mul3A_44, %dma_start3A] : memref<2x10240x64xf32, #tpu.memory_space<hbm>> -> memref<1x640x64xf32, #tpu.memory_space<hbm>>
      %dma_start3A_46 = tpu.memref_squeeze %dma_start3A_45 : memref<1x640x64xf32, #tpu.memory_space<hbm>> -> memref<640x64xf32, #tpu.memory_space<hbm>>
      %dma_start3A_47 = arith.constant 0 : i32
      %dma_start3A_48 = tpu.memref_slice %arg12[%mul3A_42, %dma_start3A_47] : memref<10240x64xf32, #tpu.memory_space<vmem_shared>> -> memref<640x64xf32, #tpu.memory_space<vmem_shared>>
      tpu.enqueue_dma source(%dma_start3A_48 : memref<640x64xf32, #tpu.memory_space<vmem_shared>>) target(%dma_start3A_46 : memref<640x64xf32, #tpu.memory_space<hbm>>) target_semaphore(%run_scoped3A : memref<!tpu.dma_semaphore, #tpu.memory_space<semaphore_mem>>)
      %dma_wait3A = arith.constant 0 : i32
      %dma_wait3A_49 = tpu.memref_slice %arg5[%arg0, %mul3A_44, %dma_wait3A] : memref<2x10240x64xf32, #tpu.memory_space<hbm>> -> memref<1x640x64xf32, #tpu.memory_space<hbm>>
      %dma_wait3A_50 = tpu.memref_squeeze %dma_wait3A_49 : memref<1x640x64xf32, #tpu.memory_space<hbm>> -> memref<640x64xf32, #tpu.memory_space<hbm>>
      %dma_wait3A_51 = arith.constant 0 : i32
      %dma_wait3A_52 = tpu.memref_slice %arg12[%mul3A_42, %dma_wait3A_51] : memref<10240x64xf32, #tpu.memory_space<vmem_shared>> -> memref<640x64xf32, #tpu.memory_space<vmem_shared>>
      tpu.wait_dma2 semaphore(%run_scoped3A : memref<!tpu.dma_semaphore, #tpu.memory_space<semaphore_mem>>) src(%dma_wait3A_52 : memref<640x64xf32, #tpu.memory_space<vmem_shared>>) dst(%dma_wait3A_50 : memref<640x64xf32, #tpu.memory_space<hbm>>)
      tpu.yield
    }) : () -> ()
    return
  }
}

module attributes {stable_mosaic.version = 14 : i64} {
  func.func @_tc1_body(%arg0: i32, %arg1: memref<512x128xf32, #tpu.memory_space<vmem>>, %arg2: memref<128x64xf32, #tpu.memory_space<vmem>>, %arg3: memref<2x512xf32, #tpu.memory_space<vmem>>, %arg4: memref<512x64xf32, #tpu.memory_space<vmem>>, %arg5: memref<512xf32, #tpu.memory_space<vmem>>) attributes {dimension_semantics = [#tpu.dimension_semantics<arbitrary>], iteration_bounds = array<i64: 20>, scalar_prefetch = 0 : i64, scratch_operands = 0 : i64, tpu.core_type = #tpu.core_type<tc>, window_params = [{transform_indices = @transform_0, window_bounds = array<i64: 512, 128>}, {pipeline_mode = #tpu.pipeline_mode<synchronous>, transform_indices = @transform_1, window_bounds = array<i64: 128, 64>}, {transform_indices = @transform_2, window_bounds = array<i64: 2, 512>}, {transform_indices = @transform_3, window_bounds = array<i64: 512, 64>}, {transform_indices = @transform_4, window_bounds = array<i64: 512>}]} {
    %get3A = arith.constant 0 : index
    %get3A_0 = arith.constant 0 : index
    %get3A_1 = vector.load %arg1[%get3A, %get3A_0] : memref<512x128xf32, #tpu.memory_space<vmem>>, vector<512x128xf32>
    %get3A_2 = arith.constant 0 : index
    %get3A_3 = arith.constant 0 : index
    %get3A_4 = vector.load %arg2[%get3A_2, %get3A_3] : memref<128x64xf32, #tpu.memory_space<vmem>>, vector<128x64xf32>
    %dot_general3A = arith.constant dense<0.000000e+00> : vector<512x64xf32>
    %dot_general3A_5 = tpu.matmul %get3A_1, %get3A_4, %dot_general3A {dimension_numbers = #tpu.dot_dimension_numbers<[1], [0], [0], [1], [0, 0, 1, 1], [], []>, transpose_lhs_hint = false} : vector<512x128xf32>, vector<128x64xf32>, vector<512x64xf32> -> vector<512x64xf32>
    %get3A_6 = arith.constant 0 : index
    %get3A_7 = arith.constant 0 : index
    %get3A_8 = vector.load %arg3[%get3A_6, %get3A_7] : memref<2x512xf32, #tpu.memory_space<vmem>>, vector<1x512xf32>
    %get3A_9 = vector.shape_cast %get3A_8 : vector<1x512xf32> to vector<512xf32>
    %get3A_10 = arith.constant 1 : index
    %get3A_11 = arith.constant 0 : index
    %get3A_12 = vector.load %arg3[%get3A_10, %get3A_11] : memref<2x512xf32, #tpu.memory_space<vmem>>, vector<1x512xf32>
    %get3A_13 = vector.shape_cast %get3A_12 : vector<1x512xf32> to vector<512xf32>
    %add3A = arith.addf %get3A_9, %get3A_13 : vector<512xf32>
    %add3A_14 = arith.constant 1.000000e+00 : f32
    %add3A_15 = vector.broadcast %add3A_14 : f32 to vector<512xf32>
    %add3A_16 = arith.addf %add3A, %add3A_15 : vector<512xf32>
    %rsqrt3A = math.rsqrt %add3A_16 : vector<512xf32>
    %broadcast_in_dim3A = vector.shape_cast %rsqrt3A : vector<512xf32> to vector<512x1xf32>
    %mul3A = vector.broadcast %broadcast_in_dim3A : vector<512x1xf32> to vector<512x64xf32>
    %mul3A_17 = arith.mulf %dot_general3A_5, %mul3A : vector<512x64xf32>
    %swap3A = arith.constant 0 : index
    %swap3A_18 = arith.constant 0 : index
    %swap3A_19 = vector.load %arg4[%swap3A, %swap3A_18] : memref<512x64xf32, #tpu.memory_space<vmem>>, vector<512x64xf32>
    tpu.vector_store %arg4[%swap3A, %swap3A_18], %mul3A_17 {strides = array<i32>} : memref<512x64xf32, #tpu.memory_space<vmem>>, vector<512x64xf32>,
    %swap3A_20 = arith.constant 0 : index
    %swap3A_21 = vector.load %arg5[%swap3A_20] : memref<512xf32, #tpu.memory_space<vmem>>, vector<512xf32>
    tpu.vector_store %arg5[%swap3A_20], %rsqrt3A {strides = array<i32>} : memref<512xf32, #tpu.memory_space<vmem>>, vector<512xf32>,
    return
  }
  func.func @transform_0(%arg0: i32) -> (i32, i32) {
    %c0_i32 = arith.constant 0 : i32
    %c0_i32_0 = arith.constant 0 : i32
    return %arg0, %c0_i32 : i32, i32
  }
  func.func @transform_1(%arg0: i32) -> (i32, i32) {
    %c0_i32 = arith.constant 0 : i32
    %c0_i32_0 = arith.constant 0 : i32
    %c0_i32_1 = arith.constant 0 : i32
    return %c0_i32, %c0_i32_0 : i32, i32
  }
  func.func @transform_2(%arg0: i32) -> (i32, i32) {
    %c0_i32 = arith.constant 0 : i32
    %c0_i32_0 = arith.constant 0 : i32
    return %c0_i32, %arg0 : i32, i32
  }
  func.func @transform_3(%arg0: i32) -> (i32, i32) {
    %c0_i32 = arith.constant 0 : i32
    %c0_i32_0 = arith.constant 0 : i32
    return %arg0, %c0_i32 : i32, i32
  }
  func.func @transform_4(%arg0: i32) -> i32 {
    %c0_i32 = arith.constant 0 : i32
    return %arg0 : i32
  }
}

module attributes {stable_mosaic.version = 14 : i64} {
  func.func @_tc2_body(%arg0: i32, %arg1: memref<2x512x64xf32, #tpu.memory_space<vmem>>, %arg2: memref<512x64xf32, #tpu.memory_space<vmem>>, %arg3: memref<512xf32, #tpu.memory_space<vmem>>, %arg4: memref<64x64xf32, #tpu.memory_space<vmem>>, %arg5: memref<64xf32, #tpu.memory_space<vmem>>, %arg6: memref<512x64xf32, #tpu.memory_space<vmem>>) attributes {dimension_semantics = [#tpu.dimension_semantics<arbitrary>], iteration_bounds = array<i64: 20>, scalar_prefetch = 0 : i64, scratch_operands = 0 : i64, tpu.core_type = #tpu.core_type<tc>, window_params = [{transform_indices = @transform_0, window_bounds = array<i64: 2, 512, 64>}, {transform_indices = @transform_1, window_bounds = array<i64: 512, 64>}, {transform_indices = @transform_2, window_bounds = array<i64: 512>}, {pipeline_mode = #tpu.pipeline_mode<synchronous>, transform_indices = @transform_3, window_bounds = array<i64: 64, 64>}, {pipeline_mode = #tpu.pipeline_mode<synchronous>, transform_indices = @transform_4, window_bounds = array<i64: 64>}, {transform_indices = @transform_5, window_bounds = array<i64: 512, 64>}]} {
    %get3A = arith.constant 0 : index
    %get3A_0 = vector.load %arg3[%get3A] : memref<512xf32, #tpu.memory_space<vmem>>, vector<512xf32>
    %get3A_1 = arith.constant 0 : index
    %get3A_2 = arith.constant 0 : index
    %get3A_3 = arith.constant 0 : index
    %get3A_4 = vector.load %arg1[%get3A_1, %get3A_2, %get3A_3] : memref<2x512x64xf32, #tpu.memory_space<vmem>>, vector<1x512x64xf32>
    %get3A_5 = vector.shape_cast %get3A_4 : vector<1x512x64xf32> to vector<512x64xf32>
    %get3A_6 = arith.constant 1 : index
    %get3A_7 = arith.constant 0 : index
    %get3A_8 = arith.constant 0 : index
    %get3A_9 = vector.load %arg1[%get3A_6, %get3A_7, %get3A_8] : memref<2x512x64xf32, #tpu.memory_space<vmem>>, vector<1x512x64xf32>
    %get3A_10 = vector.shape_cast %get3A_9 : vector<1x512x64xf32> to vector<512x64xf32>
    %add3A = arith.addf %get3A_5, %get3A_10 : vector<512x64xf32>
    %get3A_11 = arith.constant 0 : index
    %get3A_12 = arith.constant 0 : index
    %get3A_13 = vector.load %arg2[%get3A_11, %get3A_12] : memref<512x64xf32, #tpu.memory_space<vmem>>, vector<512x64xf32>
    %add3A_14 = arith.addf %add3A, %get3A_13 : vector<512x64xf32>
    %broadcast_in_dim3A = vector.shape_cast %get3A_0 : vector<512xf32> to vector<512x1xf32>
    %mul3A = vector.broadcast %broadcast_in_dim3A : vector<512x1xf32> to vector<512x64xf32>
    %mul3A_15 = arith.mulf %add3A_14, %mul3A : vector<512x64xf32>
    %get3A_16 = arith.constant 0 : index
    %get3A_17 = vector.load %arg5[%get3A_16] : memref<64xf32, #tpu.memory_space<vmem>>, vector<64xf32>
    %broadcast_in_dim3A_18 = vector.shape_cast %get3A_17 : vector<64xf32> to vector<1x64xf32>
    %add3A_19 = vector.broadcast %broadcast_in_dim3A_18 : vector<1x64xf32> to vector<512x64xf32>
    %add3A_20 = arith.addf %mul3A_15, %add3A_19 : vector<512x64xf32>
    %max3A = arith.constant 0.000000e+00 : f32
    %max3A_21 = vector.broadcast %max3A : f32 to vector<512x64xf32>
    %max3A_22 = arith.maximumf %add3A_20, %max3A_21 : vector<512x64xf32>
    %get3A_23 = arith.constant 0 : index
    %get3A_24 = arith.constant 0 : index
    %get3A_25 = vector.load %arg4[%get3A_23, %get3A_24] : memref<64x64xf32, #tpu.memory_space<vmem>>, vector<64x64xf32>
    %dot_general3A = arith.constant dense<0.000000e+00> : vector<512x64xf32>
    %dot_general3A_26 = tpu.matmul %max3A_22, %get3A_25, %dot_general3A {dimension_numbers = #tpu.dot_dimension_numbers<[1], [0], [0], [1], [0, 0, 1, 1], [], []>, transpose_lhs_hint = false} : vector<512x64xf32>, vector<64x64xf32>, vector<512x64xf32> -> vector<512x64xf32>
    %broadcast_in_dim3A_27 = vector.shape_cast %get3A_0 : vector<512xf32> to vector<512x1xf32>
    %mul3A_28 = vector.broadcast %broadcast_in_dim3A_27 : vector<512x1xf32> to vector<512x64xf32>
    %mul3A_29 = arith.mulf %dot_general3A_26, %mul3A_28 : vector<512x64xf32>
    %swap3A = arith.constant 0 : index
    %swap3A_30 = arith.constant 0 : index
    %swap3A_31 = vector.load %arg6[%swap3A, %swap3A_30] : memref<512x64xf32, #tpu.memory_space<vmem>>, vector<512x64xf32>
    tpu.vector_store %arg6[%swap3A, %swap3A_30], %mul3A_29 {strides = array<i32>} : memref<512x64xf32, #tpu.memory_space<vmem>>, vector<512x64xf32>,
    return
  }
  func.func @transform_0(%arg0: i32) -> (i32, i32, i32) {
    %c0_i32 = arith.constant 0 : i32
    %c0_i32_0 = arith.constant 0 : i32
    %c0_i32_1 = arith.constant 0 : i32
    return %c0_i32, %arg0, %c0_i32_0 : i32, i32, i32
  }
  func.func @transform_1(%arg0: i32) -> (i32, i32) {
    %c0_i32 = arith.constant 0 : i32
    %c0_i32_0 = arith.constant 0 : i32
    return %arg0, %c0_i32 : i32, i32
  }
  func.func @transform_2(%arg0: i32) -> i32 {
    %c0_i32 = arith.constant 0 : i32
    return %arg0 : i32
  }
  func.func @transform_3(%arg0: i32) -> (i32, i32) {
    %c0_i32 = arith.constant 0 : i32
    %c0_i32_0 = arith.constant 0 : i32
    %c0_i32_1 = arith.constant 0 : i32
    return %c0_i32, %c0_i32_0 : i32, i32
  }
  func.func @transform_4(%arg0: i32) -> i32 {
    %c0_i32 = arith.constant 0 : i32
    %c0_i32_0 = arith.constant 0 : i32
    return %c0_i32 : i32
  }
  func.func @transform_5(%arg0: i32) -> (i32, i32) {
    %c0_i32 = arith.constant 0 : i32
    %c0_i32_0 = arith.constant 0 : i32
    return %arg0, %c0_i32 : i32, i32
  }
}

module attributes {stable_mosaic.version = 14 : i64} {
  func.func @_tc3_body(%arg0: i32, %arg1: memref<2x512x64xf32, #tpu.memory_space<vmem>>, %arg2: memref<512x64xf32, #tpu.memory_space<vmem>>, %arg3: memref<512xf32, #tpu.memory_space<vmem>>, %arg4: memref<64x8xf32, #tpu.memory_space<vmem>>, %arg5: memref<64xf32, #tpu.memory_space<vmem>>, %arg6: memref<8xf32, #tpu.memory_space<vmem>>, %arg7: memref<512x8xf32, #tpu.memory_space<vmem>>) attributes {dimension_semantics = [#tpu.dimension_semantics<arbitrary>], iteration_bounds = array<i64: 20>, scalar_prefetch = 0 : i64, scratch_operands = 0 : i64, tpu.core_type = #tpu.core_type<tc>, window_params = [{transform_indices = @transform_0, window_bounds = array<i64: 2, 512, 64>}, {transform_indices = @transform_1, window_bounds = array<i64: 512, 64>}, {transform_indices = @transform_2, window_bounds = array<i64: 512>}, {pipeline_mode = #tpu.pipeline_mode<synchronous>, transform_indices = @transform_3, window_bounds = array<i64: 64, 8>}, {pipeline_mode = #tpu.pipeline_mode<synchronous>, transform_indices = @transform_4, window_bounds = array<i64: 64>}, {pipeline_mode = #tpu.pipeline_mode<synchronous>, transform_indices = @transform_5, window_bounds = array<i64: 8>}, {transform_indices = @transform_6, window_bounds = array<i64: 512, 8>}]} {
    %get3A = arith.constant 0 : index
    %get3A_0 = vector.load %arg3[%get3A] : memref<512xf32, #tpu.memory_space<vmem>>, vector<512xf32>
    %get3A_1 = arith.constant 0 : index
    %get3A_2 = arith.constant 0 : index
    %get3A_3 = arith.constant 0 : index
    %get3A_4 = vector.load %arg1[%get3A_1, %get3A_2, %get3A_3] : memref<2x512x64xf32, #tpu.memory_space<vmem>>, vector<1x512x64xf32>
    %get3A_5 = vector.shape_cast %get3A_4 : vector<1x512x64xf32> to vector<512x64xf32>
    %get3A_6 = arith.constant 1 : index
    %get3A_7 = arith.constant 0 : index
    %get3A_8 = arith.constant 0 : index
    %get3A_9 = vector.load %arg1[%get3A_6, %get3A_7, %get3A_8] : memref<2x512x64xf32, #tpu.memory_space<vmem>>, vector<1x512x64xf32>
    %get3A_10 = vector.shape_cast %get3A_9 : vector<1x512x64xf32> to vector<512x64xf32>
    %add3A = arith.addf %get3A_5, %get3A_10 : vector<512x64xf32>
    %get3A_11 = arith.constant 0 : index
    %get3A_12 = arith.constant 0 : index
    %get3A_13 = vector.load %arg2[%get3A_11, %get3A_12] : memref<512x64xf32, #tpu.memory_space<vmem>>, vector<512x64xf32>
    %add3A_14 = arith.addf %add3A, %get3A_13 : vector<512x64xf32>
    %broadcast_in_dim3A = vector.shape_cast %get3A_0 : vector<512xf32> to vector<512x1xf32>
    %mul3A = vector.broadcast %broadcast_in_dim3A : vector<512x1xf32> to vector<512x64xf32>
    %mul3A_15 = arith.mulf %add3A_14, %mul3A : vector<512x64xf32>
    %get3A_16 = arith.constant 0 : index
    %get3A_17 = vector.load %arg5[%get3A_16] : memref<64xf32, #tpu.memory_space<vmem>>, vector<64xf32>
    %broadcast_in_dim3A_18 = vector.shape_cast %get3A_17 : vector<64xf32> to vector<1x64xf32>
    %add3A_19 = vector.broadcast %broadcast_in_dim3A_18 : vector<1x64xf32> to vector<512x64xf32>
    %add3A_20 = arith.addf %mul3A_15, %add3A_19 : vector<512x64xf32>
    %max3A = arith.constant 0.000000e+00 : f32
    %max3A_21 = vector.broadcast %max3A : f32 to vector<512x64xf32>
    %max3A_22 = arith.maximumf %add3A_20, %max3A_21 : vector<512x64xf32>
    %get3A_23 = arith.constant 0 : index
    %get3A_24 = arith.constant 0 : index
    %get3A_25 = vector.load %arg4[%get3A_23, %get3A_24] : memref<64x8xf32, #tpu.memory_space<vmem>>, vector<64x8xf32>
    %dot_general3A = arith.constant dense<0.000000e+00> : vector<512x8xf32>
    %dot_general3A_26 = tpu.matmul %max3A_22, %get3A_25, %dot_general3A {dimension_numbers = #tpu.dot_dimension_numbers<[1], [0], [0], [1], [0, 0, 1, 1], [], []>, transpose_lhs_hint = false} : vector<512x64xf32>, vector<64x8xf32>, vector<512x8xf32> -> vector<512x8xf32>
    %get3A_27 = arith.constant 0 : index
    %get3A_28 = vector.load %arg6[%get3A_27] : memref<8xf32, #tpu.memory_space<vmem>>, vector<8xf32>
    %broadcast_in_dim3A_29 = vector.shape_cast %get3A_28 : vector<8xf32> to vector<1x8xf32>
    %add3A_30 = vector.broadcast %broadcast_in_dim3A_29 : vector<1x8xf32> to vector<512x8xf32>
    %add3A_31 = arith.addf %dot_general3A_26, %add3A_30 : vector<512x8xf32>
    %reduce_max3A = arith.constant dense<0xFF800000> : vector<512xf32>
    %reduce_max3A_32 = vector.multi_reduction <maximumf>, %add3A_31, %reduce_max3A [1] : vector<512x8xf32> to vector<512xf32>
    %broadcast_in_dim3A_33 = vector.shape_cast %reduce_max3A_32 : vector<512xf32> to vector<512x1xf32>
    %sub3A = vector.broadcast %broadcast_in_dim3A_33 : vector<512x1xf32> to vector<512x8xf32>
    %sub3A_34 = arith.subf %add3A_31, %sub3A : vector<512x8xf32>
    %exp3A = math.exp %sub3A_34 : vector<512x8xf32>
    %reduce_sum3A = arith.constant dense<0.000000e+00> : vector<512xf32>
    %reduce_sum3A_35 = vector.multi_reduction <add>, %exp3A, %reduce_sum3A [1] : vector<512x8xf32> to vector<512xf32>
    %broadcast_in_dim3A_36 = vector.shape_cast %reduce_sum3A_35 : vector<512xf32> to vector<512x1xf32>
    %log3A = math.log %broadcast_in_dim3A_36 : vector<512x1xf32>
    %add3A_37 = arith.addf %broadcast_in_dim3A_33, %log3A : vector<512x1xf32>
    %sub3A_38 = vector.broadcast %add3A_37 : vector<512x1xf32> to vector<512x8xf32>
    %sub3A_39 = arith.subf %add3A_31, %sub3A_38 : vector<512x8xf32>
    %swap3A = arith.constant 0 : index
    %swap3A_40 = arith.constant 0 : index
    %swap3A_41 = vector.load %arg7[%swap3A, %swap3A_40] : memref<512x8xf32, #tpu.memory_space<vmem>>, vector<512x8xf32>
    tpu.vector_store %arg7[%swap3A, %swap3A_40], %sub3A_39 {strides = array<i32>} : memref<512x8xf32, #tpu.memory_space<vmem>>, vector<512x8xf32>,
    return
  }
  func.func @transform_0(%arg0: i32) -> (i32, i32, i32) {
    %c0_i32 = arith.constant 0 : i32
    %c0_i32_0 = arith.constant 0 : i32
    %c0_i32_1 = arith.constant 0 : i32
    return %c0_i32, %arg0, %c0_i32_0 : i32, i32, i32
  }
  func.func @transform_1(%arg0: i32) -> (i32, i32) {
    %c0_i32 = arith.constant 0 : i32
    %c0_i32_0 = arith.constant 0 : i32
    return %arg0, %c0_i32 : i32, i32
  }
  func.func @transform_2(%arg0: i32) -> i32 {
    %c0_i32 = arith.constant 0 : i32
    return %arg0 : i32
  }
  func.func @transform_3(%arg0: i32) -> (i32, i32) {
    %c0_i32 = arith.constant 0 : i32
    %c0_i32_0 = arith.constant 0 : i32
    %c0_i32_1 = arith.constant 0 : i32
    return %c0_i32, %c0_i32_0 : i32, i32
  }
  func.func @transform_4(%arg0: i32) -> i32 {
    %c0_i32 = arith.constant 0 : i32
    %c0_i32_0 = arith.constant 0 : i32
    return %c0_i32 : i32
  }
  func.func @transform_5(%arg0: i32) -> i32 {
    %c0_i32 = arith.constant 0 : i32
    %c0_i32_0 = arith.constant 0 : i32
    return %c0_i32 : i32
  }
  func.func @transform_6(%arg0: i32) -> (i32, i32) {
    %c0_i32 = arith.constant 0 : i32
    %c0_i32_0 = arith.constant 0 : i32
    return %arg0, %c0_i32 : i32, i32
  }
}

</mosaic_0001>

<sc_bundles>
// kernel: kernel.11.cloned.1.call-start
scs
__scs_entry_jumppad:
0x0: {  	(pc) =	sbr.rel $0x88, $3  }
0x1: {  	(tag) =	ssettag $0x0;
	lr =	simm.s32 $0x1  }
0x2: {  	[smem:$0x3F99] =	sst lr;
	_ =	strace $0xD0000000  }
0x3: {  	_ = 	snop  }
0x4: {  	_ = 	snop  }
0x5: {  	_ = 	snop  }
0x6: {  	_ = 	snop  }
0x7: {  	_ = 	snop  }
__scs_overlays_trampoline_lowered:
0x8: {  	[smem:$0x3FA8] =	sst s0  }
0x9: {  	[smem:$0x3FA9] =	sst s1  }
0xa: {  	[smem:$0x3FAA] =	sst s2  }
0xb: {  	[smem:$0x3FAB] =	sst s3  }
0xc: {  	[smem:$0x3FAC] =	sst s4  }
0xd: {  	[smem:$0x3FAD] =	sst s5  }
0xe: {  	[smem:$0x3FAE] =	sst s6  }
0xf: {  	[smem:$0x3FAF] =	sst s7  }
0x10: {  	[smem:$0x3FB0] =	sst s8  }
0x11: {  	[smem:$0x3FB1] =	sst s9;
	s0 =	simm.s32 @!p0 $0x0  }
0x12: {  	s1 =	sld [smem:$0x3F97];
	s0 =	simm.s32 @p0 $0x1  }
0x13: {  	[smem:$0x3FB2] =	sst s0;
	s0 =	simm.s32 @!p1 $0x0  }
0x14: {  	s2 =	sld [smem:$0x3F96];
	s0 =	simm.s32 @p1 $0x1  }
0x15: {  	[smem:$0x3FB3] =	sst s0;
	s0 =	simm.s32 @!p2 $0x0  }
0x16: {  	s3 =	sld [smem:$0x3FDB];
	s0 =	simm.s32 @p2 $0x1  }
0x17: {  	s4 =	simm.s32 $0x1BF5;
	[smem:$0x3FB5] =	sst s0  }
0x18: {  	s0 =	sld [smem:$0x3F98];
	_ =	swait.ge [sflag:s4], $0x0  }
0x19: {  	s7 =	sld [smem:$0x3F99]  }
0x1a: {  	s8 =	sadd.s32 $0xFFFFE003, lr  }
0x1b: {  	s9 =	sadd.s32 $0xFFFFFEF7, lr;
	s5 =	simm.s32 $0xFFFFFFFF;
	p2 =	slt.u32 s8, $0xFFFFF086  }
0x1c: {  	p1 =	slt.u32 s9, $0xF7A;
	s5 =	simm.s32 @!p2 $0x0  }
0x1d: {  	s5 =	simm.s32 @p1 $0x1;
	p0 =	seq.s32 s7, s2  }
0x1e: {  	s7 =	smul.u32 @!p0 $0xF7A, s2;
	p2 =	seq.s32 @!p0 s5, $0x0  }
0x1f: {  	s9 =	smul.u32 $0xF7A, s1;
	s8 =	simm.s32 @!p0 $0x1BF5;
	p2 =	por !p2, p0  }
0x20: {  	[sflag:s8] =	ssyncset.s32 @!p0 $0xFFFFF086;
	s6 =	sadd.s32 @!p0 s3, s7;
	s7 =	simm.s32 @!p0 $0x108  }
0x21: {  	s3 =	sadd.s32 s3, s9;
	s6 =	sadd.s32 @!p0 $0x88, s6;
	s7 =	simm.s32 @p2 $0x1082  }
0x22: {  	[simem:s7], [sflag:s8] =	dma.local @!p0 [hbm:s6], $0xF7A  }
0x23: {  	s9 =	sor.u32 $0xD0000000, s2;
	s6 =	simm.s32 $0x108;
	_ =	swait.ge @!p0 [sflag:s8], $0x0  }
0x24: {  	s3 =	sadd.s32 $0x88, s3;
	s6 =	simm.s32 @!p1 $0x1082;
	[sflag:s4] =	ssyncset.s32 $0xFFFFF086  }
0x25: {  	[simem:s6], [sflag:s4] =	dma.local [hbm:s3], $0xF7A  }
0x26: {  	[smem:$0x3F99] =	sst s1;
	(tag) =	ssettag s2;
	_ =	strace s9  }
0x27: {  	s1 =	sld [smem:$0x3FA9]  }
0x28: {  	s2 =	sld [smem:$0x3FAA]  }
0x29: {  	s4 =	sld [smem:$0x3FAC]  }
0x2a: {  	p0 =	seq.s32 s5, $0x0;
	s5 =	sld [smem:$0x3FAD]  }
0x2b: {  	s6 =	sld [smem:$0x3FAE]  }
0x2c: {  	s7 =	sld [smem:$0x3FAF]  }
0x2d: {  	s3 =	simm.s32 $0x108;
	s8 =	sld [smem:$0x3FB0]  }
0x2e: {  	s3 =	simm.s32 @!p0 $0x1082;
	s9 =	sld [smem:$0x3FB1]  }
0x2f: {  	lr =	sadd.s32 s0, s3;
	s0 =	sld [smem:$0x3FA8]  }
0x30: {  	s3 =	sld [smem:$0x3FAB]  }
0x31: {  	[smem:$0x3FB4] =	sst s10  }
0x32: {  	s10 =	sld [smem:$0x3FB2];
	_ =	sdelay $0x3  }
0x33: {  	p0 =	seq.s32 s10, $0x1;
	s10 =	sld [smem:$0x3FB4];
	_ =	sdelay $0x3  }
0x34: {  	[smem:$0x3FB4] =	sst s10  }
0x35: {  	s10 =	sld [smem:$0x3FB3];
	_ =	sdelay $0x3  }
0x36: {  	p1 =	seq.s32 s10, $0x1;
	s10 =	sld [smem:$0x3FB4];
	_ =	sdelay $0x3  }
0x37: {  	[smem:$0x3FB4] =	sst s10  }
0x38: {  	s10 =	sld [smem:$0x3FB5]  }
0x39: {  	_ = 	snop;
	(pc) =	sbr.ind lr, $3  }
0x3a: {  	_ = 	snop  }
0x3b: {  	_ = 	snop  }
0x3c: {  	p2 =	seq.s32 s10, $0x1;
	s10 =	sld [smem:$0x3FB4]  }
0x3d: {  	_ =	shalt  }
0x3e: {  	_ =	shalt  }
0x3f: {  	_ =	shalt  }
0x40: {  	_ =	shalt  }
0x41: {  	_ =	shalt  }
0x42: {  	_ =	shalt  }
0x43: {  	_ =	shalt  }
0x44: {  	_ =	shalt  }
0x45: {  	_ =	shalt  }
0x46: {  	_ =	shalt  }
0x47: {  	_ =	shalt  }
0x48: {  	_ =	shalt  }
0x49: {  	_ =	shalt  }
0x4a: {  	_ =	shalt  }
0x4b: {  	_ =	shalt  }
0x4c: {  	_ =	shalt  }
0x4d: {  	_ =	shalt  }
0x4e: {  	_ =	shalt  }
0x4f: {  	_ =	shalt  }
0x50: {  	_ =	shalt  }
0x51: {  	_ =	shalt  }
0x52: {  	_ =	shalt  }
0x53: {  	_ =	shalt  }
0x54: {  	_ =	shalt  }
0x55: {  	_ =	shalt  }
0x56: {  	_ =	shalt  }
0x57: {  	_ =	shalt  }
0x58: {  	_ =	shalt  }
0x59: {  	_ =	shalt  }
0x5a: {  	_ =	shalt  }
0x5b: {  	_ =	shalt  }
0x5c: {  	_ =	shalt  }
0x5d: {  	_ =	shalt  }
0x5e: {  	_ =	shalt  }
0x5f: {  	_ =	shalt  }
0x60: {  	_ =	shalt  }
0x61: {  	_ =	shalt  }
0x62: {  	_ =	shalt  }
0x63: {  	_ =	shalt  }
0x64: {  	_ =	shalt  }
0x65: {  	_ =	shalt  }
0x66: {  	_ =	shalt  }
0x67: {  	_ =	shalt  }
0x68: {  	_ =	shalt  }
0x69: {  	_ =	shalt  }
0x6a: {  	_ =	shalt  }
0x6b: {  	_ =	shalt  }
0x6c: {  	_ =	shalt  }
0x6d: {  	_ =	shalt  }
0x6e: {  	_ =	shalt  }
0x6f: {  	_ =	shalt  }
0x70: {  	_ =	shalt  }
0x71: {  	_ =	shalt  }
0x72: {  	_ =	shalt  }
0x73: {  	_ =	shalt  }
0x74: {  	_ =	shalt  }
0x75: {  	_ =	shalt  }
0x76: {  	_ =	shalt  }
0x77: {  	_ =	shalt  }
0x78: {  	_ =	shalt  }
0x79: {  	_ =	shalt  }
0x7a: {  	_ =	shalt  }
0x7b: {  	_ =	shalt  }
0x7c: {  	_ =	shalt  }
0x7d: {  	_ =	shalt  }
0x7e: {  	_ =	shalt  }
0x7f: {  	_ =	shalt  }
0x80: {  	_ =	shalt  }
0x81: {  	_ =	shalt  }
0x82: {  	_ =	shalt  }
0x83: {  	_ =	shalt  }
0x84: {  	_ =	shalt  }
0x85: {  	_ =	shalt  }
0x86: {  	_ =	shalt  }
0x87: {  	_ =	shalt  }
.Lfunc_end0:
.L_simem_size_0:
called_computation.1_lowered:
.L_overlay_start_0:
0x88: {  	s2 =	sld [smem:$0x3FD9]  }
0x89: {  	s3 =	sld [smem:$0x3FFE];
	_ =	sdelay $0x1  }
0x8a: {  	s1 =	srdreg.scid  }
0x8b: {  	s0 =	sand.u32 $0x1, s1  }
0x8c: {  	s16 =	sshll.u32 s0, $0xA;
	s2 =	sadd.s32 s3, s2  }
0x8d: {  	s2 =	sadd.s32 s2, s16  }
0x8e: {  	[smem:$0x3FC0] =	sst s2  }
0x8f: {  	_ = 	snop  }
0x90: {  	(tm) =	ssettm $0x1  }
0x91: {  	s17 =	sld [smem:$0x3FFB];
	_ =	sdelay $0x3  }
0x92: {  	_ =	strace s17  }
0x93: {  	s2 =	sld [smem:$0x3FFC];
	_ =	sdelay $0x3  }
0x94: {  	_ =	strace s2  }
0x95: {  	s2 =	sld [smem:$0x3FFD];
	_ =	sdelay $0x3  }
0x96: {  	_ =	strace s2  }
0x97: {  	_ =	strace $0x8FFFFFFF  }
0x98: {  	s18 =	sld [smem:$0x3FDB];
	_ =	sdelay $0x1  }
0x99: {  	s19 =	simm.s32 $_scs_section_size  }
0x9a: {  	s4 =	simm.s32 $_size__tile_overlayer_lowered;
	s5 =	simm.s32 $_tile_overlayer_lowered  }
0x9b: {  	s22 =	simm.s32 $0x1BFF;
	s21 =	sshll.u32 s5, $0x1;
	s2 =	sadd.s32 s19, s18  }
0x9c: {  	s6 =	simm.s32 $0x0;
	s20 =	sshll.u32 s4, $0x1;
	s4 =	sadd.s32 s21, s2  }
0x9d: {  	[timem:s6], [sflag:s22] =	dma.local [hbm:s4], s20  }
0x9e: {  	_ =	swait.ge [sflag:s22], s20  }
0x9f: {  	s3 =	ssub.s32 $0x0, s20;
	[sflag:s22] =	ssyncset.done $0x0  }
0xa0: {  	[sflag:s22] =	ssyncadd.s32 s3;
	_ =	sdelay $0x1  }
0xa1: {  	s23 =	simm.s32 $0x1B8B  }
0xa2: {  	_ =	swait.ge [sflag:s23], $0x1  }
0xa3: {  	[sflag:s23] =	ssyncset.done $0x0  }
0xa4: {  	s25 =	simm.s32 $0x1B8E;
	s24 =	sld [smem:$0x3FFE];
	[sflag:s23] =	ssyncadd.s32 $0xFFFFFFFF  }
0xa5: {  	s26 =	simm.s32 $execute0_lowered;
	[smem:$0x3FD2] =	sst s25  }
0xa6: {  	s4 =	sshll.u32 s26, $0x1;
	_ =	strace $0x80000049;
	[dreg:$0x1] =	wrdreg $0xFFFFFFFF  }
0xa7: {  	s28 =	simm.s32 $_size_execute0_lowered;
	s2 =	sadd.s32 s2, s4;
	[dreg:$0x0] =	wrdreg $0x0  }
0xa8: {  	s4 =	sshll.u32 s28, $0x1;
	[dreg:$0x2] =	wrdreg s2  }
0xa9: {  	[dreg:$0x3] =	wrdreg s4  }
0xaa: {  	[dreg:$0x4] =	wrdreg $0xC0  }
0xab: {  	_ =	task [dreg:s6], $0x5FFFF  }
0xac: {  	[dreg:$0x1] =	wrdreg $0xFFFFFFFF  }
0xad: {  	[dreg:$0x0] =	wrdreg $0x60  }
0xae: {  	[dreg:$0x2] =	wrdreg s24  }
0xaf: {  	[dreg:$0x3] =	wrdreg $0x154000  }
0xb0: {  	[dreg:$0x4] =	wrdreg $0xB4000  }
0xb1: {  	[dreg:$0x5] =	wrdreg $0x9  }
0xb2: {  	_ =	task.clear_ibuf [dreg:s6], $0x6FFFF;
	_ =	strace $0x90000049  }
0xb3: {  	s29 =	simm.s32 $0x9;
	_ =	strace $0x8000004B  }
0xb4: {  	_ =	swait.ge [sflag:s29], $0x1  }
0xb5: {  	[sflag:s29] =	ssyncadd.s32 $0xFFFFFFFF  }
0xb6: {  	_ =	strace $0x9000004B  }
0xb7: {  	_ =	sfence  }
0xb8: {  	s30 =	sld [smem:$0x0];
	_ =	sdelay $0x2  }
0xb9: {  	s31 =	sshll.u32 s1, $0xD;
	s1 =	sshrl.u32 s1, $0x2  }
0xba: {  	s3 =	sand.u32 $0x4000, s31;
	s1 =	sadd.s32 s1, s30  }
0xbb: {  	s0 =	sor.u32 s3, s0;
	s1 =	sshll.u32 s1, $0x11  }
0xbc: {  	s0 =	sor.u32 s1, s0  }
0xbd: {  	s0 =	sadd.s32 $0x8F2B, s0  }
0xbe: {  	[sflag:s0] =	ssyncadd.remote.s32 $0x1  }
0xbf: {  	_ =	sfence.sel $0xFFFF  }
0xc0: {  	[dreg:$0x0] =	wrdreg $0xFFFFFFFF;
	(pc) =	sbr.abs _section_cstart, $3  }
0xc1: {  	[dreg:$0x1] =	wrdreg $0xFFFFFFFF  }
0xc2: {  	_ =	task.clear_ibuf [dreg:s6], $0x2FFFF;
	_ =	strace $0x9FFFFFFF  }
0xc3: {  	(tm) =	ssettm $0x7FFFFFFF  }
tec
execute0_lowered:
.L_overlay_start_1:
0x0: {  	(tag) =	ssettag $0x1  }
0x1: {  	s5 =	rddreg [dreg:$0x0]  }
0x2: {  	s2 =	rddreg [dreg:$0x1]  }
0x3: {  	s3 =	rddreg [dreg:$0x2]  }
0x4: {  	s0 =	rddreg [dreg:$0x3];
	s1 =	stileid.u32  }
0x5: {  	s6 =	srdreg.scid;
	s4 =	simm.s32 $0x0;
	s16 =	simm.s32 $0x2A00  }
0x6: {  	s17 =	simm.s32 $0x9400;
	s20 =	simm.s32 $0x80;
	s21 =	simm.s32 $0x5400  }
0x7: {  	s22 =	simm.s32 $0x7400;
	s23 =	simm.s32 $0x1;
	s24 =	simm.s32 $0x2  }
0x8: {  	s25 =	simm.s32 $0x0;
	s12 =	smul.u32 $0xA000, s1;
	s6 =	sand.u32 $0x1, s6  }
0x9: {  	[smem:$0x7FF] =	sst s4;
	s30 =	smul.u32 $0x28000, s1;
	s18 =	sshll.u32 s1, $0x6  }
0xa: {  	s7 =	sshll.u32 s6, $0x4;
	s9 =	smul.u32 $0xA0000, s6;
	_ =	strace $0x8000004A  }
0xb: {  	s6 =	ssub.s32 $0x2, s6;
	s18 =	sor.u32 $0x1C03, s18;
	s8 =	sshrl.u32 s12, $0x3  }
0xc: {  	s7 =	sor.u32 s1, s7;
	s10 =	sshrl.u32 s6, $0x1;
	s31 =	sshrl.u32 s30, $0x2  }
0xd: {  	s19 =	sadd.s32 s12, s3;
	s13 =	sadd.s32 s8, s5;
	s7 =	smul.u32 $0x540, s7  }
0xe: {  	s29 =	sadd.s32 s12, s9;
	s15 =	ssub.s32 s6, s10;
	s11 =	sadd.s32 s31, s2  }
0xf: {  	s19 =	sshrl.u32 s19, $0x3;
	s8 =	sshrl.u32 s29, $0x3;
	s9 =	sadd.s32 $0x4000, s11  }
0x10: {  	s10 =	sadd.s32 $0x6000, s11;
	s7 =	sadd.s32 s7, s5;
	s14 =	sadd.s32 s8, s5  }
0x11: {  	s8 =	sadd.s32 $0x2000, s11;
	s11 =	sadd.s32 $0x8000, s11;
	s5 =	sadd.s32 $0x16E00, s7  }
0x12: {  	s6 =	sadd.s32 $0xC600, s7;
	s7 =	sadd.s32 s12, s2;
	s12 =	sadd.s32 $0x21600, s13  }
0x13: {  	v0 =	vimm.f32 $0.0e+00;
	s13 =	sadd.s32 $0x35600, s14;
	s14 =	smax.u32 s15, $0x1;
	s15 =	simm.s32 $0x3  }
.LBB2_1:
0x14: {  	[tilespmem:s4], [sflag:$0x3] =	stream.linear.gather [hbm4b:s5+s4], $0x2A00, $0x38;
	[tilespmem:$0x1F400] =	vst v63  }
0x15: {  	_ =	swait.ge [sflag:s15], $0x2A00  }
0x16: {  	[sflag:s15] =	ssyncset.done $0x0  }
0x17: {  	[sflag:s15] =	ssyncadd.s32 $0xFFFFD600  }
0x18: {  	[tilespmem:s16], [sflag:$0x3] =	stream.linear.gather [hbm4b:s6+s4], $0x2A00, $0x38;
	[tilespmem:$0x1F400] =	vst v63  }
0x19: {  	_ =	swait.ge [sflag:s15], $0x2A00  }
0x1a: {  	[sflag:s15] =	ssyncset.done $0x0  }
0x1b: {  	s28 =	simm.s32 $0x100;
	s26 =	simm.s32 $0x0;
	[sflag:s15] =	ssyncadd.s32 $0xFFFFD600  }
.LBB2_2:
0x1c: {  	p0 =	sne.s32 s28, $0x7F00;
	[tilespmem:s26+$0x9430] =	vst v0;
	s29 =	smov.u32 s28;
	s28 =	sadd.s32 $0x100, s28  }
.Ltmp0:
0x1d: {  	[tilespmem:s26+$0x9420] =	vst v0;
	(pc) =	sbr.rel @p0 .LBB2_2-.Ltmp0, $3  }
0x1e: {  	[tilespmem:s26+$0x9400] =	vst v0  }
0x1f: {  	[tilespmem:s26+$0x9410] =	vst v0;
	_ =	sdelay $0x1  }
0x20: {  	s26 =	sshra.s32 s29, $0x2  }
0x21: {  	[tilespmem:s26+$0x9430] =	vst v0  }
0x22: {  	[tilespmem:s26+$0x9420] =	vst v0  }
0x23: {  	[tilespmem:s26+$0x9400] =	vst v0  }
0x24: {  	[tilespmem:s26+$0x9410] =	vst v0  }
0x25: {  	[spmem:s7] =	stream.linear.scatter [tilespmem:s17], [sflag:$0x3], $0x2000, $0x38;
	[tilespmem:$0x1F400] =	vst v63  }
0x26: {  	_ =	swait.ge [sflag:s15], $0x2000  }
0x27: {  	[sflag:s15] =	ssyncset.done $0x0  }
0x28: {  	[sflag:s15] =	ssyncadd.s32 $0xFFFFE000  }
0x29: {  	[spmem:s8] =	stream.linear.scatter [tilespmem:s17], [sflag:$0x3], $0x2000, $0x38;
	[tilespmem:$0x1F400] =	vst v63  }
0x2a: {  	_ =	swait.ge [sflag:s15], $0x2000  }
0x2b: {  	[sflag:s15] =	ssyncset.done $0x0  }
0x2c: {  	[sflag:s15] =	ssyncadd.s32 $0xFFFFE000  }
0x2d: {  	[spmem:s9] =	stream.linear.scatter [tilespmem:s17], [sflag:$0x3], $0x2000, $0x38;
	[tilespmem:$0x1F400] =	vst v63  }
0x2e: {  	_ =	swait.ge [sflag:s15], $0x2000  }
0x2f: {  	[sflag:s15] =	ssyncset.done $0x0  }
0x30: {  	[sflag:s15] =	ssyncadd.s32 $0xFFFFE000  }
0x31: {  	[spmem:s10] =	stream.linear.scatter [tilespmem:s17], [sflag:$0x3], $0x2000, $0x38;
	[tilespmem:$0x1F400] =	vst v63  }
0x32: {  	_ =	swait.ge [sflag:s15], $0x2000  }
0x33: {  	[sflag:s15] =	ssyncset.done $0x0  }
0x34: {  	[sflag:s15] =	ssyncadd.s32 $0xFFFFE000  }
0x35: {  	[spmem:s11] =	stream.linear.scatter [tilespmem:s17], [sflag:$0x3], $0x2000, $0x38;
	[tilespmem:$0x1F400] =	vst v63  }
0x36: {  	_ =	swait.ge [sflag:s15], $0x2000  }
0x37: {  	[sflag:s15] =	ssyncset.done $0x0  }
0x38: {  	[sflag:s15] =	ssyncadd.s32 $0xFFFFE000  }
0x39: {  	[bflag:$0x0] =	sbarrier.arrive $0xFFFF  }
0x3a: {  	[spmem:s19], [sflag:s18] =	dma.local [hbm:s12], $0x1400  }
0x3b: {  	_ =	swait.ge [sflag:s15], $0x1400  }
0x3c: {  	[sflag:s15] =	ssyncset.done $0x0  }
0x3d: {  	[sflag:s15] =	ssyncadd.s32 $0xFFFFEC00  }
0x3e: {  	s31 =	simm.s32 $0x0;
	[bflag:$0x0] =	sbarrier.arrive $0xFFFF  }
0x3f: {  	[tilespmem:s21], [sflag:$0x1] =	stream.indirect.gather [spmem:s3], $0x40, s31, s20, $0xb8;
	[tilespmem:$0x1F400] =	vst v63  }
0x40: {  	s29 =	simm.s32 $0x80  }
0x41: {  	[tilespmem:s22], [sflag:$0x2] =	stream.indirect.gather [spmem:s3], $0x40, s29, s20, $0xb8;
	[tilespmem:$0x1F400] =	vst v63  }
0x42: {  	_ =	swait.ge [sflag:s23], $0x2000  }
0x43: {  	[sflag:s23] =	ssyncset.done $0x0  }
0x44: {  	s30 =	simm.s32 $0x2A00;
	[sflag:s23] =	ssyncadd.s32 $0xFFFFE000  }
0x45: {  	[spmem:s2] =	stream.indirect.scatter.add.f32 [tilespmem:s21], [sflag:$0x3], $0x40, s30, s20, $0xb8;
	[tilespmem:$0x1F400] =	vst v63  }
0x46: {  	_ =	swait.ge [sflag:s15], $0x2000  }
0x47: {  	[sflag:s15] =	ssyncset.done $0x0  }
0x48: {  	[sflag:s15] =	ssyncadd.s32 $0xFFFFE000  }
0x49: {  	_ =	swait.ge [sflag:s24], $0x2000  }
0x4a: {  	[sflag:s24] =	ssyncset.done $0x0  }
0x4b: {  	s31 =	simm.s32 $0x2A80;
	[sflag:s24] =	ssyncadd.s32 $0xFFFFE000  }
0x4c: {  	[spmem:s2] =	stream.indirect.scatter.add.f32 [tilespmem:s22], [sflag:$0x3], $0x40, s31, s20, $0xb8;
	[tilespmem:$0x1F400] =	vst v63  }
0x4d: {  	_ =	swait.ge [sflag:s15], $0x2000  }
0x4e: {  	s26 =	simm.s32 $0x400;
	s28 =	simm.s32 $0x800;
	[sflag:s15] =	ssyncset.done $0x0  }
.LBB2_4:
0x4f: {  	s29 =	sshra.s32 s26, $0x2  }
0x50: {  	[sflag:s15] =	ssyncadd.s32 $0xFFFFE000;
	s26 =	smov.u32 s28;
	s30 =	sadd.s32 $0x400, s28  }
0x51: {  	[tilespmem:s21], [sflag:$0x1] =	stream.indirect.gather [spmem:s3], $0x40, s29, s20, $0xb8;
	[tilespmem:$0x1F400] =	vst v63  }
0x52: {  	p0 =	sne.s32 s28, $0x9C00;
	s28 =	sadd.s32 $0x80, s29  }
0x53: {  	[tilespmem:s22], [sflag:$0x2] =	stream.indirect.gather [spmem:s3], $0x40, s28, s20, $0xb8;
	[tilespmem:$0x1F400] =	vst v63  }
0x54: {  	_ =	swait.ge [sflag:s23], $0x2000  }
0x55: {  	[sflag:s23] =	ssyncset.done $0x0  }
0x56: {  	s28 =	sadd.s32 $0x2A00, s29;
	[sflag:s23] =	ssyncadd.s32 $0xFFFFE000  }
0x57: {  	[spmem:s2] =	stream.indirect.scatter.add.f32 [tilespmem:s21], [sflag:$0x3], $0x40, s28, s20, $0xb8;
	[tilespmem:$0x1F400] =	vst v63  }
0x58: {  	_ =	swait.ge [sflag:s15], $0x2000  }
0x59: {  	[sflag:s15] =	ssyncset.done $0x0  }
0x5a: {  	[sflag:s15] =	ssyncadd.s32 $0xFFFFE000  }
0x5b: {  	_ =	swait.ge [sflag:s24], $0x2000  }
.Ltmp1:
0x5c: {  	[sflag:s24] =	ssyncset.done $0x0;
	(pc) =	sbr.rel @p0 .LBB2_4-.Ltmp1, $4  }
0x5d: {  	s28 =	sadd.s32 $0x2A80, s29;
	[sflag:s24] =	ssyncadd.s32 $0xFFFFE000  }
0x5e: {  	[spmem:s2] =	stream.indirect.scatter.add.f32 [tilespmem:s22], [sflag:$0x3], $0x40, s28, s20, $0xb8;
	[tilespmem:$0x1F400] =	vst v63  }
0x5f: {  	_ =	swait.ge [sflag:s15], $0x2000  }
0x60: {  	s28 =	smov.u32 s30;
	[sflag:s15] =	ssyncset.done $0x0  }
0x61: {  	s26 =	sshra.s32 s26, $0x2;
	[sflag:s15] =	ssyncadd.s32 $0xFFFFE000  }
0x62: {  	[tilespmem:s21], [sflag:$0x1] =	stream.indirect.gather [spmem:s3], $0x40, s26, s20, $0xb8;
	[tilespmem:$0x1F400] =	vst v63  }
0x63: {  	s28 =	sadd.s32 $0x80, s26  }
0x64: {  	[tilespmem:s22], [sflag:$0x2] =	stream.indirect.gather [spmem:s3], $0x40, s28, s20, $0xb8;
	[tilespmem:$0x1F400] =	vst v63  }
0x65: {  	_ =	swait.ge [sflag:s23], $0x2000  }
0x66: {  	[sflag:s23] =	ssyncset.done $0x0  }
0x67: {  	s30 =	sadd.s32 $0x2A00, s26;
	[sflag:s23] =	ssyncadd.s32 $0xFFFFE000  }
0x68: {  	[spmem:s2] =	stream.indirect.scatter.add.f32 [tilespmem:s21], [sflag:$0x3], $0x40, s30, s20, $0xb8;
	[tilespmem:$0x1F400] =	vst v63  }
0x69: {  	_ =	swait.ge [sflag:s15], $0x2000  }
0x6a: {  	[sflag:s15] =	ssyncset.done $0x0  }
0x6b: {  	[sflag:s15] =	ssyncadd.s32 $0xFFFFE000  }
0x6c: {  	_ =	swait.ge [sflag:s24], $0x2000  }
0x6d: {  	[sflag:s24] =	ssyncset.done $0x0  }
0x6e: {  	s26 =	sadd.s32 $0x2A80, s26;
	[sflag:s24] =	ssyncadd.s32 $0xFFFFE000  }
0x6f: {  	[spmem:s2] =	stream.indirect.scatter.add.f32 [tilespmem:s22], [sflag:$0x3], $0x40, s26, s20, $0xb8;
	[tilespmem:$0x1F400] =	vst v63  }
0x70: {  	_ =	swait.ge [sflag:s15], $0x2000  }
0x71: {  	s25 =	sadd.s32 $0x1, s25;
	[sflag:s15] =	ssyncset.done $0x0  }
0x72: {  	p0 =	sne.s32 s25, s14;
	[sflag:s15] =	ssyncadd.s32 $0xFFFFE000  }
.Ltmp2:
0x73: {  	s31 =	sshrl.u32 s7, $0x3;
	[bflag:$0x0] =	sbarrier.arrive $0xFFFF;
	(pc) =	sbr.rel @p0 .LBB2_1-.Ltmp2, $4  }
0x74: {  	[hbm:s13], [sflag:s18] =	dma.local [spmem:s31], $0x1400  }
0x75: {  	_ =	swait.ge [sflag:s15], $0x1400  }
0x76: {  	[sflag:s15] =	ssyncset.done $0x0  }
0x77: {  	[sflag:s15] =	ssyncadd.s32 $0xFFFFEC00  }
0x78: {  	_ =	sfence.sel $0x180000  }
0x79: {  	[bflag:$0x0] =	sbarrier.arrive $0xFFFF  }
0x7a: {  	p0 =	sne.s32 s1, $0x0;
	_ =	strace $0x9000004A  }
0x7b: {  	s0 =	sadd.s32 @!p0 $0x100000, s0;
	[bflag:$0x2] =	sbarrier.arrive $0xFFFF  }
0x7c: {  	[sflag:s0] =	ssyncadd.tile.s32 @!p0 $0x1;
	_ =	shalt  }
.Lfunc_end2:
_tile_overlayer_lowered:
.L_overlay_start_2:
0x7d: {  	(tag) =	ssettag $0x2  }
0x7e: {  	s0 =	rddreg [dreg:$0x0];
	s2 =	stileid.u32  }
0x7f: {  	s1 =	rddreg [dreg:$0x1];
	p0 =	sne.s32 s2, $0x0  }
0x80: {  	s3 =	rddreg [dreg:$0x2];
	[bflag:$0x3] =	sbarrier.arrive $0xFFFF;
	s2 =	simm.s32 @!p0 $0x1C03  }
0x81: {  	[timem:s3], [sflag:s2] =	dma.local @!p0 [hbm:s0], s1  }
0x82: {  	s0 =	simm.s32 @!p0 $0x3  }
0x83: {  	_ =	swait.ge @!p0 [sflag:s0], s1  }
0x84: {  	s1 =	ssub.s32 @!p0 $0x0, s1;
	[sflag:s0] =	ssyncset.done @!p0 $0x0  }
0x85: {  	[sflag:s0] =	ssyncadd.s32 @!p0 s1  }
0x86: {  	[bflag:$0x3] =	sbarrier.arrive $0xFFFF  }
0x87: {  	_ =	shalt  }

// kernel: kernel.14.cloned.1.call-start
scs
__scs_entry_jumppad:
0x0: {  	(pc) =	sbr.rel $0x88, $3  }
0x1: {  	(tag) =	ssettag $0x0;
	lr =	simm.s32 $0x1  }
0x2: {  	[smem:$0x3F99] =	sst lr;
	_ =	strace $0xD0000000  }
0x3: {  	_ = 	snop  }
0x4: {  	_ = 	snop  }
0x5: {  	_ = 	snop  }
0x6: {  	_ = 	snop  }
0x7: {  	_ = 	snop  }
__scs_overlays_trampoline_lowered:
0x8: {  	[smem:$0x3FA8] =	sst s0  }
0x9: {  	[smem:$0x3FA9] =	sst s1  }
0xa: {  	[smem:$0x3FAA] =	sst s2  }
0xb: {  	[smem:$0x3FAB] =	sst s3  }
0xc: {  	[smem:$0x3FAC] =	sst s4  }
0xd: {  	[smem:$0x3FAD] =	sst s5  }
0xe: {  	[smem:$0x3FAE] =	sst s6  }
0xf: {  	[smem:$0x3FAF] =	sst s7  }
0x10: {  	[smem:$0x3FB0] =	sst s8  }
0x11: {  	[smem:$0x3FB1] =	sst s9;
	s0 =	simm.s32 @!p0 $0x0  }
0x12: {  	s1 =	sld [smem:$0x3F97];
	s0 =	simm.s32 @p0 $0x1  }
0x13: {  	[smem:$0x3FB2] =	sst s0;
	s0 =	simm.s32 @!p1 $0x0  }
0x14: {  	s2 =	sld [smem:$0x3F96];
	s0 =	simm.s32 @p1 $0x1  }
0x15: {  	[smem:$0x3FB3] =	sst s0;
	s0 =	simm.s32 @!p2 $0x0  }
0x16: {  	s3 =	sld [smem:$0x3FDB];
	s0 =	simm.s32 @p2 $0x1  }
0x17: {  	s4 =	simm.s32 $0x1BF5;
	[smem:$0x3FB5] =	sst s0  }
0x18: {  	s0 =	sld [smem:$0x3F98];
	_ =	swait.ge [sflag:s4], $0x0  }
0x19: {  	s7 =	sld [smem:$0x3F99]  }
0x1a: {  	s8 =	sadd.s32 $0xFFFFE003, lr  }
0x1b: {  	s9 =	sadd.s32 $0xFFFFFEF7, lr;
	s5 =	simm.s32 $0xFFFFFFFF;
	p2 =	slt.u32 s8, $0xFFFFF086  }
0x1c: {  	p1 =	slt.u32 s9, $0xF7A;
	s5 =	simm.s32 @!p2 $0x0  }
0x1d: {  	s5 =	simm.s32 @p1 $0x1;
	p0 =	seq.s32 s7, s2  }
0x1e: {  	s7 =	smul.u32 @!p0 $0xF7A, s2;
	p2 =	seq.s32 @!p0 s5, $0x0  }
0x1f: {  	s9 =	smul.u32 $0xF7A, s1;
	s8 =	simm.s32 @!p0 $0x1BF5;
	p2 =	por !p2, p0  }
0x20: {  	[sflag:s8] =	ssyncset.s32 @!p0 $0xFFFFF086;
	s6 =	sadd.s32 @!p0 s3, s7;
	s7 =	simm.s32 @!p0 $0x108  }
0x21: {  	s3 =	sadd.s32 s3, s9;
	s6 =	sadd.s32 @!p0 $0x88, s6;
	s7 =	simm.s32 @p2 $0x1082  }
0x22: {  	[simem:s7], [sflag:s8] =	dma.local @!p0 [hbm:s6], $0xF7A  }
0x23: {  	s9 =	sor.u32 $0xD0000000, s2;
	s6 =	simm.s32 $0x108;
	_ =	swait.ge @!p0 [sflag:s8], $0x0  }
0x24: {  	s3 =	sadd.s32 $0x88, s3;
	s6 =	simm.s32 @!p1 $0x1082;
	[sflag:s4] =	ssyncset.s32 $0xFFFFF086  }
0x25: {  	[simem:s6], [sflag:s4] =	dma.local [hbm:s3], $0xF7A  }
0x26: {  	[smem:$0x3F99] =	sst s1;
	(tag) =	ssettag s2;
	_ =	strace s9  }
0x27: {  	s1 =	sld [smem:$0x3FA9]  }
0x28: {  	s2 =	sld [smem:$0x3FAA]  }
0x29: {  	s4 =	sld [smem:$0x3FAC]  }
0x2a: {  	p0 =	seq.s32 s5, $0x0;
	s5 =	sld [smem:$0x3FAD]  }
0x2b: {  	s6 =	sld [smem:$0x3FAE]  }
0x2c: {  	s7 =	sld [smem:$0x3FAF]  }
0x2d: {  	s3 =	simm.s32 $0x108;
	s8 =	sld [smem:$0x3FB0]  }
0x2e: {  	s3 =	simm.s32 @!p0 $0x1082;
	s9 =	sld [smem:$0x3FB1]  }
0x2f: {  	lr =	sadd.s32 s0, s3;
	s0 =	sld [smem:$0x3FA8]  }
0x30: {  	s3 =	sld [smem:$0x3FAB]  }
0x31: {  	[smem:$0x3FB4] =	sst s10  }
0x32: {  	s10 =	sld [smem:$0x3FB2];
	_ =	sdelay $0x3  }
0x33: {  	p0 =	seq.s32 s10, $0x1;
	s10 =	sld [smem:$0x3FB4];
	_ =	sdelay $0x3  }
0x34: {  	[smem:$0x3FB4] =	sst s10  }
0x35: {  	s10 =	sld [smem:$0x3FB3];
	_ =	sdelay $0x3  }
0x36: {  	p1 =	seq.s32 s10, $0x1;
	s10 =	sld [smem:$0x3FB4];
	_ =	sdelay $0x3  }
0x37: {  	[smem:$0x3FB4] =	sst s10  }
0x38: {  	s10 =	sld [smem:$0x3FB5]  }
0x39: {  	_ = 	snop;
	(pc) =	sbr.ind lr, $3  }
0x3a: {  	_ = 	snop  }
0x3b: {  	_ = 	snop  }
0x3c: {  	p2 =	seq.s32 s10, $0x1;
	s10 =	sld [smem:$0x3FB4]  }
0x3d: {  	_ =	shalt  }
0x3e: {  	_ =	shalt  }
0x3f: {  	_ =	shalt  }
0x40: {  	_ =	shalt  }
0x41: {  	_ =	shalt  }
0x42: {  	_ =	shalt  }
0x43: {  	_ =	shalt  }
0x44: {  	_ =	shalt  }
0x45: {  	_ =	shalt  }
0x46: {  	_ =	shalt  }
0x47: {  	_ =	shalt  }
0x48: {  	_ =	shalt  }
0x49: {  	_ =	shalt  }
0x4a: {  	_ =	shalt  }
0x4b: {  	_ =	shalt  }
0x4c: {  	_ =	shalt  }
0x4d: {  	_ =	shalt  }
0x4e: {  	_ =	shalt  }
0x4f: {  	_ =	shalt  }
0x50: {  	_ =	shalt  }
0x51: {  	_ =	shalt  }
0x52: {  	_ =	shalt  }
0x53: {  	_ =	shalt  }
0x54: {  	_ =	shalt  }
0x55: {  	_ =	shalt  }
0x56: {  	_ =	shalt  }
0x57: {  	_ =	shalt  }
0x58: {  	_ =	shalt  }
0x59: {  	_ =	shalt  }
0x5a: {  	_ =	shalt  }
0x5b: {  	_ =	shalt  }
0x5c: {  	_ =	shalt  }
0x5d: {  	_ =	shalt  }
0x5e: {  	_ =	shalt  }
0x5f: {  	_ =	shalt  }
0x60: {  	_ =	shalt  }
0x61: {  	_ =	shalt  }
0x62: {  	_ =	shalt  }
0x63: {  	_ =	shalt  }
0x64: {  	_ =	shalt  }
0x65: {  	_ =	shalt  }
0x66: {  	_ =	shalt  }
0x67: {  	_ =	shalt  }
0x68: {  	_ =	shalt  }
0x69: {  	_ =	shalt  }
0x6a: {  	_ =	shalt  }
0x6b: {  	_ =	shalt  }
0x6c: {  	_ =	shalt  }
0x6d: {  	_ =	shalt  }
0x6e: {  	_ =	shalt  }
0x6f: {  	_ =	shalt  }
0x70: {  	_ =	shalt  }
0x71: {  	_ =	shalt  }
0x72: {  	_ =	shalt  }
0x73: {  	_ =	shalt  }
0x74: {  	_ =	shalt  }
0x75: {  	_ =	shalt  }
0x76: {  	_ =	shalt  }
0x77: {  	_ =	shalt  }
0x78: {  	_ =	shalt  }
0x79: {  	_ =	shalt  }
0x7a: {  	_ =	shalt  }
0x7b: {  	_ =	shalt  }
0x7c: {  	_ =	shalt  }
0x7d: {  	_ =	shalt  }
0x7e: {  	_ =	shalt  }
0x7f: {  	_ =	shalt  }
0x80: {  	_ =	shalt  }
0x81: {  	_ =	shalt  }
0x82: {  	_ =	shalt  }
0x83: {  	_ =	shalt  }
0x84: {  	_ =	shalt  }
0x85: {  	_ =	shalt  }
0x86: {  	_ =	shalt  }
0x87: {  	_ =	shalt  }
.Lfunc_end0:
.L_simem_size_0:
called_computation.2_lowered:
.L_overlay_start_0:
0x88: {  	s2 =	sld [smem:$0x3FD9]  }
0x89: {  	s3 =	sld [smem:$0x3FFE];
	_ =	sdelay $0x1  }
0x8a: {  	s1 =	srdreg.scid  }
0x8b: {  	s0 =	sand.u32 $0x1, s1  }
0x8c: {  	s16 =	sshll.u32 s0, $0xA;
	s2 =	sadd.s32 s3, s2  }
0x8d: {  	s2 =	sadd.s32 s2, s16  }
0x8e: {  	[smem:$0x3FC0] =	sst s2  }
0x8f: {  	_ = 	snop  }
0x90: {  	(tm) =	ssettm $0x1  }
0x91: {  	s17 =	sld [smem:$0x3FFB];
	_ =	sdelay $0x3  }
0x92: {  	_ =	strace s17  }
0x93: {  	s2 =	sld [smem:$0x3FFC];
	_ =	sdelay $0x3  }
0x94: {  	_ =	strace s2  }
0x95: {  	s2 =	sld [smem:$0x3FFD];
	_ =	sdelay $0x3  }
0x96: {  	_ =	strace s2  }
0x97: {  	_ =	strace $0x8FFFFFFF  }
0x98: {  	s18 =	sld [smem:$0x3FDB];
	_ =	sdelay $0x1  }
0x99: {  	s19 =	simm.s32 $_scs_section_size  }
0x9a: {  	s4 =	simm.s32 $_size__tile_overlayer_lowered;
	s5 =	simm.s32 $_tile_overlayer_lowered  }
0x9b: {  	s22 =	simm.s32 $0x1BFF;
	s21 =	sshll.u32 s5, $0x1;
	s2 =	sadd.s32 s19, s18  }
0x9c: {  	s6 =	simm.s32 $0x0;
	s20 =	sshll.u32 s4, $0x1;
	s4 =	sadd.s32 s21, s2  }
0x9d: {  	[timem:s6], [sflag:s22] =	dma.local [hbm:s4], s20  }
0x9e: {  	_ =	swait.ge [sflag:s22], s20  }
0x9f: {  	s3 =	ssub.s32 $0x0, s20;
	[sflag:s22] =	ssyncset.done $0x0  }
0xa0: {  	[sflag:s22] =	ssyncadd.s32 s3;
	_ =	sdelay $0x1  }
0xa1: {  	s23 =	simm.s32 $0x1B8B  }
0xa2: {  	_ =	swait.ge [sflag:s23], $0x1  }
0xa3: {  	[sflag:s23] =	ssyncset.done $0x0  }
0xa4: {  	s25 =	simm.s32 $0x1B8E;
	s24 =	sld [smem:$0x3FFE];
	[sflag:s23] =	ssyncadd.s32 $0xFFFFFFFF  }
0xa5: {  	s26 =	simm.s32 $execute0_lowered;
	[smem:$0x3FD2] =	sst s25  }
0xa6: {  	s4 =	sshll.u32 s26, $0x1;
	_ =	strace $0x8000004C;
	[dreg:$0x1] =	wrdreg $0xFFFFFFFF  }
0xa7: {  	s28 =	simm.s32 $_size_execute0_lowered;
	s2 =	sadd.s32 s2, s4;
	[dreg:$0x0] =	wrdreg $0x0  }
0xa8: {  	s4 =	sshll.u32 s28, $0x1;
	[dreg:$0x2] =	wrdreg s2  }
0xa9: {  	[dreg:$0x3] =	wrdreg s4  }
0xaa: {  	[dreg:$0x4] =	wrdreg $0xC0  }
0xab: {  	_ =	task [dreg:s6], $0x5FFFF  }
0xac: {  	[dreg:$0x1] =	wrdreg $0xFFFFFFFF  }
0xad: {  	[dreg:$0x0] =	wrdreg $0x60  }
0xae: {  	[dreg:$0x2] =	wrdreg s24  }
0xaf: {  	[dreg:$0x3] =	wrdreg $0x154000  }
0xb0: {  	[dreg:$0x4] =	wrdreg $0xB4000  }
0xb1: {  	[dreg:$0x5] =	wrdreg $0x9  }
0xb2: {  	_ =	task.clear_ibuf [dreg:s6], $0x6FFFF;
	_ =	strace $0x9000004C  }
0xb3: {  	s29 =	simm.s32 $0x9;
	_ =	strace $0x8000004E  }
0xb4: {  	_ =	swait.ge [sflag:s29], $0x1  }
0xb5: {  	[sflag:s29] =	ssyncadd.s32 $0xFFFFFFFF  }
0xb6: {  	_ =	strace $0x9000004E  }
0xb7: {  	_ =	sfence  }
0xb8: {  	s30 =	sld [smem:$0x0];
	_ =	sdelay $0x2  }
0xb9: {  	s31 =	sshll.u32 s1, $0xD;
	s1 =	sshrl.u32 s1, $0x2  }
0xba: {  	s3 =	sand.u32 $0x4000, s31;
	s1 =	sadd.s32 s1, s30  }
0xbb: {  	s0 =	sor.u32 s3, s0;
	s1 =	sshll.u32 s1, $0x11  }
0xbc: {  	s0 =	sor.u32 s1, s0  }
0xbd: {  	s0 =	sadd.s32 $0x8F2B, s0  }
0xbe: {  	[sflag:s0] =	ssyncadd.remote.s32 $0x1  }
0xbf: {  	_ =	sfence.sel $0xFFFF  }
0xc0: {  	[dreg:$0x0] =	wrdreg $0xFFFFFFFF;
	(pc) =	sbr.abs _section_cstart, $3  }
0xc1: {  	[dreg:$0x1] =	wrdreg $0xFFFFFFFF  }
0xc2: {  	_ =	task.clear_ibuf [dreg:s6], $0x2FFFF;
	_ =	strace $0x9FFFFFFF  }
0xc3: {  	(tm) =	ssettm $0x7FFFFFFF  }
tec
execute0_lowered:
.L_overlay_start_1:
0x0: {  	(tag) =	ssettag $0x1  }
0x1: {  	s5 =	rddreg [dreg:$0x0]  }
0x2: {  	s2 =	rddreg [dreg:$0x1]  }
0x3: {  	s3 =	rddreg [dreg:$0x2]  }
0x4: {  	s0 =	rddreg [dreg:$0x3];
	s1 =	stileid.u32  }
0x5: {  	s6 =	srdreg.scid;
	s4 =	simm.s32 $0x0;
	s16 =	simm.s32 $0x2A00  }
0x6: {  	s17 =	simm.s32 $0x9400;
	s20 =	simm.s32 $0x80;
	s21 =	simm.s32 $0x5400  }
0x7: {  	s22 =	simm.s32 $0x7400;
	s23 =	simm.s32 $0x1;
	s24 =	simm.s32 $0x2  }
0x8: {  	s25 =	simm.s32 $0x0;
	s12 =	smul.u32 $0xA000, s1;
	s6 =	sand.u32 $0x1, s6  }
0x9: {  	[smem:$0x7FF] =	sst s4;
	s30 =	smul.u32 $0x28000, s1;
	s18 =	sshll.u32 s1, $0x6  }
0xa: {  	s7 =	sshll.u32 s6, $0x4;
	s9 =	smul.u32 $0xA0000, s6;
	_ =	strace $0x8000004D  }
0xb: {  	s6 =	ssub.s32 $0x2, s6;
	s18 =	sor.u32 $0x1C03, s18;
	s8 =	sshrl.u32 s12, $0x3  }
0xc: {  	s7 =	sor.u32 s1, s7;
	s10 =	sshrl.u32 s6, $0x1;
	s31 =	sshrl.u32 s30, $0x2  }
0xd: {  	s19 =	sadd.s32 s12, s3;
	s13 =	sadd.s32 s8, s5;
	s7 =	smul.u32 $0x540, s7  }
0xe: {  	s29 =	sadd.s32 s12, s9;
	s15 =	ssub.s32 s6, s10;
	s11 =	sadd.s32 s31, s2  }
0xf: {  	s19 =	sshrl.u32 s19, $0x3;
	s8 =	sshrl.u32 s29, $0x3;
	s9 =	sadd.s32 $0x4000, s11  }
0x10: {  	s10 =	sadd.s32 $0x6000, s11;
	s7 =	sadd.s32 s7, s5;
	s14 =	sadd.s32 s8, s5  }
0x11: {  	s8 =	sadd.s32 $0x2000, s11;
	s11 =	sadd.s32 $0x8000, s11;
	s5 =	sadd.s32 $0x16E00, s7  }
0x12: {  	s6 =	sadd.s32 $0xC600, s7;
	s7 =	sadd.s32 s12, s2;
	s12 =	sadd.s32 $0x21600, s13  }
0x13: {  	v0 =	vimm.f32 $0.0e+00;
	s13 =	sadd.s32 $0x35600, s14;
	s14 =	smax.u32 s15, $0x1;
	s15 =	simm.s32 $0x3  }
.LBB2_1:
0x14: {  	[tilespmem:s4], [sflag:$0x3] =	stream.linear.gather [hbm4b:s5+s4], $0x2A00, $0x38;
	[tilespmem:$0x1F400] =	vst v63  }
0x15: {  	_ =	swait.ge [sflag:s15], $0x2A00  }
0x16: {  	[sflag:s15] =	ssyncset.done $0x0  }
0x17: {  	[sflag:s15] =	ssyncadd.s32 $0xFFFFD600  }
0x18: {  	[tilespmem:s16], [sflag:$0x3] =	stream.linear.gather [hbm4b:s6+s4], $0x2A00, $0x38;
	[tilespmem:$0x1F400] =	vst v63  }
0x19: {  	_ =	swait.ge [sflag:s15], $0x2A00  }
0x1a: {  	[sflag:s15] =	ssyncset.done $0x0  }
0x1b: {  	s28 =	simm.s32 $0x100;
	s26 =	simm.s32 $0x0;
	[sflag:s15] =	ssyncadd.s32 $0xFFFFD600  }
.LBB2_2:
0x1c: {  	p0 =	sne.s32 s28, $0x7F00;
	[tilespmem:s26+$0x9430] =	vst v0;
	s29 =	smov.u32 s28;
	s28 =	sadd.s32 $0x100, s28  }
.Ltmp0:
0x1d: {  	[tilespmem:s26+$0x9420] =	vst v0;
	(pc) =	sbr.rel @p0 .LBB2_2-.Ltmp0, $3  }
0x1e: {  	[tilespmem:s26+$0x9400] =	vst v0  }
0x1f: {  	[tilespmem:s26+$0x9410] =	vst v0;
	_ =	sdelay $0x1  }
0x20: {  	s26 =	sshra.s32 s29, $0x2  }
0x21: {  	[tilespmem:s26+$0x9430] =	vst v0  }
0x22: {  	[tilespmem:s26+$0x9420] =	vst v0  }
0x23: {  	[tilespmem:s26+$0x9400] =	vst v0  }
0x24: {  	[tilespmem:s26+$0x9410] =	vst v0  }
0x25: {  	[spmem:s7] =	stream.linear.scatter [tilespmem:s17], [sflag:$0x3], $0x2000, $0x38;
	[tilespmem:$0x1F400] =	vst v63  }
0x26: {  	_ =	swait.ge [sflag:s15], $0x2000  }
0x27: {  	[sflag:s15] =	ssyncset.done $0x0  }
0x28: {  	[sflag:s15] =	ssyncadd.s32 $0xFFFFE000  }
0x29: {  	[spmem:s8] =	stream.linear.scatter [tilespmem:s17], [sflag:$0x3], $0x2000, $0x38;
	[tilespmem:$0x1F400] =	vst v63  }
0x2a: {  	_ =	swait.ge [sflag:s15], $0x2000  }
0x2b: {  	[sflag:s15] =	ssyncset.done $0x0  }
0x2c: {  	[sflag:s15] =	ssyncadd.s32 $0xFFFFE000  }
0x2d: {  	[spmem:s9] =	stream.linear.scatter [tilespmem:s17], [sflag:$0x3], $0x2000, $0x38;
	[tilespmem:$0x1F400] =	vst v63  }
0x2e: {  	_ =	swait.ge [sflag:s15], $0x2000  }
0x2f: {  	[sflag:s15] =	ssyncset.done $0x0  }
0x30: {  	[sflag:s15] =	ssyncadd.s32 $0xFFFFE000  }
0x31: {  	[spmem:s10] =	stream.linear.scatter [tilespmem:s17], [sflag:$0x3], $0x2000, $0x38;
	[tilespmem:$0x1F400] =	vst v63  }
0x32: {  	_ =	swait.ge [sflag:s15], $0x2000  }
0x33: {  	[sflag:s15] =	ssyncset.done $0x0  }
0x34: {  	[sflag:s15] =	ssyncadd.s32 $0xFFFFE000  }
0x35: {  	[spmem:s11] =	stream.linear.scatter [tilespmem:s17], [sflag:$0x3], $0x2000, $0x38;
	[tilespmem:$0x1F400] =	vst v63  }
0x36: {  	_ =	swait.ge [sflag:s15], $0x2000  }
0x37: {  	[sflag:s15] =	ssyncset.done $0x0  }
0x38: {  	[sflag:s15] =	ssyncadd.s32 $0xFFFFE000  }
0x39: {  	[bflag:$0x0] =	sbarrier.arrive $0xFFFF  }
0x3a: {  	[spmem:s19], [sflag:s18] =	dma.local [hbm:s12], $0x1400  }
0x3b: {  	_ =	swait.ge [sflag:s15], $0x1400  }
0x3c: {  	[sflag:s15] =	ssyncset.done $0x0  }
0x3d: {  	[sflag:s15] =	ssyncadd.s32 $0xFFFFEC00  }
0x3e: {  	s31 =	simm.s32 $0x0;
	[bflag:$0x0] =	sbarrier.arrive $0xFFFF  }
0x3f: {  	[tilespmem:s21], [sflag:$0x1] =	stream.indirect.gather [spmem:s3], $0x40, s31, s20, $0xb8;
	[tilespmem:$0x1F400] =	vst v63  }
0x40: {  	s29 =	simm.s32 $0x80  }
0x41: {  	[tilespmem:s22], [sflag:$0x2] =	stream.indirect.gather [spmem:s3], $0x40, s29, s20, $0xb8;
	[tilespmem:$0x1F400] =	vst v63  }
0x42: {  	_ =	swait.ge [sflag:s23], $0x2000  }
0x43: {  	[sflag:s23] =	ssyncset.done $0x0  }
0x44: {  	s30 =	simm.s32 $0x2A00;
	[sflag:s23] =	ssyncadd.s32 $0xFFFFE000  }
0x45: {  	[spmem:s2] =	stream.indirect.scatter.add.f32 [tilespmem:s21], [sflag:$0x3], $0x40, s30, s20, $0xb8;
	[tilespmem:$0x1F400] =	vst v63  }
0x46: {  	_ =	swait.ge [sflag:s15], $0x2000  }
0x47: {  	[sflag:s15] =	ssyncset.done $0x0  }
0x48: {  	[sflag:s15] =	ssyncadd.s32 $0xFFFFE000  }
0x49: {  	_ =	swait.ge [sflag:s24], $0x2000  }
0x4a: {  	[sflag:s24] =	ssyncset.done $0x0  }
0x4b: {  	s31 =	simm.s32 $0x2A80;
	[sflag:s24] =	ssyncadd.s32 $0xFFFFE000  }
0x4c: {  	[spmem:s2] =	stream.indirect.scatter.add.f32 [tilespmem:s22], [sflag:$0x3], $0x40, s31, s20, $0xb8;
	[tilespmem:$0x1F400] =	vst v63  }
0x4d: {  	_ =	swait.ge [sflag:s15], $0x2000  }
0x4e: {  	s26 =	simm.s32 $0x400;
	s28 =	simm.s32 $0x800;
	[sflag:s15] =	ssyncset.done $0x0  }
.LBB2_4:
0x4f: {  	s29 =	sshra.s32 s26, $0x2  }
0x50: {  	[sflag:s15] =	ssyncadd.s32 $0xFFFFE000;
	s26 =	smov.u32 s28;
	s30 =	sadd.s32 $0x400, s28  }
0x51: {  	[tilespmem:s21], [sflag:$0x1] =	stream.indirect.gather [spmem:s3], $0x40, s29, s20, $0xb8;
	[tilespmem:$0x1F400] =	vst v63  }
0x52: {  	p0 =	sne.s32 s28, $0x9C00;
	s28 =	sadd.s32 $0x80, s29  }
0x53: {  	[tilespmem:s22], [sflag:$0x2] =	stream.indirect.gather [spmem:s3], $0x40, s28, s20, $0xb8;
	[tilespmem:$0x1F400] =	vst v63  }
0x54: {  	_ =	swait.ge [sflag:s23], $0x2000  }
0x55: {  	[sflag:s23] =	ssyncset.done $0x0  }
0x56: {  	s28 =	sadd.s32 $0x2A00, s29;
	[sflag:s23] =	ssyncadd.s32 $0xFFFFE000  }
0x57: {  	[spmem:s2] =	stream.indirect.scatter.add.f32 [tilespmem:s21], [sflag:$0x3], $0x40, s28, s20, $0xb8;
	[tilespmem:$0x1F400] =	vst v63  }
0x58: {  	_ =	swait.ge [sflag:s15], $0x2000  }
0x59: {  	[sflag:s15] =	ssyncset.done $0x0  }
0x5a: {  	[sflag:s15] =	ssyncadd.s32 $0xFFFFE000  }
0x5b: {  	_ =	swait.ge [sflag:s24], $0x2000  }
.Ltmp1:
0x5c: {  	[sflag:s24] =	ssyncset.done $0x0;
	(pc) =	sbr.rel @p0 .LBB2_4-.Ltmp1, $4  }
0x5d: {  	s28 =	sadd.s32 $0x2A80, s29;
	[sflag:s24] =	ssyncadd.s32 $0xFFFFE000  }
0x5e: {  	[spmem:s2] =	stream.indirect.scatter.add.f32 [tilespmem:s22], [sflag:$0x3], $0x40, s28, s20, $0xb8;
	[tilespmem:$0x1F400] =	vst v63  }
0x5f: {  	_ =	swait.ge [sflag:s15], $0x2000  }
0x60: {  	s28 =	smov.u32 s30;
	[sflag:s15] =	ssyncset.done $0x0  }
0x61: {  	s26 =	sshra.s32 s26, $0x2;
	[sflag:s15] =	ssyncadd.s32 $0xFFFFE000  }
0x62: {  	[tilespmem:s21], [sflag:$0x1] =	stream.indirect.gather [spmem:s3], $0x40, s26, s20, $0xb8;
	[tilespmem:$0x1F400] =	vst v63  }
0x63: {  	s28 =	sadd.s32 $0x80, s26  }
0x64: {  	[tilespmem:s22], [sflag:$0x2] =	stream.indirect.gather [spmem:s3], $0x40, s28, s20, $0xb8;
	[tilespmem:$0x1F400] =	vst v63  }
0x65: {  	_ =	swait.ge [sflag:s23], $0x2000  }
0x66: {  	[sflag:s23] =	ssyncset.done $0x0  }
0x67: {  	s30 =	sadd.s32 $0x2A00, s26;
	[sflag:s23] =	ssyncadd.s32 $0xFFFFE000  }
0x68: {  	[spmem:s2] =	stream.indirect.scatter.add.f32 [tilespmem:s21], [sflag:$0x3], $0x40, s30, s20, $0xb8;
	[tilespmem:$0x1F400] =	vst v63  }
0x69: {  	_ =	swait.ge [sflag:s15], $0x2000  }
0x6a: {  	[sflag:s15] =	ssyncset.done $0x0  }
0x6b: {  	[sflag:s15] =	ssyncadd.s32 $0xFFFFE000  }
0x6c: {  	_ =	swait.ge [sflag:s24], $0x2000  }
0x6d: {  	[sflag:s24] =	ssyncset.done $0x0  }
0x6e: {  	s26 =	sadd.s32 $0x2A80, s26;
	[sflag:s24] =	ssyncadd.s32 $0xFFFFE000  }
0x6f: {  	[spmem:s2] =	stream.indirect.scatter.add.f32 [tilespmem:s22], [sflag:$0x3], $0x40, s26, s20, $0xb8;
	[tilespmem:$0x1F400] =	vst v63  }
0x70: {  	_ =	swait.ge [sflag:s15], $0x2000  }
0x71: {  	s25 =	sadd.s32 $0x1, s25;
	[sflag:s15] =	ssyncset.done $0x0  }
0x72: {  	p0 =	sne.s32 s25, s14;
	[sflag:s15] =	ssyncadd.s32 $0xFFFFE000  }
.Ltmp2:
0x73: {  	s31 =	sshrl.u32 s7, $0x3;
	[bflag:$0x0] =	sbarrier.arrive $0xFFFF;
	(pc) =	sbr.rel @p0 .LBB2_1-.Ltmp2, $4  }
0x74: {  	[hbm:s13], [sflag:s18] =	dma.local [spmem:s31], $0x1400  }
0x75: {  	_ =	swait.ge [sflag:s15], $0x1400  }
0x76: {  	[sflag:s15] =	ssyncset.done $0x0  }
0x77: {  	[sflag:s15] =	ssyncadd.s32 $0xFFFFEC00  }
0x78: {  	_ =	sfence.sel $0x180000  }
0x79: {  	[bflag:$0x0] =	sbarrier.arrive $0xFFFF  }
0x7a: {  	p0 =	sne.s32 s1, $0x0;
	_ =	strace $0x9000004D  }
0x7b: {  	s0 =	sadd.s32 @!p0 $0x100000, s0;
	[bflag:$0x2] =	sbarrier.arrive $0xFFFF  }
0x7c: {  	[sflag:s0] =	ssyncadd.tile.s32 @!p0 $0x1;
	_ =	shalt  }
.Lfunc_end2:
_tile_overlayer_lowered:
.L_overlay_start_2:
0x7d: {  	(tag) =	ssettag $0x2  }
0x7e: {  	s0 =	rddreg [dreg:$0x0];
	s2 =	stileid.u32  }
0x7f: {  	s1 =	rddreg [dreg:$0x1];
	p0 =	sne.s32 s2, $0x0  }
0x80: {  	s3 =	rddreg [dreg:$0x2];
	[bflag:$0x3] =	sbarrier.arrive $0xFFFF;
	s2 =	simm.s32 @!p0 $0x1C03  }
0x81: {  	[timem:s3], [sflag:s2] =	dma.local @!p0 [hbm:s0], s1  }
0x82: {  	s0 =	simm.s32 @!p0 $0x3  }
0x83: {  	_ =	swait.ge @!p0 [sflag:s0], s1  }
0x84: {  	s1 =	ssub.s32 @!p0 $0x0, s1;
	[sflag:s0] =	ssyncset.done @!p0 $0x0  }
0x85: {  	[sflag:s0] =	ssyncadd.s32 @!p0 s1  }
0x86: {  	[bflag:$0x3] =	sbarrier.arrive $0xFFFF  }
0x87: {  	_ =	shalt  }

// kernel: kernel.8.cloned.1.call-start
scs
__scs_entry_jumppad:
0x0: {  	(pc) =	sbr.rel $0x88, $3  }
0x1: {  	(tag) =	ssettag $0x0;
	lr =	simm.s32 $0x1  }
0x2: {  	[smem:$0x3F99] =	sst lr;
	_ =	strace $0xD0000000  }
0x3: {  	_ = 	snop  }
0x4: {  	_ = 	snop  }
0x5: {  	_ = 	snop  }
0x6: {  	_ = 	snop  }
0x7: {  	_ = 	snop  }
__scs_overlays_trampoline_lowered:
0x8: {  	[smem:$0x3FA8] =	sst s0  }
0x9: {  	[smem:$0x3FA9] =	sst s1  }
0xa: {  	[smem:$0x3FAA] =	sst s2  }
0xb: {  	[smem:$0x3FAB] =	sst s3  }
0xc: {  	[smem:$0x3FAC] =	sst s4  }
0xd: {  	[smem:$0x3FAD] =	sst s5  }
0xe: {  	[smem:$0x3FAE] =	sst s6  }
0xf: {  	[smem:$0x3FAF] =	sst s7  }
0x10: {  	[smem:$0x3FB0] =	sst s8  }
0x11: {  	[smem:$0x3FB1] =	sst s9;
	s0 =	simm.s32 @!p0 $0x0  }
0x12: {  	s1 =	sld [smem:$0x3F97];
	s0 =	simm.s32 @p0 $0x1  }
0x13: {  	[smem:$0x3FB2] =	sst s0;
	s0 =	simm.s32 @!p1 $0x0  }
0x14: {  	s2 =	sld [smem:$0x3F96];
	s0 =	simm.s32 @p1 $0x1  }
0x15: {  	[smem:$0x3FB3] =	sst s0;
	s0 =	simm.s32 @!p2 $0x0  }
0x16: {  	s3 =	sld [smem:$0x3FDB];
	s0 =	simm.s32 @p2 $0x1  }
0x17: {  	s4 =	simm.s32 $0x1BF5;
	[smem:$0x3FB5] =	sst s0  }
0x18: {  	s0 =	sld [smem:$0x3F98];
	_ =	swait.ge [sflag:s4], $0x0  }
0x19: {  	s7 =	sld [smem:$0x3F99]  }
0x1a: {  	s8 =	sadd.s32 $0xFFFFE003, lr  }
0x1b: {  	s9 =	sadd.s32 $0xFFFFFEF7, lr;
	s5 =	simm.s32 $0xFFFFFFFF;
	p2 =	slt.u32 s8, $0xFFFFF086  }
0x1c: {  	p1 =	slt.u32 s9, $0xF7A;
	s5 =	simm.s32 @!p2 $0x0  }
0x1d: {  	s5 =	simm.s32 @p1 $0x1;
	p0 =	seq.s32 s7, s2  }
0x1e: {  	s7 =	smul.u32 @!p0 $0xF7A, s2;
	p2 =	seq.s32 @!p0 s5, $0x0  }
0x1f: {  	s9 =	smul.u32 $0xF7A, s1;
	s8 =	simm.s32 @!p0 $0x1BF5;
	p2 =	por !p2, p0  }
0x20: {  	[sflag:s8] =	ssyncset.s32 @!p0 $0xFFFFF086;
	s6 =	sadd.s32 @!p0 s3, s7;
	s7 =	simm.s32 @!p0 $0x108  }
0x21: {  	s3 =	sadd.s32 s3, s9;
	s6 =	sadd.s32 @!p0 $0x88, s6;
	s7 =	simm.s32 @p2 $0x1082  }
0x22: {  	[simem:s7], [sflag:s8] =	dma.local @!p0 [hbm:s6], $0xF7A  }
0x23: {  	s9 =	sor.u32 $0xD0000000, s2;
	s6 =	simm.s32 $0x108;
	_ =	swait.ge @!p0 [sflag:s8], $0x0  }
0x24: {  	s3 =	sadd.s32 $0x88, s3;
	s6 =	simm.s32 @!p1 $0x1082;
	[sflag:s4] =	ssyncset.s32 $0xFFFFF086  }
0x25: {  	[simem:s6], [sflag:s4] =	dma.local [hbm:s3], $0xF7A  }
0x26: {  	[smem:$0x3F99] =	sst s1;
	(tag) =	ssettag s2;
	_ =	strace s9  }
0x27: {  	s1 =	sld [smem:$0x3FA9]  }
0x28: {  	s2 =	sld [smem:$0x3FAA]  }
0x29: {  	s4 =	sld [smem:$0x3FAC]  }
0x2a: {  	p0 =	seq.s32 s5, $0x0;
	s5 =	sld [smem:$0x3FAD]  }
0x2b: {  	s6 =	sld [smem:$0x3FAE]  }
0x2c: {  	s7 =	sld [smem:$0x3FAF]  }
0x2d: {  	s3 =	simm.s32 $0x108;
	s8 =	sld [smem:$0x3FB0]  }
0x2e: {  	s3 =	simm.s32 @!p0 $0x1082;
	s9 =	sld [smem:$0x3FB1]  }
0x2f: {  	lr =	sadd.s32 s0, s3;
	s0 =	sld [smem:$0x3FA8]  }
0x30: {  	s3 =	sld [smem:$0x3FAB]  }
0x31: {  	[smem:$0x3FB4] =	sst s10  }
0x32: {  	s10 =	sld [smem:$0x3FB2];
	_ =	sdelay $0x3  }
0x33: {  	p0 =	seq.s32 s10, $0x1;
	s10 =	sld [smem:$0x3FB4];
	_ =	sdelay $0x3  }
0x34: {  	[smem:$0x3FB4] =	sst s10  }
0x35: {  	s10 =	sld [smem:$0x3FB3];
	_ =	sdelay $0x3  }
0x36: {  	p1 =	seq.s32 s10, $0x1;
	s10 =	sld [smem:$0x3FB4];
	_ =	sdelay $0x3  }
0x37: {  	[smem:$0x3FB4] =	sst s10  }
0x38: {  	s10 =	sld [smem:$0x3FB5]  }
0x39: {  	_ = 	snop;
	(pc) =	sbr.ind lr, $3  }
0x3a: {  	_ = 	snop  }
0x3b: {  	_ = 	snop  }
0x3c: {  	p2 =	seq.s32 s10, $0x1;
	s10 =	sld [smem:$0x3FB4]  }
0x3d: {  	_ =	shalt  }
0x3e: {  	_ =	shalt  }
0x3f: {  	_ =	shalt  }
0x40: {  	_ =	shalt  }
0x41: {  	_ =	shalt  }
0x42: {  	_ =	shalt  }
0x43: {  	_ =	shalt  }
0x44: {  	_ =	shalt  }
0x45: {  	_ =	shalt  }
0x46: {  	_ =	shalt  }
0x47: {  	_ =	shalt  }
0x48: {  	_ =	shalt  }
0x49: {  	_ =	shalt  }
0x4a: {  	_ =	shalt  }
0x4b: {  	_ =	shalt  }
0x4c: {  	_ =	shalt  }
0x4d: {  	_ =	shalt  }
0x4e: {  	_ =	shalt  }
0x4f: {  	_ =	shalt  }
0x50: {  	_ =	shalt  }
0x51: {  	_ =	shalt  }
0x52: {  	_ =	shalt  }
0x53: {  	_ =	shalt  }
0x54: {  	_ =	shalt  }
0x55: {  	_ =	shalt  }
0x56: {  	_ =	shalt  }
0x57: {  	_ =	shalt  }
0x58: {  	_ =	shalt  }
0x59: {  	_ =	shalt  }
0x5a: {  	_ =	shalt  }
0x5b: {  	_ =	shalt  }
0x5c: {  	_ =	shalt  }
0x5d: {  	_ =	shalt  }
0x5e: {  	_ =	shalt  }
0x5f: {  	_ =	shalt  }
0x60: {  	_ =	shalt  }
0x61: {  	_ =	shalt  }
0x62: {  	_ =	shalt  }
0x63: {  	_ =	shalt  }
0x64: {  	_ =	shalt  }
0x65: {  	_ =	shalt  }
0x66: {  	_ =	shalt  }
0x67: {  	_ =	shalt  }
0x68: {  	_ =	shalt  }
0x69: {  	_ =	shalt  }
0x6a: {  	_ =	shalt  }
0x6b: {  	_ =	shalt  }
0x6c: {  	_ =	shalt  }
0x6d: {  	_ =	shalt  }
0x6e: {  	_ =	shalt  }
0x6f: {  	_ =	shalt  }
0x70: {  	_ =	shalt  }
0x71: {  	_ =	shalt  }
0x72: {  	_ =	shalt  }
0x73: {  	_ =	shalt  }
0x74: {  	_ =	shalt  }
0x75: {  	_ =	shalt  }
0x76: {  	_ =	shalt  }
0x77: {  	_ =	shalt  }
0x78: {  	_ =	shalt  }
0x79: {  	_ =	shalt  }
0x7a: {  	_ =	shalt  }
0x7b: {  	_ =	shalt  }
0x7c: {  	_ =	shalt  }
0x7d: {  	_ =	shalt  }
0x7e: {  	_ =	shalt  }
0x7f: {  	_ =	shalt  }
0x80: {  	_ =	shalt  }
0x81: {  	_ =	shalt  }
0x82: {  	_ =	shalt  }
0x83: {  	_ =	shalt  }
0x84: {  	_ =	shalt  }
0x85: {  	_ =	shalt  }
0x86: {  	_ =	shalt  }
0x87: {  	_ =	shalt  }
.Lfunc_end0:
.L_simem_size_0:
called_computation_lowered:
.L_overlay_start_0:
0x88: {  	s2 =	sld [smem:$0x3FD9]  }
0x89: {  	s3 =	sld [smem:$0x3FFE];
	_ =	sdelay $0x1  }
0x8a: {  	s1 =	srdreg.scid  }
0x8b: {  	s0 =	sand.u32 $0x1, s1  }
0x8c: {  	s17 =	sshll.u32 s0, $0xA;
	s2 =	sadd.s32 s3, s2  }
0x8d: {  	s2 =	sadd.s32 s2, s17  }
0x8e: {  	[smem:$0x3FC0] =	sst s2  }
0x8f: {  	_ = 	snop  }
0x90: {  	s2 =	sld [smem:$0x3FD0];
	(tm) =	ssettm $0x1  }
0x91: {  	s18 =	sld [smem:$0x3FFB];
	_ =	sdelay $0x3  }
0x92: {  	_ =	strace s18  }
0x93: {  	s3 =	sld [smem:$0x3FFC];
	_ =	sdelay $0x3  }
0x94: {  	_ =	strace s3  }
0x95: {  	s3 =	sld [smem:$0x3FFD];
	_ =	sdelay $0x3  }
0x96: {  	_ =	strace s3  }
0x97: {  	_ =	strace $0x8FFFFFFF  }
0x98: {  	s19 =	sld [smem:$0x3FDB];
	_ =	sdelay $0x1  }
0x99: {  	s4 =	simm.s32 $_scs_section_size  }
0x9a: {  	s5 =	simm.s32 $_size__tile_overlayer_lowered;
	s6 =	simm.s32 $_tile_overlayer_lowered  }
0x9b: {  	s22 =	simm.s32 $0x1BFF;
	s21 =	sshll.u32 s6, $0x1;
	s3 =	sadd.s32 s4, s19  }
0x9c: {  	s7 =	simm.s32 $0x0;
	s20 =	sshll.u32 s5, $0x1;
	s5 =	sadd.s32 s21, s3  }
0x9d: {  	[timem:s7], [sflag:s22] =	dma.local [hbm:s5], s20  }
0x9e: {  	_ =	swait.ge [sflag:s22], s20  }
0x9f: {  	s4 =	ssub.s32 $0x0, s20;
	[sflag:s22] =	ssyncset.done $0x0  }
0xa0: {  	[sflag:s22] =	ssyncadd.s32 s4;
	_ =	sdelay $0x1  }
0xa1: {  	s23 =	simm.s32 $0x1B8B  }
0xa2: {  	_ =	swait.ge [sflag:s23], $0x1  }
0xa3: {  	[sflag:s23] =	ssyncset.done $0x0  }
0xa4: {  	s25 =	simm.s32 $0x1B8E;
	s24 =	sld [smem:$0x3FFE];
	[sflag:s23] =	ssyncadd.s32 $0xFFFFFFFF  }
0xa5: {  	s26 =	simm.s32 $execute0_lowered;
	[smem:$0x3FD2] =	sst s25  }
0xa6: {  	s5 =	sshll.u32 s26, $0x1;
	_ =	strace $0x80000046;
	[dreg:$0x1] =	wrdreg $0xFFFFFFFF  }
0xa7: {  	s28 =	simm.s32 $_size_execute0_lowered;
	s3 =	sadd.s32 s3, s5;
	[dreg:$0x0] =	wrdreg $0x0  }
0xa8: {  	s5 =	sshll.u32 s28, $0x1;
	[dreg:$0x2] =	wrdreg s3  }
0xa9: {  	[dreg:$0x3] =	wrdreg s5  }
0xaa: {  	[dreg:$0x4] =	wrdreg $0xC0  }
0xab: {  	_ =	task [dreg:s7], $0x5FFFF  }
0xac: {  	[dreg:$0x1] =	wrdreg $0xFFFFFFFF  }
0xad: {  	[dreg:$0x0] =	wrdreg $0x60  }
0xae: {  	[dreg:$0x2] =	wrdreg s24  }
0xaf: {  	[dreg:$0x3] =	wrdreg s2  }
0xb0: {  	[dreg:$0x4] =	wrdreg $0x7C800  }
0xb1: {  	[dreg:$0x5] =	wrdreg $0x9  }
0xb2: {  	_ =	task.clear_ibuf [dreg:s7], $0x6FFFF;
	_ =	strace $0x90000046  }
0xb3: {  	s29 =	simm.s32 $0x9;
	_ =	strace $0x80000048  }
0xb4: {  	_ =	swait.ge [sflag:s29], $0x1  }
0xb5: {  	[sflag:s29] =	ssyncadd.s32 $0xFFFFFFFF  }
0xb6: {  	_ =	strace $0x90000048  }
0xb7: {  	_ =	sfence  }
0xb8: {  	s30 =	sld [smem:$0x0];
	_ =	sdelay $0x2  }
0xb9: {  	s31 =	sshll.u32 s1, $0xD;
	s1 =	sshrl.u32 s1, $0x2  }
0xba: {  	s3 =	sand.u32 $0x4000, s31;
	s1 =	sadd.s32 s1, s30  }
0xbb: {  	s0 =	sor.u32 s3, s0;
	s1 =	sshll.u32 s1, $0x11  }
0xbc: {  	s0 =	sor.u32 s1, s0  }
0xbd: {  	s0 =	sadd.s32 $0x8F2B, s0  }
0xbe: {  	[sflag:s0] =	ssyncadd.remote.s32 $0x1  }
0xbf: {  	_ =	sfence.sel $0xFFFF  }
0xc0: {  	[dreg:$0x0] =	wrdreg $0xFFFFFFFF;
	(pc) =	sbr.abs _section_cstart, $3  }
0xc1: {  	[dreg:$0x1] =	wrdreg $0xFFFFFFFF  }
0xc2: {  	_ =	task.clear_ibuf [dreg:s7], $0x2FFFF;
	_ =	strace $0x9FFFFFFF  }
0xc3: {  	(tm) =	ssettm $0x7FFFFFFF  }
tec
execute0_lowered:
.L_overlay_start_1:
0x0: {  	(tag) =	ssettag $0x1  }
0x1: {  	s2 =	rddreg [dreg:$0x0]  }
0x2: {  	s0 =	srdreg.scid;
	s4 =	rddreg [dreg:$0x1]  }
0x3: {  	s9 =	stileid.u32;
	s3 =	rddreg [dreg:$0x2];
	s7 =	simm.s32 $0x0  }
0x4: {  	s0 =	sand.u32 $0x1, s0;
	s5 =	sshll.u32 s9, $0x7;
	s6 =	sshrl.u32 s9, $0x3  }
0x5: {  	[smem:$0x7FF] =	sst s7;
	s22 =	smul.u32 $0x500, s9;
	s1 =	sshll.u32 s0, $0x4  }
0x6: {  	s6 =	smul.u32 $0x50000, s6;
	s11 =	ssub.s32 $0x2, s0;
	s0 =	sshll.u32 s0, $0x7  }
0x7: {  	s10 =	smul.u32 $0x5000, s9;
	s5 =	sand.u32 $0x380, s5;
	s0 =	sor.u32 s0, s22  }
0x8: {  	_ =	strace $0x80000047;
	s6 =	sshrl.u32 s6, $0x2;
	s0 =	sshrl.u32 s0, $0x3  }
0x9: {  	s7 =	sshrl.u32 s10, $0x2;
	s6 =	sadd.s32 s6, s3;
	s0 =	sadd.s32 s4, s0  }
0xa: {  	s3 =	sadd.s32 s7, s3;
	s12 =	sadd.s32 s5, s6;
	[dreg:$0x15] =	wrdreg s0  }
0xb: {  	s13 =	sadd.s32 $0x80, s3;
	[dreg:$0x5] =	wrdreg s12  }
0xc: {  	s14 =	sadd.s32 $0x100, s3;
	[dreg:$0x6] =	wrdreg s13  }
0xd: {  	s15 =	sadd.s32 $0x180, s3;
	[dreg:$0x7] =	wrdreg s14  }
0xe: {  	s16 =	sadd.s32 $0x200, s3;
	[dreg:$0x8] =	wrdreg s15  }
0xf: {  	s17 =	sadd.s32 $0x280, s3;
	[dreg:$0x9] =	wrdreg s16  }
0x10: {  	s18 =	sadd.s32 $0x300, s3;
	[dreg:$0xa] =	wrdreg s17  }
0x11: {  	s19 =	sadd.s32 $0x380, s3;
	[dreg:$0xb] =	wrdreg s18  }
0x12: {  	s20 =	sadd.s32 $0x14000, s3;
	[dreg:$0xc] =	wrdreg s19  }
0x13: {  	s21 =	sadd.s32 $0x14080, s3;
	[dreg:$0xd] =	wrdreg s20  }
0x14: {  	s23 =	sadd.s32 $0x14100, s3;
	[dreg:$0xe] =	wrdreg s21  }
0x15: {  	s24 =	sadd.s32 $0x14180, s3;
	[dreg:$0xf] =	wrdreg s23  }
0x16: {  	s25 =	sadd.s32 $0x14200, s3;
	[dreg:$0x10] =	wrdreg s24  }
0x17: {  	s26 =	sadd.s32 $0x14280, s3;
	[dreg:$0x11] =	wrdreg s25  }
0x18: {  	s6 =	sadd.s32 $0x14380, s3;
	[dreg:$0x12] =	wrdreg s26  }
0x19: {  	s1 =	sor.u32 s9, s1;
	s9 =	sadd.s32 $0x800, s3;
	[dreg:$0x14] =	wrdreg s6  }
0x1a: {  	s1 =	sshrl.u32 s1, $0x3;
	s10 =	sadd.s32 $0xC00, s3;
	[dreg:$0x18] =	wrdreg s9  }
0x1b: {  	s1 =	smul.u32 $0x15000, s1;
	s22 =	sadd.s32 $0xD80, s3;
	[dreg:$0x19] =	wrdreg s10  }
0x1c: {  	s4 =	sadd.s32 $0xA80, s3;
	[smem:$0x7E0] =	sst s22  }
0x1d: {  	s1 =	sor.u32 s5, s1;
	s5 =	sadd.s32 $0x14300, s3;
	[smem:$0x7E7] =	sst s4  }
0x1e: {  	s12 =	sadd.s32 $0x480, s3;
	[dreg:$0x13] =	wrdreg s5  }
0x1f: {  	s13 =	sadd.s32 $0x880, s3;
	[dreg:$0x1b] =	wrdreg s12  }
0x20: {  	s14 =	sadd.s32 $0xC80, s3;
	[dreg:$0x1c] =	wrdreg s13  }
0x21: {  	s15 =	sadd.s32 $0x1080, s3;
	[dreg:$0x1d] =	wrdreg s14  }
0x22: {  	s16 =	sadd.s32 $0x500, s3;
	[dreg:$0x1e] =	wrdreg s15  }
0x23: {  	s17 =	sadd.s32 $0x900, s3;
	[dreg:$0x1f] =	wrdreg s16  }
0x24: {  	s18 =	sadd.s32 $0xD00, s3;
	[smem:$0x7DB] =	sst s17  }
0x25: {  	s19 =	sadd.s32 $0x1100, s3;
	[smem:$0x7DC] =	sst s18  }
0x26: {  	s20 =	sadd.s32 $0x580, s3;
	[smem:$0x7DD] =	sst s19  }
0x27: {  	s21 =	sadd.s32 $0x980, s3;
	[smem:$0x7DE] =	sst s20  }
0x28: {  	s23 =	sadd.s32 $0x1180, s3;
	[smem:$0x7DF] =	sst s21  }
0x29: {  	s24 =	sadd.s32 $0x600, s3;
	[smem:$0x7E1] =	sst s23  }
0x2a: {  	s25 =	sadd.s32 $0xA00, s3;
	[smem:$0x7E2] =	sst s24  }
0x2b: {  	s26 =	sadd.s32 $0xE00, s3;
	[smem:$0x7E3] =	sst s25  }
0x2c: {  	s6 =	sadd.s32 $0x1280, s3;
	[smem:$0x7E4] =	sst s26  }
0x2d: {  	s9 =	sadd.s32 $0xF00, s3;
	[smem:$0x7E9] =	sst s6  }
0x2e: {  	s10 =	sadd.s32 $0x1300, s3;
	[smem:$0x7EC] =	sst s9  }
0x2f: {  	s22 =	sadd.s32 $0x15080, s3;
	[smem:$0x7ED] =	sst s10  }
0x30: {  	s5 =	sadd.s32 $0xE80, s3;
	[smem:$0x7F9] =	sst s22  }
0x31: {  	s12 =	sadd.s32 $0xB80, s3;
	[smem:$0x7E8] =	sst s5  }
0x32: {  	s13 =	sadd.s32 $0xF80, s3;
	[smem:$0x7EF] =	sst s12  }
0x33: {  	s28 =	simm.s32 $0x80;
	s14 =	sadd.s32 $0x1380, s3;
	[smem:$0x7F0] =	sst s13  }
0x34: {  	s29 =	simm.s32 $0x400;
	s15 =	sadd.s32 $0x14400, s3;
	[smem:$0x7F1] =	sst s14  }
0x35: {  	s30 =	simm.s32 $0x1;
	s16 =	sadd.s32 $0x14800, s3;
	[smem:$0x7F2] =	sst s15  }
0x36: {  	s31 =	simm.s32 $0x2A00;
	s17 =	sadd.s32 $0x14C00, s3;
	[smem:$0x7F3] =	sst s16  }
0x37: {  	s8 =	sshrl.u32 s11, $0x1;
	s18 =	sadd.s32 $0x15000, s3;
	[smem:$0x7F4] =	sst s17  }
0x38: {  	s1 =	sshrl.u32 s1, $0x3;
	s19 =	sadd.s32 $0x14480, s3;
	[smem:$0x7F5] =	sst s18  }
0x39: {  	s20 =	sadd.s32 $0x14880, s3;
	s21 =	sadd.s32 $0x14C80, s3;
	[smem:$0x7F6] =	sst s19  }
0x3a: {  	s23 =	sadd.s32 $0x14500, s3;
	s24 =	sadd.s32 $0x14900, s3;
	[smem:$0x7F7] =	sst s20  }
0x3b: {  	s25 =	sadd.s32 $0x14D00, s3;
	s26 =	sadd.s32 $0x15100, s3;
	[smem:$0x7F8] =	sst s21  }
0x3c: {  	s9 =	sadd.s32 $0x14D80, s3;
	s10 =	sadd.s32 $0x15180, s3;
	[smem:$0x7FA] =	sst s23  }
0x3d: {  	s22 =	sadd.s32 $0x15300, s3;
	s1 =	sadd.s32 s1, s2;
	[smem:$0x7FB] =	sst s24  }
0x3e: {  	s2 =	ssub.s32 s11, s8;
	s8 =	sadd.s32 $0x400, s3;
	[smem:$0x7FC] =	sst s25  }
0x3f: {  	s11 =	sadd.s32 $0x1000, s3;
	[smem:$0x7FD] =	sst s26;
	s12 =	sadd.s32 $0x14A00, s3  }
0x40: {  	s13 =	sadd.s32 $0x14E00, s3;
	s14 =	sadd.s32 $0x15200, s3;
	s15 =	sadd.s32 $0x14680, s3  }
0x41: {  	s16 =	sadd.s32 $0x14A80, s3;
	s17 =	sadd.s32 $0x14E80, s3;
	s18 =	sadd.s32 $0x15280, s3  }
0x42: {  	s19 =	sadd.s32 $0x14700, s3;
	s20 =	sadd.s32 $0x14B00, s3;
	[dreg:$0x17] =	wrdreg s8  }
0x43: {  	s21 =	sadd.s32 $0x14F00, s3;
	s1 =	sadd.s32 $0x1E00, s1;
	[dreg:$0x1a] =	wrdreg s11  }
0x44: {  	s23 =	sadd.s32 $0x14780, s3;
	s7 =	smax.u32 s2, $0x1;
	[dreg:$0x4] =	wrdreg s1  }
0x45: {  	s24 =	sadd.s32 $0x14B80, s3;
	s2 =	sadd.s32 $0x680, s3;
	[dreg:$0x16] =	wrdreg s7  }
0x46: {  	s25 =	sadd.s32 $0x14F80, s3;
	s8 =	sadd.s32 $0xB00, s3;
	[smem:$0x7E6] =	sst s2  }
0x47: {  	s26 =	sadd.s32 $0x15380, s3;
	s11 =	sadd.s32 $0x780, s3;
	[smem:$0x7EB] =	sst s8  }
0x48: {  	s1 =	sadd.s32 $0x1200, s3;
	s7 =	sadd.s32 $0x700, s3;
	[smem:$0x7EE] =	sst s11  }
0x49: {  	s8 =	sadd.s32 $0x14980, s3;
	s11 =	sadd.s32 $0x14600, s3;
	[smem:$0x7E5] =	sst s1  }
0x4a: {  	v0 =	vimm.f32 $0.0e+00;
	v1 =	vimm.f32 $1.000000000e+00;
	[smem:$0x7EA] =	sst s7;
	s7 =	sadd.s32 $0x14580, s3;
	s1 =	simm.s32 $0x0  }
.LBB2_1:
0x4b: {  	s0 =	simm.s32 $0x0;
	s2 =	rddreg [dreg:$0x4]  }
0x4c: {  	[tilespmem:s0], [sflag:$0x1] =	stream.strided.gather [hbm4b:s2+s28], $0x2A00, s29, s28, $0x38;
	[tilespmem:$0xA480] =	vst v63  }
0x4d: {  	_ =	swait.ge [sflag:s30], $0x2A00  }
0x4e: {  	[sflag:s30] =	ssyncset.done $0x0  }
0x4f: {  	s0 =	simm.s32 $0x0;
	[sflag:s30] =	ssyncadd.s32 $0xFFFFD600  }
.LBB2_2:
0x50: {  	p0 =	sne.s32 s0, $0x9FC0  }
.Ltmp0:
0x51: {  	_ = 	snop;
	(pc) =	sbr.rel @p0 .LBB2_2-.Ltmp0, $3  }
0x52: {  	_ =	sdelay $0x1  }
0x53: {  	s2 =	sshra.s32 s0, $0x2  }
0x54: {  	s0 =	sadd.s32 $0x40, s0;
	[tilespmem:s2+$0x2A00] =	vst v0  }
0x55: {  	s2 =	simm.s32 $0x0;
	s0 =	simm.s32 $0x40  }
.LBB2_4:
0x56: {  	p0 =	sne.s32 s0, $0xA7C0;
	v2 =	vld [tilespmem:s2+$0x0];
	_ =	sdelay $0x3  }
.Ltmp1:
0x57: {  	(pc) =	sbr.rel @p0 .LBB2_4-.Ltmp1, $2  }
0x58: {  	_ =	sdelay $0x2  }
0x59: {  	s2 =	sshra.s32 s0, $0x2;
	s0 =	sadd.s32 $0x40, s0;
	[tilespmem:v2+s31+$0x0] =	vst.idx.add.f32.msk $0xffff, v1  }
0x5a: {  	v2 =	vld [tilespmem:s2+$0x0];
	_ =	sdelay $0x7  }
0x5b: {  	s0 =	rddreg [dreg:$0x5];
	[tilespmem:v2+s31+$0x0] =	vst.idx.add.f32.msk $0xffff, v1  }
0x5c: {  	[spmem:s0] =	stream.strided.scatter [tilespmem:s31], [sflag:$0x1], $0x2800, s29, s28, $0x38;
	[tilespmem:$0xA480] =	vst v63  }
0x5d: {  	_ =	swait.ge [sflag:s30], $0x2800  }
0x5e: {  	[sflag:s30] =	ssyncset.done $0x0  }
0x5f: {  	[sflag:s30] =	ssyncadd.s32 $0xFFFFD800  }
0x60: {  	s4 =	simm.s32 $0x5200;
	[bflag:$0x0] =	sbarrier.arrive $0xFFFF  }
0x61: {  	[tilespmem:s4], [sflag:$0x1] =	stream.linear.gather [spmem:s3], $0x80, $0x38;
	[tilespmem:$0xA480] =	vst v63  }
0x62: {  	s6 =	simm.s32 $0x5600;
	s5 =	rddreg [dreg:$0x17]  }
0x63: {  	[tilespmem:s6], [sflag:$0x1] =	stream.linear.gather [spmem:s5], $0x80, $0x38;
	[tilespmem:$0xA480] =	vst v63  }
0x64: {  	s2 =	rddreg [dreg:$0x18];
	s4 =	simm.s32 $0x5A00  }
0x65: {  	[tilespmem:s4], [sflag:$0x1] =	stream.linear.gather [spmem:s2], $0x80, $0x38;
	[tilespmem:$0xA480] =	vst v63  }
0x66: {  	s5 =	rddreg [dreg:$0x19];
	s6 =	simm.s32 $0x5E00  }
0x67: {  	[tilespmem:s6], [sflag:$0x1] =	stream.linear.gather [spmem:s5], $0x80, $0x38;
	[tilespmem:$0xA480] =	vst v63  }
0x68: {  	s2 =	rddreg [dreg:$0x1a];
	s4 =	simm.s32 $0x6200  }
0x69: {  	[tilespmem:s4], [sflag:$0x1] =	stream.linear.gather [spmem:s2], $0x80, $0x38;
	[tilespmem:$0xA480] =	vst v63  }
0x6a: {  	_ =	swait.ge [sflag:s30], $0x280  }
0x6b: {  	[sflag:s30] =	ssyncset.done $0x0  }
0x6c: {  	s6 =	simm.s32 $0x5280;
	s5 =	rddreg [dreg:$0x6];
	[sflag:s30] =	ssyncadd.s32 $0xFFFFFD80  }
0x6d: {  	[tilespmem:s6], [sflag:$0x1] =	stream.linear.gather [spmem:s5], $0x80, $0x38;
	[tilespmem:$0xA480] =	vst v63  }
0x6e: {  	s4 =	simm.s32 $0x5680;
	s2 =	rddreg [dreg:$0x1b]  }
0x6f: {  	[tilespmem:s4], [sflag:$0x1] =	stream.linear.gather [spmem:s2], $0x80, $0x38;
	[tilespmem:$0xA480] =	vst v63  }
0x70: {  	s5 =	rddreg [dreg:$0x1c];
	s6 =	simm.s32 $0x5A80  }
0x71: {  	[tilespmem:s6], [sflag:$0x1] =	stream.linear.gather [spmem:s5], $0x80, $0x38;
	[tilespmem:$0xA480] =	vst v63  }
0x72: {  	s2 =	rddreg [dreg:$0x1d];
	s4 =	simm.s32 $0x5E80  }
0x73: {  	[tilespmem:s4], [sflag:$0x1] =	stream.linear.gather [spmem:s2], $0x80, $0x38;
	[tilespmem:$0xA480] =	vst v63  }
0x74: {  	s5 =	rddreg [dreg:$0x1e];
	s6 =	simm.s32 $0x6280  }
0x75: {  	[tilespmem:s6], [sflag:$0x1] =	stream.linear.gather [spmem:s5], $0x80, $0x38;
	[tilespmem:$0xA480] =	vst v63  }
0x76: {  	_ =	swait.ge [sflag:s30], $0x280  }
0x77: {  	[sflag:s30] =	ssyncset.done $0x0;
	s2 =	rddreg [dreg:$0x7]  }
0x78: {  	s4 =	simm.s32 $0x5300;
	s5 =	rddreg [dreg:$0x1f];
	[sflag:s30] =	ssyncadd.s32 $0xFFFFFD80  }
0x79: {  	[tilespmem:s4], [sflag:$0x1] =	stream.linear.gather [spmem:s2], $0x80, $0x38;
	[tilespmem:$0xA480] =	vst v63  }
0x7a: {  	s6 =	simm.s32 $0x5700;
	s2 =	sld [smem:$0x7DB]  }
0x7b: {  	[tilespmem:s6], [sflag:$0x1] =	stream.linear.gather [spmem:s5], $0x80, $0x38;
	[tilespmem:$0xA480] =	vst v63  }
0x7c: {  	s4 =	simm.s32 $0x5B00;
	s5 =	sld [smem:$0x7DC]  }
0x7d: {  	[tilespmem:s4], [sflag:$0x1] =	stream.linear.gather [spmem:s2], $0x80, $0x38;
	[tilespmem:$0xA480] =	vst v63  }
0x7e: {  	s6 =	simm.s32 $0x5F00;
	s2 =	sld [smem:$0x7DD]  }
0x7f: {  	[tilespmem:s6], [sflag:$0x1] =	stream.linear.gather [spmem:s5], $0x80, $0x38;
	[tilespmem:$0xA480] =	vst v63  }
0x80: {  	s4 =	simm.s32 $0x6300  }
0x81: {  	[tilespmem:s4], [sflag:$0x1] =	stream.linear.gather [spmem:s2], $0x80, $0x38;
	[tilespmem:$0xA480] =	vst v63  }
0x82: {  	_ =	swait.ge [sflag:s30], $0x280  }
0x83: {  	[sflag:s30] =	ssyncset.done $0x0;
	s5 =	rddreg [dreg:$0x8]  }
0x84: {  	s6 =	simm.s32 $0x5380;
	s2 =	sld [smem:$0x7DE];
	[sflag:s30] =	ssyncadd.s32 $0xFFFFFD80  }
0x85: {  	[tilespmem:s6], [sflag:$0x1] =	stream.linear.gather [spmem:s5], $0x80, $0x38;
	[tilespmem:$0xA480] =	vst v63  }
0x86: {  	s4 =	simm.s32 $0x5780;
	s5 =	sld [smem:$0x7DF]  }
0x87: {  	[tilespmem:s4], [sflag:$0x1] =	stream.linear.gather [spmem:s2], $0x80, $0x38;
	[tilespmem:$0xA480] =	vst v63  }
0x88: {  	s6 =	simm.s32 $0x5B80;
	s2 =	sld [smem:$0x7E0]  }
0x89: {  	[tilespmem:s6], [sflag:$0x1] =	stream.linear.gather [spmem:s5], $0x80, $0x38;
	[tilespmem:$0xA480] =	vst v63  }
0x8a: {  	s4 =	simm.s32 $0x5F80;
	s5 =	sld [smem:$0x7E1]  }
0x8b: {  	[tilespmem:s4], [sflag:$0x1] =	stream.linear.gather [spmem:s2], $0x80, $0x38;
	[tilespmem:$0xA480] =	vst v63  }
0x8c: {  	s6 =	simm.s32 $0x6380  }
0x8d: {  	[tilespmem:s6], [sflag:$0x1] =	stream.linear.gather [spmem:s5], $0x80, $0x38;
	[tilespmem:$0xA480] =	vst v63  }
0x8e: {  	_ =	swait.ge [sflag:s30], $0x280  }
0x8f: {  	[sflag:s30] =	ssyncset.done $0x0;
	s2 =	rddreg [dreg:$0x9]  }
0x90: {  	s4 =	simm.s32 $0x5400;
	s5 =	sld [smem:$0x7E2];
	[sflag:s30] =	ssyncadd.s32 $0xFFFFFD80  }
0x91: {  	[tilespmem:s4], [sflag:$0x1] =	stream.linear.gather [spmem:s2], $0x80, $0x38;
	[tilespmem:$0xA480] =	vst v63  }
0x92: {  	s6 =	simm.s32 $0x5800;
	s2 =	sld [smem:$0x7E3]  }
0x93: {  	[tilespmem:s6], [sflag:$0x1] =	stream.linear.gather [spmem:s5], $0x80, $0x38;
	[tilespmem:$0xA480] =	vst v63  }
0x94: {  	s4 =	simm.s32 $0x5C00;
	s5 =	sld [smem:$0x7E4]  }
0x95: {  	[tilespmem:s4], [sflag:$0x1] =	stream.linear.gather [spmem:s2], $0x80, $0x38;
	[tilespmem:$0xA480] =	vst v63  }
0x96: {  	s6 =	simm.s32 $0x6000;
	s2 =	sld [smem:$0x7E5]  }
0x97: {  	[tilespmem:s6], [sflag:$0x1] =	stream.linear.gather [spmem:s5], $0x80, $0x38;
	[tilespmem:$0xA480] =	vst v63  }
0x98: {  	s4 =	simm.s32 $0x6400  }
0x99: {  	[tilespmem:s4], [sflag:$0x1] =	stream.linear.gather [spmem:s2], $0x80, $0x38;
	[tilespmem:$0xA480] =	vst v63  }
0x9a: {  	_ =	swait.ge [sflag:s30], $0x280  }
0x9b: {  	[sflag:s30] =	ssyncset.done $0x0;
	s5 =	rddreg [dreg:$0xa]  }
0x9c: {  	s6 =	simm.s32 $0x5480;
	s2 =	sld [smem:$0x7E6];
	[sflag:s30] =	ssyncadd.s32 $0xFFFFFD80  }
0x9d: {  	[tilespmem:s6], [sflag:$0x1] =	stream.linear.gather [spmem:s5], $0x80, $0x38;
	[tilespmem:$0xA480] =	vst v63  }
0x9e: {  	s4 =	simm.s32 $0x5880;
	s5 =	sld [smem:$0x7E7]  }
0x9f: {  	[tilespmem:s4], [sflag:$0x1] =	stream.linear.gather [spmem:s2], $0x80, $0x38;
	[tilespmem:$0xA480] =	vst v63  }
0xa0: {  	s6 =	simm.s32 $0x5C80;
	s2 =	sld [smem:$0x7E8]  }
0xa1: {  	[tilespmem:s6], [sflag:$0x1] =	stream.linear.gather [spmem:s5], $0x80, $0x38;
	[tilespmem:$0xA480] =	vst v63  }
0xa2: {  	s4 =	simm.s32 $0x6080;
	s5 =	sld [smem:$0x7E9]  }
0xa3: {  	[tilespmem:s4], [sflag:$0x1] =	stream.linear.gather [spmem:s2], $0x80, $0x38;
	[tilespmem:$0xA480] =	vst v63  }
0xa4: {  	s6 =	simm.s32 $0x6480  }
0xa5: {  	[tilespmem:s6], [sflag:$0x1] =	stream.linear.gather [spmem:s5], $0x80, $0x38;
	[tilespmem:$0xA480] =	vst v63  }
0xa6: {  	_ =	swait.ge [sflag:s30], $0x280  }
0xa7: {  	[sflag:s30] =	ssyncset.done $0x0;
	s2 =	rddreg [dreg:$0xb]  }
0xa8: {  	s4 =	simm.s32 $0x5500;
	s5 =	sld [smem:$0x7EA];
	[sflag:s30] =	ssyncadd.s32 $0xFFFFFD80  }
0xa9: {  	[tilespmem:s4], [sflag:$0x1] =	stream.linear.gather [spmem:s2], $0x80, $0x38;
	[tilespmem:$0xA480] =	vst v63  }
0xaa: {  	s6 =	simm.s32 $0x5900;
	s2 =	sld [smem:$0x7EB]  }
0xab: {  	[tilespmem:s6], [sflag:$0x1] =	stream.linear.gather [spmem:s5], $0x80, $0x38;
	[tilespmem:$0xA480] =	vst v63  }
0xac: {  	s4 =	simm.s32 $0x5D00;
	s5 =	sld [smem:$0x7EC]  }
0xad: {  	[tilespmem:s4], [sflag:$0x1] =	stream.linear.gather [spmem:s2], $0x80, $0x38;
	[tilespmem:$0xA480] =	vst v63  }
0xae: {  	s6 =	simm.s32 $0x6100;
	s2 =	sld [smem:$0x7ED]  }
0xaf: {  	[tilespmem:s6], [sflag:$0x1] =	stream.linear.gather [spmem:s5], $0x80, $0x38;
	[tilespmem:$0xA480] =	vst v63  }
0xb0: {  	s4 =	simm.s32 $0x6500  }
0xb1: {  	[tilespmem:s4], [sflag:$0x1] =	stream.linear.gather [spmem:s2], $0x80, $0x38;
	[tilespmem:$0xA480] =	vst v63  }
0xb2: {  	_ =	swait.ge [sflag:s30], $0x280  }
0xb3: {  	[sflag:s30] =	ssyncset.done $0x0;
	s5 =	rddreg [dreg:$0xc]  }
0xb4: {  	s6 =	simm.s32 $0x5580;
	s2 =	sld [smem:$0x7EE];
	[sflag:s30] =	ssyncadd.s32 $0xFFFFFD80  }
0xb5: {  	[tilespmem:s6], [sflag:$0x1] =	stream.linear.gather [spmem:s5], $0x80, $0x38;
	[tilespmem:$0xA480] =	vst v63  }
0xb6: {  	s4 =	simm.s32 $0x5980;
	s5 =	sld [smem:$0x7EF]  }
0xb7: {  	[tilespmem:s4], [sflag:$0x1] =	stream.linear.gather [spmem:s2], $0x80, $0x38;
	[tilespmem:$0xA480] =	vst v63  }
0xb8: {  	s6 =	simm.s32 $0x5D80;
	s2 =	sld [smem:$0x7F0]  }
0xb9: {  	[tilespmem:s6], [sflag:$0x1] =	stream.linear.gather [spmem:s5], $0x80, $0x38;
	[tilespmem:$0xA480] =	vst v63  }
0xba: {  	s4 =	simm.s32 $0x6180;
	s5 =	sld [smem:$0x7F1]  }
0xbb: {  	[tilespmem:s4], [sflag:$0x1] =	stream.linear.gather [spmem:s2], $0x80, $0x38;
	[tilespmem:$0xA480] =	vst v63  }
0xbc: {  	s6 =	simm.s32 $0x6580  }
0xbd: {  	[tilespmem:s6], [sflag:$0x1] =	stream.linear.gather [spmem:s5], $0x80, $0x38;
	[tilespmem:$0xA480] =	vst v63  }
0xbe: {  	_ =	swait.ge [sflag:s30], $0x280  }
0xbf: {  	[sflag:s30] =	ssyncset.done $0x0;
	s2 =	rddreg [dreg:$0xd]  }
0xc0: {  	s4 =	simm.s32 $0x6600;
	s5 =	sld [smem:$0x7F2];
	[sflag:s30] =	ssyncadd.s32 $0xFFFFFD80  }
0xc1: {  	[tilespmem:s4], [sflag:$0x1] =	stream.linear.gather [spmem:s2], $0x80, $0x38;
	[tilespmem:$0xA480] =	vst v63  }
0xc2: {  	s6 =	simm.s32 $0x6A00;
	s2 =	sld [smem:$0x7F3]  }
0xc3: {  	[tilespmem:s6], [sflag:$0x1] =	stream.linear.gather [spmem:s5], $0x80, $0x38;
	[tilespmem:$0xA480] =	vst v63  }
0xc4: {  	s4 =	simm.s32 $0x6E00;
	s5 =	sld [smem:$0x7F4]  }
0xc5: {  	[tilespmem:s4], [sflag:$0x1] =	stream.linear.gather [spmem:s2], $0x80, $0x38;
	[tilespmem:$0xA480] =	vst v63  }
0xc6: {  	s6 =	simm.s32 $0x7200;
	s2 =	sld [smem:$0x7F5]  }
0xc7: {  	[tilespmem:s6], [sflag:$0x1] =	stream.linear.gather [spmem:s5], $0x80, $0x38;
	[tilespmem:$0xA480] =	vst v63  }
0xc8: {  	s4 =	simm.s32 $0x7600  }
0xc9: {  	[tilespmem:s4], [sflag:$0x1] =	stream.linear.gather [spmem:s2], $0x80, $0x38;
	[tilespmem:$0xA480] =	vst v63  }
0xca: {  	_ =	swait.ge [sflag:s30], $0x280  }
0xcb: {  	[sflag:s30] =	ssyncset.done $0x0;
	s5 =	rddreg [dreg:$0xe]  }
0xcc: {  	s6 =	simm.s32 $0x6680;
	s2 =	sld [smem:$0x7F6];
	[sflag:s30] =	ssyncadd.s32 $0xFFFFFD80  }
0xcd: {  	[tilespmem:s6], [sflag:$0x1] =	stream.linear.gather [spmem:s5], $0x80, $0x38;
	[tilespmem:$0xA480] =	vst v63  }
0xce: {  	s4 =	simm.s32 $0x6A80;
	s5 =	sld [smem:$0x7F7]  }
0xcf: {  	[tilespmem:s4], [sflag:$0x1] =	stream.linear.gather [spmem:s2], $0x80, $0x38;
	[tilespmem:$0xA480] =	vst v63  }
0xd0: {  	s6 =	simm.s32 $0x6E80;
	s2 =	sld [smem:$0x7F8]  }
0xd1: {  	[tilespmem:s6], [sflag:$0x1] =	stream.linear.gather [spmem:s5], $0x80, $0x38;
	[tilespmem:$0xA480] =	vst v63  }
0xd2: {  	s4 =	simm.s32 $0x7280;
	s5 =	sld [smem:$0x7F9]  }
0xd3: {  	[tilespmem:s4], [sflag:$0x1] =	stream.linear.gather [spmem:s2], $0x80, $0x38;
	[tilespmem:$0xA480] =	vst v63  }
0xd4: {  	s6 =	simm.s32 $0x7680  }
0xd5: {  	[tilespmem:s6], [sflag:$0x1] =	stream.linear.gather [spmem:s5], $0x80, $0x38;
	[tilespmem:$0xA480] =	vst v63  }
0xd6: {  	_ =	swait.ge [sflag:s30], $0x280  }
0xd7: {  	[sflag:s30] =	ssyncset.done $0x0;
	s2 =	rddreg [dreg:$0xf]  }
0xd8: {  	s4 =	simm.s32 $0x6700;
	s5 =	sld [smem:$0x7FA];
	[sflag:s30] =	ssyncadd.s32 $0xFFFFFD80  }
0xd9: {  	[tilespmem:s4], [sflag:$0x1] =	stream.linear.gather [spmem:s2], $0x80, $0x38;
	[tilespmem:$0xA480] =	vst v63  }
0xda: {  	s6 =	simm.s32 $0x6B00;
	s2 =	sld [smem:$0x7FB]  }
0xdb: {  	[tilespmem:s6], [sflag:$0x1] =	stream.linear.gather [spmem:s5], $0x80, $0x38;
	[tilespmem:$0xA480] =	vst v63  }
0xdc: {  	s4 =	simm.s32 $0x6F00;
	s5 =	sld [smem:$0x7FC]  }
0xdd: {  	[tilespmem:s4], [sflag:$0x1] =	stream.linear.gather [spmem:s2], $0x80, $0x38;
	[tilespmem:$0xA480] =	vst v63  }
0xde: {  	s6 =	simm.s32 $0x7300;
	s2 =	sld [smem:$0x7FD]  }
0xdf: {  	[tilespmem:s6], [sflag:$0x1] =	stream.linear.gather [spmem:s5], $0x80, $0x38;
	[tilespmem:$0xA480] =	vst v63  }
0xe0: {  	s4 =	simm.s32 $0x7700  }
0xe1: {  	[tilespmem:s4], [sflag:$0x1] =	stream.linear.gather [spmem:s2], $0x80, $0x38;
	[tilespmem:$0xA480] =	vst v63  }
0xe2: {  	_ =	swait.ge [sflag:s30], $0x280  }
0xe3: {  	[sflag:s30] =	ssyncset.done $0x0  }
0xe4: {  	s6 =	simm.s32 $0x6780;
	s5 =	rddreg [dreg:$0x10];
	[sflag:s30] =	ssyncadd.s32 $0xFFFFFD80  }
0xe5: {  	[tilespmem:s6], [sflag:$0x1] =	stream.linear.gather [spmem:s5], $0x80, $0x38;
	[tilespmem:$0xA480] =	vst v63  }
0xe6: {  	s2 =	simm.s32 $0x6B80  }
0xe7: {  	[tilespmem:s2], [sflag:$0x1] =	stream.linear.gather [spmem:s7], $0x80, $0x38;
	[tilespmem:$0xA480] =	vst v63  }
0xe8: {  	s4 =	simm.s32 $0x6F80  }
0xe9: {  	[tilespmem:s4], [sflag:$0x1] =	stream.linear.gather [spmem:s8], $0x80, $0x38;
	[tilespmem:$0xA480] =	vst v63  }
0xea: {  	s5 =	simm.s32 $0x7380  }
0xeb: {  	[tilespmem:s5], [sflag:$0x1] =	stream.linear.gather [spmem:s9], $0x80, $0x38;
	[tilespmem:$0xA480] =	vst v63  }
0xec: {  	s6 =	simm.s32 $0x7780  }
0xed: {  	[tilespmem:s6], [sflag:$0x1] =	stream.linear.gather [spmem:s10], $0x80, $0x38;
	[tilespmem:$0xA480] =	vst v63  }
0xee: {  	_ =	swait.ge [sflag:s30], $0x280  }
0xef: {  	[sflag:s30] =	ssyncset.done $0x0  }
0xf0: {  	s4 =	simm.s32 $0x6800;
	s2 =	rddreg [dreg:$0x11];
	[sflag:s30] =	ssyncadd.s32 $0xFFFFFD80  }
0xf1: {  	[tilespmem:s4], [sflag:$0x1] =	stream.linear.gather [spmem:s2], $0x80, $0x38;
	[tilespmem:$0xA480] =	vst v63  }
0xf2: {  	s5 =	simm.s32 $0x6C00  }
0xf3: {  	[tilespmem:s5], [sflag:$0x1] =	stream.linear.gather [spmem:s11], $0x80, $0x38;
	[tilespmem:$0xA480] =	vst v63  }
0xf4: {  	s6 =	simm.s32 $0x7000  }
0xf5: {  	[tilespmem:s6], [sflag:$0x1] =	stream.linear.gather [spmem:s12], $0x80, $0x38;
	[tilespmem:$0xA480] =	vst v63  }
0xf6: {  	s2 =	simm.s32 $0x7400  }
0xf7: {  	[tilespmem:s2], [sflag:$0x1] =	stream.linear.gather [spmem:s13], $0x80, $0x38;
	[tilespmem:$0xA480] =	vst v63  }
0xf8: {  	s4 =	simm.s32 $0x7800  }
0xf9: {  	[tilespmem:s4], [sflag:$0x1] =	stream.linear.gather [spmem:s14], $0x80, $0x38;
	[tilespmem:$0xA480] =	vst v63  }
0xfa: {  	_ =	swait.ge [sflag:s30], $0x280  }
0xfb: {  	[sflag:s30] =	ssyncset.done $0x0  }
0xfc: {  	s6 =	simm.s32 $0x6880;
	s5 =	rddreg [dreg:$0x12];
	[sflag:s30] =	ssyncadd.s32 $0xFFFFFD80  }
0xfd: {  	[tilespmem:s6], [sflag:$0x1] =	stream.linear.gather [spmem:s5], $0x80, $0x38;
	[tilespmem:$0xA480] =	vst v63  }
0xfe: {  	s2 =	simm.s32 $0x6C80  }
0xff: {  	[tilespmem:s2], [sflag:$0x1] =	stream.linear.gather [spmem:s15], $0x80, $0x38;
	[tilespmem:$0xA480] =	vst v63  }
0x100: {  	s4 =	simm.s32 $0x7080  }
0x101: {  	[tilespmem:s4], [sflag:$0x1] =	stream.linear.gather [spmem:s16], $0x80, $0x38;
	[tilespmem:$0xA480] =	vst v63  }
0x102: {  	s5 =	simm.s32 $0x7480  }
0x103: {  	[tilespmem:s5], [sflag:$0x1] =	stream.linear.gather [spmem:s17], $0x80, $0x38;
	[tilespmem:$0xA480] =	vst v63  }
0x104: {  	s6 =	simm.s32 $0x7880  }
0x105: {  	[tilespmem:s6], [sflag:$0x1] =	stream.linear.gather [spmem:s18], $0x80, $0x38;
	[tilespmem:$0xA480] =	vst v63  }
0x106: {  	_ =	swait.ge [sflag:s30], $0x280  }
0x107: {  	[sflag:s30] =	ssyncset.done $0x0  }
0x108: {  	s4 =	simm.s32 $0x6900;
	s2 =	rddreg [dreg:$0x13];
	[sflag:s30] =	ssyncadd.s32 $0xFFFFFD80  }
0x109: {  	[tilespmem:s4], [sflag:$0x1] =	stream.linear.gather [spmem:s2], $0x80, $0x38;
	[tilespmem:$0xA480] =	vst v63  }
0x10a: {  	s5 =	simm.s32 $0x6D00  }
0x10b: {  	[tilespmem:s5], [sflag:$0x1] =	stream.linear.gather [spmem:s19], $0x80, $0x38;
	[tilespmem:$0xA480] =	vst v63  }
0x10c: {  	s6 =	simm.s32 $0x7100  }
0x10d: {  	[tilespmem:s6], [sflag:$0x1] =	stream.linear.gather [spmem:s20], $0x80, $0x38;
	[tilespmem:$0xA480] =	vst v63  }
0x10e: {  	s2 =	simm.s32 $0x7500  }
0x10f: {  	[tilespmem:s2], [sflag:$0x1] =	stream.linear.gather [spmem:s21], $0x80, $0x38;
	[tilespmem:$0xA480] =	vst v63  }
0x110: {  	s4 =	simm.s32 $0x7900  }
0x111: {  	[tilespmem:s4], [sflag:$0x1] =	stream.linear.gather [spmem:s22], $0x80, $0x38;
	[tilespmem:$0xA480] =	vst v63  }
0x112: {  	_ =	swait.ge [sflag:s30], $0x280  }
0x113: {  	[sflag:s30] =	ssyncset.done $0x0  }
0x114: {  	s6 =	simm.s32 $0x6980;
	s5 =	rddreg [dreg:$0x14];
	[sflag:s30] =	ssyncadd.s32 $0xFFFFFD80  }
0x115: {  	[tilespmem:s6], [sflag:$0x1] =	stream.linear.gather [spmem:s5], $0x80, $0x38;
	[tilespmem:$0xA480] =	vst v63  }
0x116: {  	s4 =	simm.s32 $0x6D80  }
0x117: {  	[tilespmem:s4], [sflag:$0x1] =	stream.linear.gather [spmem:s23], $0x80, $0x38;
	[tilespmem:$0xA480] =	vst v63  }
0x118: {  	s5 =	simm.s32 $0x7180  }
0x119: {  	[tilespmem:s5], [sflag:$0x1] =	stream.linear.gather [spmem:s24], $0x80, $0x38;
	[tilespmem:$0xA480] =	vst v63  }
0x11a: {  	s6 =	simm.s32 $0x7580  }
0x11b: {  	[tilespmem:s6], [sflag:$0x1] =	stream.linear.gather [spmem:s25], $0x80, $0x38;
	[tilespmem:$0xA480] =	vst v63  }
0x11c: {  	s2 =	simm.s32 $0x7980  }
0x11d: {  	[tilespmem:s2], [sflag:$0x1] =	stream.linear.gather [spmem:s26], $0x80, $0x38;
	[tilespmem:$0xA480] =	vst v63  }
0x11e: {  	s4 =	simm.s32 $0x0;
	_ =	swait.ge [sflag:s30], $0x280  }
0x11f: {  	s0 =	sand.u32 $0x1C00, s4;
	s5 =	sand.u32 $0x70, s4;
	[sflag:s30] =	ssyncset.done $0x0  }
0x120: {  	s0 =	sor.u32 s5, s0;
	[sflag:s30] =	ssyncadd.s32 $0xFFFFFD80  }
0x121: {  	v2 =	vld [tilespmem:s0+$0x5280]  }
0x122: {  	v3 =	vld [tilespmem:s0+$0x5200];
	_ =	sdelay $0x1  }
0x123: {  	v4 =	vld [tilespmem:s0+$0x5300];
	_ =	sdelay $0x1  }
0x124: {  	v5 =	vld [tilespmem:s0+$0x5380]  }
0x125: {  	v2 =	vadd.f32 v2, v3  }
0x126: {  	v3 =	vld [tilespmem:s0+$0x5400]  }
0x127: {  	v2 =	vadd.f32 v4, v2  }
0x128: {  	v56 =	vld [tilespmem:s0+$0x5480]  }
0x129: {  	v2 =	vadd.f32 v5, v2  }
0x12a: {  	v57 =	vld [tilespmem:s0+$0x5500]  }
0x12b: {  	v2 =	vadd.f32 v3, v2  }
0x12c: {  	v3 =	vld [tilespmem:s0+$0x5580]  }
0x12d: {  	v2 =	vadd.f32 v56, v2  }
0x12e: {  	v58 =	vld [tilespmem:s0+$0x6600]  }
0x12f: {  	v2 =	vadd.f32 v57, v2  }
0x130: {  	v59 =	vld [tilespmem:s0+$0x6680]  }
0x131: {  	v2 =	vadd.f32 v3, v2  }
0x132: {  	v3 =	vld [tilespmem:s0+$0x6700]  }
0x133: {  	v2 =	vadd.f32 v58, v2  }
0x134: {  	v60 =	vld [tilespmem:s0+$0x6780]  }
0x135: {  	v2 =	vadd.f32 v59, v2  }
0x136: {  	v61 =	vld [tilespmem:s0+$0x6800]  }
0x137: {  	v2 =	vadd.f32 v3, v2  }
0x138: {  	v3 =	vld [tilespmem:s0+$0x6880]  }
0x139: {  	v2 =	vadd.f32 v60, v2  }
0x13a: {  	v62 =	vld [tilespmem:s0+$0x6900]  }
0x13b: {  	v2 =	vadd.f32 v61, v2  }
0x13c: {  	v63 =	vld [tilespmem:s0+$0x6980]  }
0x13d: {  	v2 =	vadd.f32 v3, v2;
	_ =	sdelay $0x1  }
0x13e: {  	v2 =	vadd.f32 v62, v2;
	_ =	sdelay $0x1  }
0x13f: {  	s4 =	simm.s32 $0x80;
	s6 =	simm.s32 $0x10;
	v2 =	vadd.f32 v63, v2  }
0x140: {  	s5 =	sand.u32 $0x1C00, s4;
	s2 =	sand.u32 $0x70, s6;
	s0 =	simm.s32 $0x7A00  }
0x141: {  	s2 =	sor.u32 s2, s5;
	s5 =	simm.s32 $0x20;
	[tilespmem:s0+$0x0] =	vst v2  }
.LBB2_6:
0x142: {  	p0 =	sne.s32 s5, $0x270;
	v2 =	vld [tilespmem:s2+$0x5280]  }
0x143: {  	v3 =	vld [tilespmem:s2+$0x5200];
	_ =	sdelay $0x1  }
0x144: {  	v4 =	vld [tilespmem:s2+$0x5300];
	_ =	sdelay $0x1  }
0x145: {  	v5 =	vld [tilespmem:s2+$0x5380]  }
0x146: {  	v2 =	vadd.f32 v2, v3  }
0x147: {  	v3 =	vld [tilespmem:s2+$0x5400]  }
0x148: {  	v2 =	vadd.f32 v4, v2  }
0x149: {  	v4 =	vld [tilespmem:s2+$0x5480]  }
0x14a: {  	v2 =	vadd.f32 v5, v2  }
0x14b: {  	v5 =	vld [tilespmem:s2+$0x5500]  }
0x14c: {  	v2 =	vadd.f32 v3, v2  }
0x14d: {  	v3 =	vld [tilespmem:s2+$0x5580]  }
0x14e: {  	v2 =	vadd.f32 v4, v2  }
0x14f: {  	v4 =	vld [tilespmem:s2+$0x6600]  }
0x150: {  	v2 =	vadd.f32 v5, v2  }
0x151: {  	v5 =	vld [tilespmem:s2+$0x6680]  }
0x152: {  	v2 =	vadd.f32 v3, v2  }
0x153: {  	v3 =	vld [tilespmem:s2+$0x6700]  }
0x154: {  	v2 =	vadd.f32 v4, v2  }
0x155: {  	v4 =	vld [tilespmem:s2+$0x6780]  }
0x156: {  	v2 =	vadd.f32 v5, v2  }
0x157: {  	v5 =	vld [tilespmem:s2+$0x6800]  }
0x158: {  	v2 =	vadd.f32 v3, v2  }
0x159: {  	v3 =	vld [tilespmem:s2+$0x6880]  }
0x15a: {  	v2 =	vadd.f32 v4, v2  }
0x15b: {  	v4 =	vld [tilespmem:s2+$0x6900]  }
0x15c: {  	v2 =	vadd.f32 v5, v2  }
0x15d: {  	v5 =	vld [tilespmem:s2+$0x6980]  }
0x15e: {  	v2 =	vadd.f32 v3, v2;
	_ =	sdelay $0x1  }
.Ltmp2:
0x15f: {  	v2 =	vadd.f32 v4, v2;
	(pc) =	sbr.rel @p0 .LBB2_6-.Ltmp2, $4  }
0x160: {  	_ = 	snop  }
0x161: {  	s4 =	sadd.s32 $0x80, s4;
	v2 =	vadd.f32 v5, v2  }
0x162: {  	s0 =	sadd.s32 $0x10, s0;
	s6 =	sand.u32 $0x1C00, s4;
	s2 =	sand.u32 $0x70, s5  }
0x163: {  	s5 =	sadd.s32 $0x10, s5;
	s2 =	sor.u32 s2, s6;
	[tilespmem:s0+$0x0] =	vst v2  }
0x164: {  	v2 =	vld [tilespmem:s2+$0x5280]  }
0x165: {  	v3 =	vld [tilespmem:s2+$0x5200];
	_ =	sdelay $0x1  }
0x166: {  	v4 =	vld [tilespmem:s2+$0x5300];
	_ =	sdelay $0x1  }
0x167: {  	v5 =	vld [tilespmem:s2+$0x5380]  }
0x168: {  	v2 =	vadd.f32 v2, v3  }
0x169: {  	v3 =	vld [tilespmem:s2+$0x5400]  }
0x16a: {  	v2 =	vadd.f32 v4, v2  }
0x16b: {  	v56 =	vld [tilespmem:s2+$0x5480]  }
0x16c: {  	v2 =	vadd.f32 v5, v2  }
0x16d: {  	v57 =	vld [tilespmem:s2+$0x5500]  }
0x16e: {  	v2 =	vadd.f32 v3, v2  }
0x16f: {  	v3 =	vld [tilespmem:s2+$0x5580]  }
0x170: {  	v2 =	vadd.f32 v56, v2  }
0x171: {  	v58 =	vld [tilespmem:s2+$0x6600]  }
0x172: {  	v2 =	vadd.f32 v57, v2  }
0x173: {  	v59 =	vld [tilespmem:s2+$0x6680]  }
0x174: {  	v2 =	vadd.f32 v3, v2  }
0x175: {  	v3 =	vld [tilespmem:s2+$0x6700]  }
0x176: {  	v2 =	vadd.f32 v58, v2  }
0x177: {  	v60 =	vld [tilespmem:s2+$0x6780]  }
0x178: {  	v2 =	vadd.f32 v59, v2  }
0x179: {  	v61 =	vld [tilespmem:s2+$0x6800]  }
0x17a: {  	v2 =	vadd.f32 v3, v2  }
0x17b: {  	v3 =	vld [tilespmem:s2+$0x6880]  }
0x17c: {  	v2 =	vadd.f32 v60, v2  }
0x17d: {  	v62 =	vld [tilespmem:s2+$0x6900]  }
0x17e: {  	v2 =	vadd.f32 v61, v2  }
0x17f: {  	v63 =	vld [tilespmem:s2+$0x6980]  }
0x180: {  	v2 =	vadd.f32 v3, v2;
	_ =	sdelay $0x1  }
0x181: {  	v2 =	vadd.f32 v62, v2;
	_ =	sdelay $0x1  }
0x182: {  	v2 =	vadd.f32 v63, v2  }
0x183: {  	s0 =	sadd.s32 $0x10, s0  }
0x184: {  	s5 =	simm.s32 $0x100;
	s4 =	simm.s32 $0x7A00;
	s2 =	rddreg [dreg:$0x15];
	[tilespmem:s0+$0x0] =	vst v2  }
0x185: {  	[hbm4b:s2+s28] =	stream.strided.scatter [tilespmem:s4], [sflag:$0x1], $0x280, s5, s28, $0x38;
	[tilespmem:$0xA480] =	vst v63  }
0x186: {  	_ =	swait.ge [sflag:s30], $0x280  }
0x187: {  	s1 =	sadd.s32 $0x1, s1;
	s6 =	rddreg [dreg:$0x16]  }
0x188: {  	p0 =	sne.s32 s1, s6  }
.Ltmp3:
0x189: {  	_ = 	snop;
	(pc) =	sbr.rel @p0 .LBB2_1-.Ltmp3, $3  }
0x18a: {  	_ =	sdelay $0x1  }
0x18b: {  	[sflag:s30] =	ssyncset.done $0x0  }
0x18c: {  	[sflag:s30] =	ssyncadd.s32 $0xFFFFFD80  }
0x18d: {  	_ =	sfence.sel $0x180000  }
0x18e: {  	[bflag:$0x0] =	sbarrier.arrive $0xFFFF  }
0x18f: {  	_ =	strace $0x90000047  }
0x190: {  	s0 =	stileid.u32;
	[bflag:$0x2] =	sbarrier.arrive $0xFFFF  }
0x191: {  	p0 =	sne.s32 s0, $0x0;
	s0 =	rddreg [dreg:$0x3]  }
0x192: {  	s0 =	sadd.s32 @!p0 $0x100000, s0  }
0x193: {  	[sflag:s0] =	ssyncadd.tile.s32 @!p0 $0x1;
	_ =	shalt  }
.Lfunc_end2:
_tile_overlayer_lowered:
.L_overlay_start_2:
0x194: {  	(tag) =	ssettag $0x2  }
0x195: {  	s0 =	rddreg [dreg:$0x0];
	s2 =	stileid.u32  }
0x196: {  	s1 =	rddreg [dreg:$0x1];
	p0 =	sne.s32 s2, $0x0  }
0x197: {  	s3 =	rddreg [dreg:$0x2];
	[bflag:$0x3] =	sbarrier.arrive $0xFFFF;
	s2 =	simm.s32 @!p0 $0x1C01  }
0x198: {  	[timem:s3], [sflag:s2] =	dma.local @!p0 [hbm:s0], s1  }
0x199: {  	s0 =	simm.s32 @!p0 $0x1  }
0x19a: {  	_ =	swait.ge @!p0 [sflag:s0], s1  }
0x19b: {  	s1 =	ssub.s32 @!p0 $0x0, s1;
	[sflag:s0] =	ssyncset.done @!p0 $0x0  }
0x19c: {  	[sflag:s0] =	ssyncadd.s32 @!p0 s1  }
0x19d: {  	[bflag:$0x3] =	sbarrier.arrive $0xFFFF  }
0x19e: {  	_ =	shalt  }

</sc_bundles>
